<compile_context>
chip_gen: v7x
topology: tpu7x:2x2x1
jax: 0.10.2.dev20260603
libtpu: 0.0.44.dev20260713+nightly
codegen_flags: <defaults>
</compile_context>

<pallas_src>
import jax
import jax.numpy as jnp
from jax import lax
from jax.experimental import pallas as pl
from jax.experimental.pallas import tpu as pltpu
from jax.experimental.pallas import tpu_sc as plsc

B, F, D = 64, 2048, 128
D3 = 3 * D
NV = D // 16
CH = 128
NW = 32
REP = B // NW
BIG = 3e38

_DNUMS = lax.GatherDimensionNumbers(
    offset_dims=(), collapsed_slice_dims=(0,), start_index_map=(0,))


def _lanes_fold(x, op):
    for sh in (1, 2, 4, 8):
        idx = jnp.bitwise_xor(lax.iota(jnp.int32, 16), sh)
        perm = lax.gather(x, idx[:, None], _DNUMS, (1,),
                          mode=lax.GatherScatterMode.PROMISE_IN_BOUNDS)
        x = op(x, perm)
    return x


def _sc_body(nb_hbm, q_hbm, fr_hbm, fa1_hbm, fa2_hbm, out_hbm,
             nb_v, q_v, fr_v, fa1_v, fa2_v, res_v, sems):
    wid = lax.axis_index("s") * 2 + lax.axis_index("c")
    pltpu.sync_copy(nb_hbm, nb_v.at[pl.ds(0, B)])

    for rep in range(REP):
        b = wid + rep * NW
        pltpu.sync_copy(q_hbm.at[b], q_v)
        n = nb_v[pl.ds(b, 16)][0]
        trips = (n + CH - 1) // CH

        q2 = [q_v[pl.ds(16 * i, 16)] * 2.0 for i in range(3 * NV)]
        nqv = jnp.zeros((16,), jnp.float32)
        for i in range(3 * NV):
            qv = q_v[pl.ds(16 * i, 16)]
            nqv = nqv + qv * qv
        nqs = _lanes_fold(nqv, jnp.add)

        def copies(c, slot):
            src = (fr_hbm, fa1_hbm, fa2_hbm)
            dst = (fr_v, fa1_v, fa2_v)
            return [
                pltpu.make_async_copy(
                    src[i].at[b, pl.ds(c * CH, CH)], dst[i].at[slot],
                    sems.at[i, slot])
                for i in range(3)
            ]

        def start(c, slot):
            for cp in copies(c, slot):
                cp.start()

        def wait(c, slot):
            for cp in copies(c, slot):
                cp.wait()

        start(0, 0)

        def chunk_body(c, smin):
            base = c * CH
            slot = jnp.bitwise_and(c, 1)

            @pl.when(c + 1 < trips)
            def _():
                start(c + 1, jnp.bitwise_and(c + 1, 1))

            wait(c, slot)

            def fact_body(f, smin2):
                bufs = (fr_v, fa1_v, fa2_v)
                accs = []
                for a in range(3):
                    a0 = jnp.zeros((16,), jnp.float32)
                    a1 = jnp.zeros((16,), jnp.float32)
                    for i in range(NV):
                        v = bufs[a][slot, f, pl.ds(16 * i, 16)]
                        t = v * (v - q2[a * NV + i])
                        if i % 2 == 0:
                            a0 = a0 + t
                        else:
                            a1 = a1 + t
                    accs.append(a0 + a1)
                s = _lanes_fold((accs[0] + accs[1]) + accs[2], jnp.add)
                invalid = (base + f >= n).astype(jnp.float32)
                s = s + invalid * BIG
                return jnp.minimum(smin2, s)

            return lax.fori_loop(0, CH, fact_body, smin)

        smin = lax.fori_loop(0, trips, chunk_body,
                             jnp.full((16,), BIG, jnp.float32))
        res_v[...] = jnp.exp(-0.5 * (smin + nqs))
        pltpu.sync_copy(res_v, out_hbm.at[b])


def kernel(rel, arg1, arg2, facts_rel, facts_arg1, facts_arg2, nb_facts):
    mesh = plsc.VectorSubcoreMesh(core_axis_name="c", subcore_axis_name="s")
    qcat = jnp.concatenate([rel, arg1, arg2], axis=1)

    f = pl.kernel(
        _sc_body,
        mesh=mesh,
        out_type=jax.ShapeDtypeStruct((B, 16), jnp.float32),
        scratch_types=[
            pltpu.VMEM((B + 16,), jnp.int32),
            pltpu.VMEM((D3,), jnp.float32),
            pltpu.VMEM((2, CH, D), jnp.float32),
            pltpu.VMEM((2, CH, D), jnp.float32),
            pltpu.VMEM((2, CH, D), jnp.float32),
            pltpu.VMEM((16,), jnp.float32),
            pltpu.SemaphoreType.DMA((3, 2)),
        ],
    )
    out = f(nb_facts, qcat, facts_rel, facts_arg1, facts_arg2)
    return out[:, 0]

# --- scband reference (transcript-rebuilt; emitter-appended) ---
"""Pipeline reference for scband-batch-neural-kb-81346680586349 (READ-ONLY COPY).

The authoritative reference and input builder live on the scoring server;
editing this copy changes nothing except your own understanding.
"""

import jax, jax.numpy as jnp
import numpy as np

B, F, D = 64, 2048, 128
SLOPE = 1.0


def setup_inputs(seed: int = 0) -> dict:
    key = jax.random.key(seed)
    ks = jax.random.split(key, 7)
    rel = jax.random.normal(ks[0], (B, D), dtype=jnp.float32)
    arg1 = jax.random.normal(ks[1], (B, D), dtype=jnp.float32)
    arg2 = jax.random.normal(ks[2], (B, D), dtype=jnp.float32)
    facts_rel = jax.random.normal(ks[3], (B, F, D), dtype=jnp.float32)
    facts_arg1 = jax.random.normal(ks[4], (B, F, D), dtype=jnp.float32)
    facts_arg2 = jax.random.normal(ks[5], (B, F, D), dtype=jnp.float32)
    nb_facts = jax.random.randint(ks[6], (B,), 1, F + 1, dtype=jnp.int32)
    return {
        'rel': rel, 'arg1': arg1, 'arg2': arg2,
        'facts_rel': facts_rel, 'facts_arg1': facts_arg1, 'facts_arg2': facts_arg2,
        'nb_facts': nb_facts,
    }


def _gaussian_kernel(x, y):
    # x: [B, 1, E], y: [B, F, E] -> [B, F]
    diff = x - y
    l2 = jnp.sum(diff * diff, axis=-1)
    return jnp.exp(-l2 / (2.0 * SLOPE * SLOPE))


def reference(rel, arg1, arg2, facts_rel, facts_arg1, facts_arg2, nb_facts):
    # facts_emb = torch.cat(facts, dim=2)
    facts_emb = jnp.concatenate([facts_rel, facts_arg1, facts_arg2], axis=2)  # [B, F, 3D]
    # batch_emb = torch.cat([rel, arg1, arg2], dim=1)
    batch_emb = jnp.concatenate([rel, arg1, arg2], axis=1)  # [B, 3D]
    # lookup: kernel scores masked by nb_facts
    scores = _gaussian_kernel(batch_emb[:, None, :], facts_emb)  # [B, F]
    fact_size = facts_emb.shape[1]
    mask = (jnp.arange(fact_size)[None, :] < nb_facts[:, None]).astype(scores.dtype)
    scores = scores * mask
    # res, _ = torch.max(batch_fact_scores, dim=1)
    res = jnp.max(scores, axis=1)
    return res

if __name__ == "__main__":
    import jax
    _d = setup_inputs()
    print(jax.jit(kernel)(*tuple(_d.values())))

</pallas_src>

<mosaic_0001>
#map = affine_map<(d0, d1) -> (0)>
#map1 = affine_map<(d0, d1) -> (0, 0)>
#map2 = affine_map<(d0, d1) -> (0, 0, 0)>
module attributes {stable_mosaic.version = 14 : i64} {
  func.func @_sc_body(%arg0: i32, %arg1: i32, %arg2: memref<64xi32, #tpu.memory_space<hbm>>, %arg3: memref<64x384xf32, #tpu.memory_space<hbm>>, %arg4: memref<64x2048x128xf32, #tpu.memory_space<hbm>>, %arg5: memref<64x2048x128xf32, #tpu.memory_space<hbm>>, %arg6: memref<64x2048x128xf32, #tpu.memory_space<hbm>>, %arg7: memref<64x16xf32, #tpu.memory_space<hbm>>, %arg8: memref<80xi32, #tpu.memory_space<vmem>>, %arg9: memref<384xf32, #tpu.memory_space<vmem>>, %arg10: memref<2x128x128xf32, #tpu.memory_space<vmem>>, %arg11: memref<2x128x128xf32, #tpu.memory_space<vmem>>, %arg12: memref<2x128x128xf32, #tpu.memory_space<vmem>>, %arg13: memref<16xf32, #tpu.memory_space<vmem>>, %arg14: memref<3x2x!tpu.dma_semaphore, #tpu.memory_space<semaphore_mem>>) attributes {dimension_semantics = [#tpu.dimension_semantics<core_parallel>, #tpu.dimension_semantics<subcore_parallel>], iteration_bounds = array<i64: 2, 16>, scalar_prefetch = 0 : i64, scratch_operands = 7 : i64, tpu.core_type = #tpu.core_type<sc_vector_subcore>, window_params = [{transform_indices = #map}, {transform_indices = #map1}, {transform_indices = #map2}, {transform_indices = #map2}, {transform_indices = #map2}, {transform_indices = #map1}]} {
    %mul3A = arith.constant 2 : i32
    %mul3A_0 = arith.muli %arg1, %mul3A : i32
    %add3A = arith.addi %mul3A_0, %arg0 : i32
    "tpu.region"() ({
      %run_scoped3A = tpu.sem_alloc : memref<!tpu.dma_semaphore, #tpu.memory_space<semaphore_mem>>
      %dma_start3A_818 = arith.constant 0 : i32
      %dma_start3A_819 = tpu.memref_slice %arg8[%dma_start3A_818] : memref<80xi32, #tpu.memory_space<vmem>> -> memref<64xi32, #tpu.memory_space<vmem>>
      %dma_start3A_820 = arith.constant 0 : i32
      %dma_start3A_821 = tpu.memref_slice %arg8[%dma_start3A_820] : memref<80xi32, #tpu.memory_space<vmem>> -> memref<64xi32, #tpu.memory_space<vmem>>
      tpu.enqueue_dma source(%arg2 : memref<64xi32, #tpu.memory_space<hbm>>) target(%dma_start3A_821 : memref<64xi32, #tpu.memory_space<vmem>>) target_semaphore(%run_scoped3A : memref<!tpu.dma_semaphore, #tpu.memory_space<semaphore_mem>>)
      %dma_wait3A = arith.constant 0 : i32
      %dma_wait3A_822 = tpu.memref_slice %arg8[%dma_wait3A] : memref<80xi32, #tpu.memory_space<vmem>> -> memref<64xi32, #tpu.memory_space<vmem>>
      %dma_wait3A_823 = arith.constant 0 : i32
      %dma_wait3A_824 = tpu.memref_slice %arg8[%dma_wait3A_823] : memref<80xi32, #tpu.memory_space<vmem>> -> memref<64xi32, #tpu.memory_space<vmem>>
      tpu.wait_dma2 semaphore(%run_scoped3A : memref<!tpu.dma_semaphore, #tpu.memory_space<semaphore_mem>>) src(%arg2 : memref<64xi32, #tpu.memory_space<hbm>>) dst(%dma_wait3A_824 : memref<64xi32, #tpu.memory_space<vmem>>)
      tpu.yield
    }) : () -> ()
    %add3A_1 = arith.constant 0 : i32
    %add3A_2 = arith.addi %add3A, %add3A_1 : i32
    "tpu.region"() ({
      %run_scoped3A = tpu.sem_alloc : memref<!tpu.dma_semaphore, #tpu.memory_space<semaphore_mem>>
      %dma_start3A_818 = arith.constant 0 : i32
      %dma_start3A_819 = tpu.memref_slice %arg3[%add3A_2, %dma_start3A_818] : memref<64x384xf32, #tpu.memory_space<hbm>> -> memref<1x384xf32, #tpu.memory_space<hbm>>
      %dma_start3A_820 = tpu.memref_squeeze %dma_start3A_819 : memref<1x384xf32, #tpu.memory_space<hbm>> -> memref<384xf32, #tpu.memory_space<hbm>>
      %dma_start3A_821 = arith.constant 0 : i32
      %dma_start3A_822 = tpu.memref_slice %arg3[%add3A_2, %dma_start3A_821] : memref<64x384xf32, #tpu.memory_space<hbm>> -> memref<1x384xf32, #tpu.memory_space<hbm>>
      %dma_start3A_823 = tpu.memref_squeeze %dma_start3A_822 : memref<1x384xf32, #tpu.memory_space<hbm>> -> memref<384xf32, #tpu.memory_space<hbm>>
      tpu.enqueue_dma source(%dma_start3A_823 : memref<384xf32, #tpu.memory_space<hbm>>) target(%arg9 : memref<384xf32, #tpu.memory_space<vmem>>) target_semaphore(%run_scoped3A : memref<!tpu.dma_semaphore, #tpu.memory_space<semaphore_mem>>)
      %dma_wait3A = arith.constant 0 : i32
      %dma_wait3A_824 = tpu.memref_slice %arg3[%add3A_2, %dma_wait3A] : memref<64x384xf32, #tpu.memory_space<hbm>> -> memref<1x384xf32, #tpu.memory_space<hbm>>
      %dma_wait3A_825 = tpu.memref_squeeze %dma_wait3A_824 : memref<1x384xf32, #tpu.memory_space<hbm>> -> memref<384xf32, #tpu.memory_space<hbm>>
      %dma_wait3A_826 = arith.constant 0 : i32
      %dma_wait3A_827 = tpu.memref_slice %arg3[%add3A_2, %dma_wait3A_826] : memref<64x384xf32, #tpu.memory_space<hbm>> -> memref<1x384xf32, #tpu.memory_space<hbm>>
      %dma_wait3A_828 = tpu.memref_squeeze %dma_wait3A_827 : memref<1x384xf32, #tpu.memory_space<hbm>> -> memref<384xf32, #tpu.memory_space<hbm>>
      tpu.wait_dma2 semaphore(%run_scoped3A : memref<!tpu.dma_semaphore, #tpu.memory_space<semaphore_mem>>) src(%dma_wait3A_828 : memref<384xf32, #tpu.memory_space<hbm>>) dst(%arg9 : memref<384xf32, #tpu.memory_space<vmem>>)
      tpu.yield
    }) : () -> ()
    %get3A = arith.index_cast %add3A_2 : i32 to index
    %get3A_3 = tpu.vector_load %arg8[%get3A] {strides = array<i32>} : memref<80xi32, #tpu.memory_space<vmem>>, vector<16xi32>,
    %get3A_4 = vector.shape_cast %get3A_3 : vector<16xi32> to vector<16xi32>
    %slice3A = vector.extract_strided_slice %get3A_4 {offsets = [0], sizes = [1], strides = [1]} : vector<16xi32> to vector<1xi32>
    %squeeze3A = vector.extract %slice3A[0] : i32 from vector<1xi32>
    %add3A_5 = arith.constant 128 : i32
    %add3A_6 = arith.addi %squeeze3A, %add3A_5 : i32
    %sub3A = arith.constant 1 : i32
    %sub3A_7 = arith.subi %add3A_6, %sub3A : i32
    %jit3A = arith.constant 128 : i32
    %div3A = arith.divsi %sub3A_7, %jit3A : i32
    %sign3A = arith.constant 0 : i32
    %sign3A_8 = arith.cmpi sgt, %sub3A_7, %sign3A : i32
    %sign3A_9 = arith.extui %sign3A_8 : i1 to i32
    %sign3A_10 = arith.constant 0 : i32
    %sign3A_11 = arith.cmpi slt, %sub3A_7, %sign3A_10 : i32
    %sign3A_12 = arith.extui %sign3A_11 : i1 to i32
    %sign3A_13 = arith.subi %sign3A_9, %sign3A_12 : i32
    %sign3A_14 = arith.constant 0 : i32
    %sign3A_15 = arith.cmpi sgt, %jit3A, %sign3A_14 : i32
    %sign3A_16 = arith.extui %sign3A_15 : i1 to i32
    %sign3A_17 = arith.constant 0 : i32
    %sign3A_18 = arith.cmpi slt, %jit3A, %sign3A_17 : i32
    %sign3A_19 = arith.extui %sign3A_18 : i1 to i32
    %sign3A_20 = arith.subi %sign3A_16, %sign3A_19 : i32
    %ne3A = arith.cmpi ne, %sign3A_13, %sign3A_20 : i32
    %rem3A = arith.remsi %sub3A_7, %jit3A : i32
    %ne3A_21 = arith.constant 0 : i32
    %ne3A_22 = arith.cmpi ne, %rem3A, %ne3A_21 : i32
    %and3A = arith.andi %ne3A, %ne3A_22 : i1
    %sub3A_23 = arith.constant 1 : i32
    %sub3A_24 = arith.subi %div3A, %sub3A_23 : i32
    %select_n3A = arith.select %and3A, %sub3A_24, %div3A : i32
    %get3A_25 = arith.constant 0 : index
    %get3A_26 = tpu.vector_load %arg9[%get3A_25] {strides = array<i32>} : memref<384xf32, #tpu.memory_space<vmem>>, vector<16xf32>,
    %get3A_27 = vector.shape_cast %get3A_26 : vector<16xf32> to vector<16xf32>
    %mul3A_28 = arith.constant 2.000000e+00 : f32
    %mul3A_29 = vector.broadcast %mul3A_28 : f32 to vector<16xf32>
    %mul3A_30 = arith.mulf %get3A_27, %mul3A_29 : vector<16xf32>
    %get3A_31 = arith.constant 16 : index
    %get3A_32 = tpu.vector_load %arg9[%get3A_31] {strides = array<i32>} : memref<384xf32, #tpu.memory_space<vmem>>, vector<16xf32>,
    %get3A_33 = vector.shape_cast %get3A_32 : vector<16xf32> to vector<16xf32>
    %mul3A_34 = arith.constant 2.000000e+00 : f32
    %mul3A_35 = vector.broadcast %mul3A_34 : f32 to vector<16xf32>
    %mul3A_36 = arith.mulf %get3A_33, %mul3A_35 : vector<16xf32>
    %get3A_37 = arith.constant 32 : index
    %get3A_38 = tpu.vector_load %arg9[%get3A_37] {strides = array<i32>} : memref<384xf32, #tpu.memory_space<vmem>>, vector<16xf32>,
    %get3A_39 = vector.shape_cast %get3A_38 : vector<16xf32> to vector<16xf32>
    %mul3A_40 = arith.constant 2.000000e+00 : f32
    %mul3A_41 = vector.broadcast %mul3A_40 : f32 to vector<16xf32>
    %mul3A_42 = arith.mulf %get3A_39, %mul3A_41 : vector<16xf32>
    %get3A_43 = arith.constant 48 : index
    %get3A_44 = tpu.vector_load %arg9[%get3A_43] {strides = array<i32>} : memref<384xf32, #tpu.memory_space<vmem>>, vector<16xf32>,
    %get3A_45 = vector.shape_cast %get3A_44 : vector<16xf32> to vector<16xf32>
    %mul3A_46 = arith.constant 2.000000e+00 : f32
    %mul3A_47 = vector.broadcast %mul3A_46 : f32 to vector<16xf32>
    %mul3A_48 = arith.mulf %get3A_45, %mul3A_47 : vector<16xf32>
    %get3A_49 = arith.constant 64 : index
    %get3A_50 = tpu.vector_load %arg9[%get3A_49] {strides = array<i32>} : memref<384xf32, #tpu.memory_space<vmem>>, vector<16xf32>,
    %get3A_51 = vector.shape_cast %get3A_50 : vector<16xf32> to vector<16xf32>
    %mul3A_52 = arith.constant 2.000000e+00 : f32
    %mul3A_53 = vector.broadcast %mul3A_52 : f32 to vector<16xf32>
    %mul3A_54 = arith.mulf %get3A_51, %mul3A_53 : vector<16xf32>
    %get3A_55 = arith.constant 80 : index
    %get3A_56 = tpu.vector_load %arg9[%get3A_55] {strides = array<i32>} : memref<384xf32, #tpu.memory_space<vmem>>, vector<16xf32>,
    %get3A_57 = vector.shape_cast %get3A_56 : vector<16xf32> to vector<16xf32>
    %mul3A_58 = arith.constant 2.000000e+00 : f32
    %mul3A_59 = vector.broadcast %mul3A_58 : f32 to vector<16xf32>
    %mul3A_60 = arith.mulf %get3A_57, %mul3A_59 : vector<16xf32>
    %get3A_61 = arith.constant 96 : index
    %get3A_62 = tpu.vector_load %arg9[%get3A_61] {strides = array<i32>} : memref<384xf32, #tpu.memory_space<vmem>>, vector<16xf32>,
    %get3A_63 = vector.shape_cast %get3A_62 : vector<16xf32> to vector<16xf32>
    %mul3A_64 = arith.constant 2.000000e+00 : f32
    %mul3A_65 = vector.broadcast %mul3A_64 : f32 to vector<16xf32>
    %mul3A_66 = arith.mulf %get3A_63, %mul3A_65 : vector<16xf32>
    %get3A_67 = arith.constant 112 : index
    %get3A_68 = tpu.vector_load %arg9[%get3A_67] {strides = array<i32>} : memref<384xf32, #tpu.memory_space<vmem>>, vector<16xf32>,
    %get3A_69 = vector.shape_cast %get3A_68 : vector<16xf32> to vector<16xf32>
    %mul3A_70 = arith.constant 2.000000e+00 : f32
    %mul3A_71 = vector.broadcast %mul3A_70 : f32 to vector<16xf32>
    %mul3A_72 = arith.mulf %get3A_69, %mul3A_71 : vector<16xf32>
    %get3A_73 = arith.constant 128 : index
    %get3A_74 = tpu.vector_load %arg9[%get3A_73] {strides = array<i32>} : memref<384xf32, #tpu.memory_space<vmem>>, vector<16xf32>,
    %get3A_75 = vector.shape_cast %get3A_74 : vector<16xf32> to vector<16xf32>
    %mul3A_76 = arith.constant 2.000000e+00 : f32
    %mul3A_77 = vector.broadcast %mul3A_76 : f32 to vector<16xf32>
    %mul3A_78 = arith.mulf %get3A_75, %mul3A_77 : vector<16xf32>
    %get3A_79 = arith.constant 144 : index
    %get3A_80 = tpu.vector_load %arg9[%get3A_79] {strides = array<i32>} : memref<384xf32, #tpu.memory_space<vmem>>, vector<16xf32>,
    %get3A_81 = vector.shape_cast %get3A_80 : vector<16xf32> to vector<16xf32>
    %mul3A_82 = arith.constant 2.000000e+00 : f32
    %mul3A_83 = vector.broadcast %mul3A_82 : f32 to vector<16xf32>
    %mul3A_84 = arith.mulf %get3A_81, %mul3A_83 : vector<16xf32>
    %get3A_85 = arith.constant 160 : index
    %get3A_86 = tpu.vector_load %arg9[%get3A_85] {strides = array<i32>} : memref<384xf32, #tpu.memory_space<vmem>>, vector<16xf32>,
    %get3A_87 = vector.shape_cast %get3A_86 : vector<16xf32> to vector<16xf32>
    %mul3A_88 = arith.constant 2.000000e+00 : f32
    %mul3A_89 = vector.broadcast %mul3A_88 : f32 to vector<16xf32>
    %mul3A_90 = arith.mulf %get3A_87, %mul3A_89 : vector<16xf32>
    %get3A_91 = arith.constant 176 : index
    %get3A_92 = tpu.vector_load %arg9[%get3A_91] {strides = array<i32>} : memref<384xf32, #tpu.memory_space<vmem>>, vector<16xf32>,
    %get3A_93 = vector.shape_cast %get3A_92 : vector<16xf32> to vector<16xf32>
    %mul3A_94 = arith.constant 2.000000e+00 : f32
    %mul3A_95 = vector.broadcast %mul3A_94 : f32 to vector<16xf32>
    %mul3A_96 = arith.mulf %get3A_93, %mul3A_95 : vector<16xf32>
    %get3A_97 = arith.constant 192 : index
    %get3A_98 = tpu.vector_load %arg9[%get3A_97] {strides = array<i32>} : memref<384xf32, #tpu.memory_space<vmem>>, vector<16xf32>,
    %get3A_99 = vector.shape_cast %get3A_98 : vector<16xf32> to vector<16xf32>
    %mul3A_100 = arith.constant 2.000000e+00 : f32
    %mul3A_101 = vector.broadcast %mul3A_100 : f32 to vector<16xf32>
    %mul3A_102 = arith.mulf %get3A_99, %mul3A_101 : vector<16xf32>
    %get3A_103 = arith.constant 208 : index
    %get3A_104 = tpu.vector_load %arg9[%get3A_103] {strides = array<i32>} : memref<384xf32, #tpu.memory_space<vmem>>, vector<16xf32>,
    %get3A_105 = vector.shape_cast %get3A_104 : vector<16xf32> to vector<16xf32>
    %mul3A_106 = arith.constant 2.000000e+00 : f32
    %mul3A_107 = vector.broadcast %mul3A_106 : f32 to vector<16xf32>
    %mul3A_108 = arith.mulf %get3A_105, %mul3A_107 : vector<16xf32>
    %get3A_109 = arith.constant 224 : index
    %get3A_110 = tpu.vector_load %arg9[%get3A_109] {strides = array<i32>} : memref<384xf32, #tpu.memory_space<vmem>>, vector<16xf32>,
    %get3A_111 = vector.shape_cast %get3A_110 : vector<16xf32> to vector<16xf32>
    %mul3A_112 = arith.constant 2.000000e+00 : f32
    %mul3A_113 = vector.broadcast %mul3A_112 : f32 to vector<16xf32>
    %mul3A_114 = arith.mulf %get3A_111, %mul3A_113 : vector<16xf32>
    %get3A_115 = arith.constant 240 : index
    %get3A_116 = tpu.vector_load %arg9[%get3A_115] {strides = array<i32>} : memref<384xf32, #tpu.memory_space<vmem>>, vector<16xf32>,
    %get3A_117 = vector.shape_cast %get3A_116 : vector<16xf32> to vector<16xf32>
    %mul3A_118 = arith.constant 2.000000e+00 : f32
    %mul3A_119 = vector.broadcast %mul3A_118 : f32 to vector<16xf32>
    %mul3A_120 = arith.mulf %get3A_117, %mul3A_119 : vector<16xf32>
    %get3A_121 = arith.constant 256 : index
    %get3A_122 = tpu.vector_load %arg9[%get3A_121] {strides = array<i32>} : memref<384xf32, #tpu.memory_space<vmem>>, vector<16xf32>,
    %get3A_123 = vector.shape_cast %get3A_122 : vector<16xf32> to vector<16xf32>
    %mul3A_124 = arith.constant 2.000000e+00 : f32
    %mul3A_125 = vector.broadcast %mul3A_124 : f32 to vector<16xf32>
    %mul3A_126 = arith.mulf %get3A_123, %mul3A_125 : vector<16xf32>
    %get3A_127 = arith.constant 272 : index
    %get3A_128 = tpu.vector_load %arg9[%get3A_127] {strides = array<i32>} : memref<384xf32, #tpu.memory_space<vmem>>, vector<16xf32>,
    %get3A_129 = vector.shape_cast %get3A_128 : vector<16xf32> to vector<16xf32>
    %mul3A_130 = arith.constant 2.000000e+00 : f32
    %mul3A_131 = vector.broadcast %mul3A_130 : f32 to vector<16xf32>
    %mul3A_132 = arith.mulf %get3A_129, %mul3A_131 : vector<16xf32>
    %get3A_133 = arith.constant 288 : index
    %get3A_134 = tpu.vector_load %arg9[%get3A_133] {strides = array<i32>} : memref<384xf32, #tpu.memory_space<vmem>>, vector<16xf32>,
    %get3A_135 = vector.shape_cast %get3A_134 : vector<16xf32> to vector<16xf32>
    %mul3A_136 = arith.constant 2.000000e+00 : f32
    %mul3A_137 = vector.broadcast %mul3A_136 : f32 to vector<16xf32>
    %mul3A_138 = arith.mulf %get3A_135, %mul3A_137 : vector<16xf32>
    %get3A_139 = arith.constant 304 : index
    %get3A_140 = tpu.vector_load %arg9[%get3A_139] {strides = array<i32>} : memref<384xf32, #tpu.memory_space<vmem>>, vector<16xf32>,
    %get3A_141 = vector.shape_cast %get3A_140 : vector<16xf32> to vector<16xf32>
    %mul3A_142 = arith.constant 2.000000e+00 : f32
    %mul3A_143 = vector.broadcast %mul3A_142 : f32 to vector<16xf32>
    %mul3A_144 = arith.mulf %get3A_141, %mul3A_143 : vector<16xf32>
    %get3A_145 = arith.constant 320 : index
    %get3A_146 = tpu.vector_load %arg9[%get3A_145] {strides = array<i32>} : memref<384xf32, #tpu.memory_space<vmem>>, vector<16xf32>,
    %get3A_147 = vector.shape_cast %get3A_146 : vector<16xf32> to vector<16xf32>
    %mul3A_148 = arith.constant 2.000000e+00 : f32
    %mul3A_149 = vector.broadcast %mul3A_148 : f32 to vector<16xf32>
    %mul3A_150 = arith.mulf %get3A_147, %mul3A_149 : vector<16xf32>
    %get3A_151 = arith.constant 336 : index
    %get3A_152 = tpu.vector_load %arg9[%get3A_151] {strides = array<i32>} : memref<384xf32, #tpu.memory_space<vmem>>, vector<16xf32>,
    %get3A_153 = vector.shape_cast %get3A_152 : vector<16xf32> to vector<16xf32>
    %mul3A_154 = arith.constant 2.000000e+00 : f32
    %mul3A_155 = vector.broadcast %mul3A_154 : f32 to vector<16xf32>
    %mul3A_156 = arith.mulf %get3A_153, %mul3A_155 : vector<16xf32>
    %get3A_157 = arith.constant 352 : index
    %get3A_158 = tpu.vector_load %arg9[%get3A_157] {strides = array<i32>} : memref<384xf32, #tpu.memory_space<vmem>>, vector<16xf32>,
    %get3A_159 = vector.shape_cast %get3A_158 : vector<16xf32> to vector<16xf32>
    %mul3A_160 = arith.constant 2.000000e+00 : f32
    %mul3A_161 = vector.broadcast %mul3A_160 : f32 to vector<16xf32>
    %mul3A_162 = arith.mulf %get3A_159, %mul3A_161 : vector<16xf32>
    %get3A_163 = arith.constant 368 : index
    %get3A_164 = tpu.vector_load %arg9[%get3A_163] {strides = array<i32>} : memref<384xf32, #tpu.memory_space<vmem>>, vector<16xf32>,
    %get3A_165 = vector.shape_cast %get3A_164 : vector<16xf32> to vector<16xf32>
    %mul3A_166 = arith.constant 2.000000e+00 : f32
    %mul3A_167 = vector.broadcast %mul3A_166 : f32 to vector<16xf32>
    %mul3A_168 = arith.mulf %get3A_165, %mul3A_167 : vector<16xf32>
    %broadcast_in_dim3A = arith.constant 0.000000e+00 : f32
    %broadcast_in_dim3A_169 = vector.broadcast %broadcast_in_dim3A : f32 to vector<16xf32>
    %get3A_170 = arith.constant 0 : index
    %get3A_171 = tpu.vector_load %arg9[%get3A_170] {strides = array<i32>} : memref<384xf32, #tpu.memory_space<vmem>>, vector<16xf32>,
    %get3A_172 = vector.shape_cast %get3A_171 : vector<16xf32> to vector<16xf32>
    %mul3A_173 = arith.mulf %get3A_172, %get3A_172 : vector<16xf32>
    %add3A_174 = arith.addf %broadcast_in_dim3A_169, %mul3A_173 : vector<16xf32>
    %get3A_175 = arith.constant 16 : index
    %get3A_176 = tpu.vector_load %arg9[%get3A_175] {strides = array<i32>} : memref<384xf32, #tpu.memory_space<vmem>>, vector<16xf32>,
    %get3A_177 = vector.shape_cast %get3A_176 : vector<16xf32> to vector<16xf32>
    %mul3A_178 = arith.mulf %get3A_177, %get3A_177 : vector<16xf32>
    %add3A_179 = arith.addf %add3A_174, %mul3A_178 : vector<16xf32>
    %get3A_180 = arith.constant 32 : index
    %get3A_181 = tpu.vector_load %arg9[%get3A_180] {strides = array<i32>} : memref<384xf32, #tpu.memory_space<vmem>>, vector<16xf32>,
    %get3A_182 = vector.shape_cast %get3A_181 : vector<16xf32> to vector<16xf32>
    %mul3A_183 = arith.mulf %get3A_182, %get3A_182 : vector<16xf32>
    %add3A_184 = arith.addf %add3A_179, %mul3A_183 : vector<16xf32>
    %get3A_185 = arith.constant 48 : index
    %get3A_186 = tpu.vector_load %arg9[%get3A_185] {strides = array<i32>} : memref<384xf32, #tpu.memory_space<vmem>>, vector<16xf32>,
    %get3A_187 = vector.shape_cast %get3A_186 : vector<16xf32> to vector<16xf32>
    %mul3A_188 = arith.mulf %get3A_187, %get3A_187 : vector<16xf32>
    %add3A_189 = arith.addf %add3A_184, %mul3A_188 : vector<16xf32>
    %get3A_190 = arith.constant 64 : index
    %get3A_191 = tpu.vector_load %arg9[%get3A_190] {strides = array<i32>} : memref<384xf32, #tpu.memory_space<vmem>>, vector<16xf32>,
    %get3A_192 = vector.shape_cast %get3A_191 : vector<16xf32> to vector<16xf32>
    %mul3A_193 = arith.mulf %get3A_192, %get3A_192 : vector<16xf32>
    %add3A_194 = arith.addf %add3A_189, %mul3A_193 : vector<16xf32>
    %get3A_195 = arith.constant 80 : index
    %get3A_196 = tpu.vector_load %arg9[%get3A_195] {strides = array<i32>} : memref<384xf32, #tpu.memory_space<vmem>>, vector<16xf32>,
    %get3A_197 = vector.shape_cast %get3A_196 : vector<16xf32> to vector<16xf32>
    %mul3A_198 = arith.mulf %get3A_197, %get3A_197 : vector<16xf32>
    %add3A_199 = arith.addf %add3A_194, %mul3A_198 : vector<16xf32>
    %get3A_200 = arith.constant 96 : index
    %get3A_201 = tpu.vector_load %arg9[%get3A_200] {strides = array<i32>} : memref<384xf32, #tpu.memory_space<vmem>>, vector<16xf32>,
    %get3A_202 = vector.shape_cast %get3A_201 : vector<16xf32> to vector<16xf32>
    %mul3A_203 = arith.mulf %get3A_202, %get3A_202 : vector<16xf32>
    %add3A_204 = arith.addf %add3A_199, %mul3A_203 : vector<16xf32>
    %get3A_205 = arith.constant 112 : index
    %get3A_206 = tpu.vector_load %arg9[%get3A_205] {strides = array<i32>} : memref<384xf32, #tpu.memory_space<vmem>>, vector<16xf32>,
    %get3A_207 = vector.shape_cast %get3A_206 : vector<16xf32> to vector<16xf32>
    %mul3A_208 = arith.mulf %get3A_207, %get3A_207 : vector<16xf32>
    %add3A_209 = arith.addf %add3A_204, %mul3A_208 : vector<16xf32>
    %get3A_210 = arith.constant 128 : index
    %get3A_211 = tpu.vector_load %arg9[%get3A_210] {strides = array<i32>} : memref<384xf32, #tpu.memory_space<vmem>>, vector<16xf32>,
    %get3A_212 = vector.shape_cast %get3A_211 : vector<16xf32> to vector<16xf32>
    %mul3A_213 = arith.mulf %get3A_212, %get3A_212 : vector<16xf32>
    %add3A_214 = arith.addf %add3A_209, %mul3A_213 : vector<16xf32>
    %get3A_215 = arith.constant 144 : index
    %get3A_216 = tpu.vector_load %arg9[%get3A_215] {strides = array<i32>} : memref<384xf32, #tpu.memory_space<vmem>>, vector<16xf32>,
    %get3A_217 = vector.shape_cast %get3A_216 : vector<16xf32> to vector<16xf32>
    %mul3A_218 = arith.mulf %get3A_217, %get3A_217 : vector<16xf32>
    %add3A_219 = arith.addf %add3A_214, %mul3A_218 : vector<16xf32>
    %get3A_220 = arith.constant 160 : index
    %get3A_221 = tpu.vector_load %arg9[%get3A_220] {strides = array<i32>} : memref<384xf32, #tpu.memory_space<vmem>>, vector<16xf32>,
    %get3A_222 = vector.shape_cast %get3A_221 : vector<16xf32> to vector<16xf32>
    %mul3A_223 = arith.mulf %get3A_222, %get3A_222 : vector<16xf32>
    %add3A_224 = arith.addf %add3A_219, %mul3A_223 : vector<16xf32>
    %get3A_225 = arith.constant 176 : index
    %get3A_226 = tpu.vector_load %arg9[%get3A_225] {strides = array<i32>} : memref<384xf32, #tpu.memory_space<vmem>>, vector<16xf32>,
    %get3A_227 = vector.shape_cast %get3A_226 : vector<16xf32> to vector<16xf32>
    %mul3A_228 = arith.mulf %get3A_227, %get3A_227 : vector<16xf32>
    %add3A_229 = arith.addf %add3A_224, %mul3A_228 : vector<16xf32>
    %get3A_230 = arith.constant 192 : index
    %get3A_231 = tpu.vector_load %arg9[%get3A_230] {strides = array<i32>} : memref<384xf32, #tpu.memory_space<vmem>>, vector<16xf32>,
    %get3A_232 = vector.shape_cast %get3A_231 : vector<16xf32> to vector<16xf32>
    %mul3A_233 = arith.mulf %get3A_232, %get3A_232 : vector<16xf32>
    %add3A_234 = arith.addf %add3A_229, %mul3A_233 : vector<16xf32>
    %get3A_235 = arith.constant 208 : index
    %get3A_236 = tpu.vector_load %arg9[%get3A_235] {strides = array<i32>} : memref<384xf32, #tpu.memory_space<vmem>>, vector<16xf32>,
    %get3A_237 = vector.shape_cast %get3A_236 : vector<16xf32> to vector<16xf32>
    %mul3A_238 = arith.mulf %get3A_237, %get3A_237 : vector<16xf32>
    %add3A_239 = arith.addf %add3A_234, %mul3A_238 : vector<16xf32>
    %get3A_240 = arith.constant 224 : index
    %get3A_241 = tpu.vector_load %arg9[%get3A_240] {strides = array<i32>} : memref<384xf32, #tpu.memory_space<vmem>>, vector<16xf32>,
    %get3A_242 = vector.shape_cast %get3A_241 : vector<16xf32> to vector<16xf32>
    %mul3A_243 = arith.mulf %get3A_242, %get3A_242 : vector<16xf32>
    %add3A_244 = arith.addf %add3A_239, %mul3A_243 : vector<16xf32>
    %get3A_245 = arith.constant 240 : index
    %get3A_246 = tpu.vector_load %arg9[%get3A_245] {strides = array<i32>} : memref<384xf32, #tpu.memory_space<vmem>>, vector<16xf32>,
    %get3A_247 = vector.shape_cast %get3A_246 : vector<16xf32> to vector<16xf32>
    %mul3A_248 = arith.mulf %get3A_247, %get3A_247 : vector<16xf32>
    %add3A_249 = arith.addf %add3A_244, %mul3A_248 : vector<16xf32>
    %get3A_250 = arith.constant 256 : index
    %get3A_251 = tpu.vector_load %arg9[%get3A_250] {strides = array<i32>} : memref<384xf32, #tpu.memory_space<vmem>>, vector<16xf32>,
    %get3A_252 = vector.shape_cast %get3A_251 : vector<16xf32> to vector<16xf32>
    %mul3A_253 = arith.mulf %get3A_252, %get3A_252 : vector<16xf32>
    %add3A_254 = arith.addf %add3A_249, %mul3A_253 : vector<16xf32>
    %get3A_255 = arith.constant 272 : index
    %get3A_256 = tpu.vector_load %arg9[%get3A_255] {strides = array<i32>} : memref<384xf32, #tpu.memory_space<vmem>>, vector<16xf32>,
    %get3A_257 = vector.shape_cast %get3A_256 : vector<16xf32> to vector<16xf32>
    %mul3A_258 = arith.mulf %get3A_257, %get3A_257 : vector<16xf32>
    %add3A_259 = arith.addf %add3A_254, %mul3A_258 : vector<16xf32>
    %get3A_260 = arith.constant 288 : index
    %get3A_261 = tpu.vector_load %arg9[%get3A_260] {strides = array<i32>} : memref<384xf32, #tpu.memory_space<vmem>>, vector<16xf32>,
    %get3A_262 = vector.shape_cast %get3A_261 : vector<16xf32> to vector<16xf32>
    %mul3A_263 = arith.mulf %get3A_262, %get3A_262 : vector<16xf32>
    %add3A_264 = arith.addf %add3A_259, %mul3A_263 : vector<16xf32>
    %get3A_265 = arith.constant 304 : index
    %get3A_266 = tpu.vector_load %arg9[%get3A_265] {strides = array<i32>} : memref<384xf32, #tpu.memory_space<vmem>>, vector<16xf32>,
    %get3A_267 = vector.shape_cast %get3A_266 : vector<16xf32> to vector<16xf32>
    %mul3A_268 = arith.mulf %get3A_267, %get3A_267 : vector<16xf32>
    %add3A_269 = arith.addf %add3A_264, %mul3A_268 : vector<16xf32>
    %get3A_270 = arith.constant 320 : index
    %get3A_271 = tpu.vector_load %arg9[%get3A_270] {strides = array<i32>} : memref<384xf32, #tpu.memory_space<vmem>>, vector<16xf32>,
    %get3A_272 = vector.shape_cast %get3A_271 : vector<16xf32> to vector<16xf32>
    %mul3A_273 = arith.mulf %get3A_272, %get3A_272 : vector<16xf32>
    %add3A_274 = arith.addf %add3A_269, %mul3A_273 : vector<16xf32>
    %get3A_275 = arith.constant 336 : index
    %get3A_276 = tpu.vector_load %arg9[%get3A_275] {strides = array<i32>} : memref<384xf32, #tpu.memory_space<vmem>>, vector<16xf32>,
    %get3A_277 = vector.shape_cast %get3A_276 : vector<16xf32> to vector<16xf32>
    %mul3A_278 = arith.mulf %get3A_277, %get3A_277 : vector<16xf32>
    %add3A_279 = arith.addf %add3A_274, %mul3A_278 : vector<16xf32>
    %get3A_280 = arith.constant 352 : index
    %get3A_281 = tpu.vector_load %arg9[%get3A_280] {strides = array<i32>} : memref<384xf32, #tpu.memory_space<vmem>>, vector<16xf32>,
    %get3A_282 = vector.shape_cast %get3A_281 : vector<16xf32> to vector<16xf32>
    %mul3A_283 = arith.mulf %get3A_282, %get3A_282 : vector<16xf32>
    %add3A_284 = arith.addf %add3A_279, %mul3A_283 : vector<16xf32>
    %get3A_285 = arith.constant 368 : index
    %get3A_286 = tpu.vector_load %arg9[%get3A_285] {strides = array<i32>} : memref<384xf32, #tpu.memory_space<vmem>>, vector<16xf32>,
    %get3A_287 = vector.shape_cast %get3A_286 : vector<16xf32> to vector<16xf32>
    %mul3A_288 = arith.mulf %get3A_287, %get3A_287 : vector<16xf32>
    %add3A_289 = arith.addf %add3A_284, %mul3A_288 : vector<16xf32>
    %iota3A = tpu.iota {dimensions = array<i32: 0>} : vector<16xi32>
    %xor3A = arith.constant 1 : i32
    %xor3A_290 = vector.broadcast %xor3A : i32 to vector<16xi32>
    %xor3A_291 = arith.xori %iota3A, %xor3A_290 : vector<16xi32>
    %broadcast_in_dim3A_292 = vector.shape_cast %xor3A_291 : vector<16xi32> to vector<16x1xi32>
    %gather3A = vector.shape_cast %broadcast_in_dim3A_292 : vector<16x1xi32> to vector<16xi32>
    %gather3A_293 = tpu.dynamic_gather %add3A_289[%gather3A] in [0] : vector<16xf32>, vector<16xi32> -> vector<16xf32>
    %add3A_294 = arith.addf %add3A_289, %gather3A_293 : vector<16xf32>
    %iota3A_295 = tpu.iota {dimensions = array<i32: 0>} : vector<16xi32>
    %xor3A_296 = arith.constant 2 : i32
    %xor3A_297 = vector.broadcast %xor3A_296 : i32 to vector<16xi32>
    %xor3A_298 = arith.xori %iota3A_295, %xor3A_297 : vector<16xi32>
    %broadcast_in_dim3A_299 = vector.shape_cast %xor3A_298 : vector<16xi32> to vector<16x1xi32>
    %gather3A_300 = vector.shape_cast %broadcast_in_dim3A_299 : vector<16x1xi32> to vector<16xi32>
    %gather3A_301 = tpu.dynamic_gather %add3A_294[%gather3A_300] in [0] : vector<16xf32>, vector<16xi32> -> vector<16xf32>
    %add3A_302 = arith.addf %add3A_294, %gather3A_301 : vector<16xf32>
    %iota3A_303 = tpu.iota {dimensions = array<i32: 0>} : vector<16xi32>
    %xor3A_304 = arith.constant 4 : i32
    %xor3A_305 = vector.broadcast %xor3A_304 : i32 to vector<16xi32>
    %xor3A_306 = arith.xori %iota3A_303, %xor3A_305 : vector<16xi32>
    %broadcast_in_dim3A_307 = vector.shape_cast %xor3A_306 : vector<16xi32> to vector<16x1xi32>
    %gather3A_308 = vector.shape_cast %broadcast_in_dim3A_307 : vector<16x1xi32> to vector<16xi32>
    %gather3A_309 = tpu.dynamic_gather %add3A_302[%gather3A_308] in [0] : vector<16xf32>, vector<16xi32> -> vector<16xf32>
    %add3A_310 = arith.addf %add3A_302, %gather3A_309 : vector<16xf32>
    %iota3A_311 = tpu.iota {dimensions = array<i32: 0>} : vector<16xi32>
    %xor3A_312 = arith.constant 8 : i32
    %xor3A_313 = vector.broadcast %xor3A_312 : i32 to vector<16xi32>
    %xor3A_314 = arith.xori %iota3A_311, %xor3A_313 : vector<16xi32>
    %broadcast_in_dim3A_315 = vector.shape_cast %xor3A_314 : vector<16xi32> to vector<16x1xi32>
    %gather3A_316 = vector.shape_cast %broadcast_in_dim3A_315 : vector<16x1xi32> to vector<16xi32>
    %gather3A_317 = tpu.dynamic_gather %add3A_310[%gather3A_316] in [0] : vector<16xf32>, vector<16xi32> -> vector<16xf32>
    %add3A_318 = arith.addf %add3A_310, %gather3A_317 : vector<16xf32>
    %dma_start3A = arith.constant 0 : i32
    %dma_start3A_319 = arith.constant 0 : i32
    %dma_start3A_320 = arith.constant 0 : i32
    %dma_start3A_321 = arith.constant 0 : i32
    %dma_start3A_322 = arith.constant 0 : i32
    %dma_start3A_323 = tpu.memref_slice %arg10[%dma_start3A, %dma_start3A_321, %dma_start3A_322] : memref<2x128x128xf32, #tpu.memory_space<vmem>> -> memref<1x128x128xf32, #tpu.memory_space<vmem>>
    %dma_start3A_324 = tpu.memref_squeeze %dma_start3A_323 : memref<1x128x128xf32, #tpu.memory_space<vmem>> -> memref<128x128xf32, #tpu.memory_space<vmem>>
    %dma_start3A_325 = arith.constant 0 : i32
    %dma_start3A_326 = arith.constant 0 : i32
    %dma_start3A_327 = tpu.memref_slice %arg4[%add3A_2, %dma_start3A_325, %dma_start3A_326] : memref<64x2048x128xf32, #tpu.memory_space<hbm>> -> memref<1x128x128xf32, #tpu.memory_space<hbm>>
    %dma_start3A_328 = tpu.memref_squeeze %dma_start3A_327 : memref<1x128x128xf32, #tpu.memory_space<hbm>> -> memref<128x128xf32, #tpu.memory_space<hbm>>
    %dma_start3A_329 = tpu.memref_slice %arg14[%dma_start3A_319, %dma_start3A_320] : memref<3x2x!tpu.dma_semaphore, #tpu.memory_space<semaphore_mem>> -> memref<1x1x!tpu.dma_semaphore, #tpu.memory_space<semaphore_mem>>
    %dma_start3A_330 = tpu.memref_squeeze %dma_start3A_329 : memref<1x1x!tpu.dma_semaphore, #tpu.memory_space<semaphore_mem>> -> memref<!tpu.dma_semaphore, #tpu.memory_space<semaphore_mem>>
    %dma_start3A_331 = arith.constant 0 : i32
    %dma_start3A_332 = arith.constant 0 : i32
    %dma_start3A_333 = tpu.memref_slice %arg10[%dma_start3A, %dma_start3A_331, %dma_start3A_332] : memref<2x128x128xf32, #tpu.memory_space<vmem>> -> memref<1x128x128xf32, #tpu.memory_space<vmem>>
    %dma_start3A_334 = tpu.memref_squeeze %dma_start3A_333 : memref<1x128x128xf32, #tpu.memory_space<vmem>> -> memref<128x128xf32, #tpu.memory_space<vmem>>
    %dma_start3A_335 = arith.constant 0 : i32
    %dma_start3A_336 = arith.constant 0 : i32
    %dma_start3A_337 = tpu.memref_slice %arg4[%add3A_2, %dma_start3A_335, %dma_start3A_336] : memref<64x2048x128xf32, #tpu.memory_space<hbm>> -> memref<1x128x128xf32, #tpu.memory_space<hbm>>
    %dma_start3A_338 = tpu.memref_squeeze %dma_start3A_337 : memref<1x128x128xf32, #tpu.memory_space<hbm>> -> memref<128x128xf32, #tpu.memory_space<hbm>>
    tpu.enqueue_dma source(%dma_start3A_338 : memref<128x128xf32, #tpu.memory_space<hbm>>) target(%dma_start3A_334 : memref<128x128xf32, #tpu.memory_space<vmem>>) target_semaphore(%dma_start3A_330 : memref<!tpu.dma_semaphore, #tpu.memory_space<semaphore_mem>>)
    %dma_start3A_339 = arith.constant 0 : i32
    %dma_start3A_340 = arith.constant 1 : i32
    %dma_start3A_341 = arith.constant 0 : i32
    %dma_start3A_342 = arith.constant 0 : i32
    %dma_start3A_343 = arith.constant 0 : i32
    %dma_start3A_344 = tpu.memref_slice %arg11[%dma_start3A_339, %dma_start3A_342, %dma_start3A_343] : memref<2x128x128xf32, #tpu.memory_space<vmem>> -> memref<1x128x128xf32, #tpu.memory_space<vmem>>
    %dma_start3A_345 = tpu.memref_squeeze %dma_start3A_344 : memref<1x128x128xf32, #tpu.memory_space<vmem>> -> memref<128x128xf32, #tpu.memory_space<vmem>>
    %dma_start3A_346 = arith.constant 0 : i32
    %dma_start3A_347 = arith.constant 0 : i32
    %dma_start3A_348 = tpu.memref_slice %arg5[%add3A_2, %dma_start3A_346, %dma_start3A_347] : memref<64x2048x128xf32, #tpu.memory_space<hbm>> -> memref<1x128x128xf32, #tpu.memory_space<hbm>>
    %dma_start3A_349 = tpu.memref_squeeze %dma_start3A_348 : memref<1x128x128xf32, #tpu.memory_space<hbm>> -> memref<128x128xf32, #tpu.memory_space<hbm>>
    %dma_start3A_350 = tpu.memref_slice %arg14[%dma_start3A_340, %dma_start3A_341] : memref<3x2x!tpu.dma_semaphore, #tpu.memory_space<semaphore_mem>> -> memref<1x1x!tpu.dma_semaphore, #tpu.memory_space<semaphore_mem>>
    %dma_start3A_351 = tpu.memref_squeeze %dma_start3A_350 : memref<1x1x!tpu.dma_semaphore, #tpu.memory_space<semaphore_mem>> -> memref<!tpu.dma_semaphore, #tpu.memory_space<semaphore_mem>>
    %dma_start3A_352 = arith.constant 0 : i32
    %dma_start3A_353 = arith.constant 0 : i32
    %dma_start3A_354 = tpu.memref_slice %arg11[%dma_start3A_339, %dma_start3A_352, %dma_start3A_353] : memref<2x128x128xf32, #tpu.memory_space<vmem>> -> memref<1x128x128xf32, #tpu.memory_space<vmem>>
    %dma_start3A_355 = tpu.memref_squeeze %dma_start3A_354 : memref<1x128x128xf32, #tpu.memory_space<vmem>> -> memref<128x128xf32, #tpu.memory_space<vmem>>
    %dma_start3A_356 = arith.constant 0 : i32
    %dma_start3A_357 = arith.constant 0 : i32
    %dma_start3A_358 = tpu.memref_slice %arg5[%add3A_2, %dma_start3A_356, %dma_start3A_357] : memref<64x2048x128xf32, #tpu.memory_space<hbm>> -> memref<1x128x128xf32, #tpu.memory_space<hbm>>
    %dma_start3A_359 = tpu.memref_squeeze %dma_start3A_358 : memref<1x128x128xf32, #tpu.memory_space<hbm>> -> memref<128x128xf32, #tpu.memory_space<hbm>>
    tpu.enqueue_dma source(%dma_start3A_359 : memref<128x128xf32, #tpu.memory_space<hbm>>) target(%dma_start3A_355 : memref<128x128xf32, #tpu.memory_space<vmem>>) target_semaphore(%dma_start3A_351 : memref<!tpu.dma_semaphore, #tpu.memory_space<semaphore_mem>>)
    %dma_start3A_360 = arith.constant 0 : i32
    %dma_start3A_361 = arith.constant 2 : i32
    %dma_start3A_362 = arith.constant 0 : i32
    %dma_start3A_363 = arith.constant 0 : i32
    %dma_start3A_364 = arith.constant 0 : i32
    %dma_start3A_365 = tpu.memref_slice %arg12[%dma_start3A_360, %dma_start3A_363, %dma_start3A_364] : memref<2x128x128xf32, #tpu.memory_space<vmem>> -> memref<1x128x128xf32, #tpu.memory_space<vmem>>
    %dma_start3A_366 = tpu.memref_squeeze %dma_start3A_365 : memref<1x128x128xf32, #tpu.memory_space<vmem>> -> memref<128x128xf32, #tpu.memory_space<vmem>>
    %dma_start3A_367 = arith.constant 0 : i32
    %dma_start3A_368 = arith.constant 0 : i32
    %dma_start3A_369 = tpu.memref_slice %arg6[%add3A_2, %dma_start3A_367, %dma_start3A_368] : memref<64x2048x128xf32, #tpu.memory_space<hbm>> -> memref<1x128x128xf32, #tpu.memory_space<hbm>>
    %dma_start3A_370 = tpu.memref_squeeze %dma_start3A_369 : memref<1x128x128xf32, #tpu.memory_space<hbm>> -> memref<128x128xf32, #tpu.memory_space<hbm>>
    %dma_start3A_371 = tpu.memref_slice %arg14[%dma_start3A_361, %dma_start3A_362] : memref<3x2x!tpu.dma_semaphore, #tpu.memory_space<semaphore_mem>> -> memref<1x1x!tpu.dma_semaphore, #tpu.memory_space<semaphore_mem>>
    %dma_start3A_372 = tpu.memref_squeeze %dma_start3A_371 : memref<1x1x!tpu.dma_semaphore, #tpu.memory_space<semaphore_mem>> -> memref<!tpu.dma_semaphore, #tpu.memory_space<semaphore_mem>>
    %dma_start3A_373 = arith.constant 0 : i32
    %dma_start3A_374 = arith.constant 0 : i32
    %dma_start3A_375 = tpu.memref_slice %arg12[%dma_start3A_360, %dma_start3A_373, %dma_start3A_374] : memref<2x128x128xf32, #tpu.memory_space<vmem>> -> memref<1x128x128xf32, #tpu.memory_space<vmem>>
    %dma_start3A_376 = tpu.memref_squeeze %dma_start3A_375 : memref<1x128x128xf32, #tpu.memory_space<vmem>> -> memref<128x128xf32, #tpu.memory_space<vmem>>
    %dma_start3A_377 = arith.constant 0 : i32
    %dma_start3A_378 = arith.constant 0 : i32
    %dma_start3A_379 = tpu.memref_slice %arg6[%add3A_2, %dma_start3A_377, %dma_start3A_378] : memref<64x2048x128xf32, #tpu.memory_space<hbm>> -> memref<1x128x128xf32, #tpu.memory_space<hbm>>
    %dma_start3A_380 = tpu.memref_squeeze %dma_start3A_379 : memref<1x128x128xf32, #tpu.memory_space<hbm>> -> memref<128x128xf32, #tpu.memory_space<hbm>>
    tpu.enqueue_dma source(%dma_start3A_380 : memref<128x128xf32, #tpu.memory_space<hbm>>) target(%dma_start3A_376 : memref<128x128xf32, #tpu.memory_space<vmem>>) target_semaphore(%dma_start3A_372 : memref<!tpu.dma_semaphore, #tpu.memory_space<semaphore_mem>>)
    %broadcast_in_dim3A_381 = arith.constant 3.000000e+38 : f32
    %broadcast_in_dim3A_382 = vector.broadcast %broadcast_in_dim3A_381 : f32 to vector<16xf32>
    %while3A = arith.constant 0 : i32
    %while3A_383 = arith.subi %select_n3A, %while3A : i32
    %while3A_384 = arith.addi %while3A, %while3A_383 : i32
    %while3A_385 = arith.constant 1 : i32
    %while3A_386 = arith.divsi %while3A_383, %while3A_385 : i32
    %while3A_387 = arith.muli %while3A_386, %while3A_385 : i32
    %while3A_388 = arith.addi %while3A, %while3A_387 : i32
    %while3A_389 = arith.constant 1 : i32
    %while3A_390 = scf.for %while3A_818 = %while3A to %while3A_388 step %while3A_389 iter_args(%while3A_819 = %broadcast_in_dim3A_382) -> (vector<16xf32>)  : i32 {
      %mul3A_820 = arith.constant 128 : i32
      %mul3A_821 = arith.muli %while3A_818, %mul3A_820 : i32
      %and3A_822 = arith.constant 1 : i32
      %and3A_823 = arith.andi %while3A_818, %and3A_822 : i32
      %add3A_824 = arith.constant 1 : i32
      %add3A_825 = arith.addi %while3A_818, %add3A_824 : i32
      %lt3A = arith.cmpi slt, %add3A_825, %select_n3A : i32
      %convert_element_type3A = arith.extui %lt3A : i1 to i32
      %cond3A = arith.constant 0 : i32
      %cond3A_826 = arith.cmpi ne, %convert_element_type3A, %cond3A : i32
      scf.if %cond3A_826 {
        %add3A_888 = arith.constant 1 : i32
        %add3A_889 = arith.addi %while3A_818, %add3A_888 : i32
        %add3A_890 = arith.constant 1 : i32
        %add3A_891 = arith.addi %while3A_818, %add3A_890 : i32
        %and3A_892 = arith.constant 1 : i32
        %and3A_893 = arith.andi %add3A_891, %and3A_892 : i32
        %mul3A_894 = arith.constant 128 : i32
        %mul3A_895 = arith.muli %add3A_889, %mul3A_894 : i32
        %mul3A_896 = arith.constant 128 : i32
        %mul3A_897 = arith.muli %add3A_889, %mul3A_896 : i32
        %mul3A_898 = arith.constant 128 : i32
        %mul3A_899 = arith.muli %add3A_889, %mul3A_898 : i32
        %dma_start3A_900 = arith.constant 0 : i32
        %dma_start3A_901 = arith.constant 0 : i32
        %dma_start3A_902 = arith.constant 0 : i32
        %dma_start3A_903 = tpu.memref_slice %arg10[%and3A_893, %dma_start3A_901, %dma_start3A_902] : memref<2x128x128xf32, #tpu.memory_space<vmem>> -> memref<1x128x128xf32, #tpu.memory_space<vmem>>
        %dma_start3A_904 = tpu.memref_squeeze %dma_start3A_903 : memref<1x128x128xf32, #tpu.memory_space<vmem>> -> memref<128x128xf32, #tpu.memory_space<vmem>>
        %dma_start3A_905 = arith.constant 0 : i32
        %dma_start3A_906 = tpu.memref_slice %arg4[%add3A_2, %mul3A_895, %dma_start3A_905] : memref<64x2048x128xf32, #tpu.memory_space<hbm>> -> memref<1x128x128xf32, #tpu.memory_space<hbm>>
        %dma_start3A_907 = tpu.memref_squeeze %dma_start3A_906 : memref<1x128x128xf32, #tpu.memory_space<hbm>> -> memref<128x128xf32, #tpu.memory_space<hbm>>
        %dma_start3A_908 = tpu.memref_slice %arg14[%dma_start3A_900, %and3A_893] : memref<3x2x!tpu.dma_semaphore, #tpu.memory_space<semaphore_mem>> -> memref<1x1x!tpu.dma_semaphore, #tpu.memory_space<semaphore_mem>>
        %dma_start3A_909 = tpu.memref_squeeze %dma_start3A_908 : memref<1x1x!tpu.dma_semaphore, #tpu.memory_space<semaphore_mem>> -> memref<!tpu.dma_semaphore, #tpu.memory_space<semaphore_mem>>
        %dma_start3A_910 = arith.constant 0 : i32
        %dma_start3A_911 = arith.constant 0 : i32
        %dma_start3A_912 = tpu.memref_slice %arg10[%and3A_893, %dma_start3A_910, %dma_start3A_911] : memref<2x128x128xf32, #tpu.memory_space<vmem>> -> memref<1x128x128xf32, #tpu.memory_space<vmem>>
        %dma_start3A_913 = tpu.memref_squeeze %dma_start3A_912 : memref<1x128x128xf32, #tpu.memory_space<vmem>> -> memref<128x128xf32, #tpu.memory_space<vmem>>
        %dma_start3A_914 = arith.constant 0 : i32
        %dma_start3A_915 = tpu.memref_slice %arg4[%add3A_2, %mul3A_895, %dma_start3A_914] : memref<64x2048x128xf32, #tpu.memory_space<hbm>> -> memref<1x128x128xf32, #tpu.memory_space<hbm>>
        %dma_start3A_916 = tpu.memref_squeeze %dma_start3A_915 : memref<1x128x128xf32, #tpu.memory_space<hbm>> -> memref<128x128xf32, #tpu.memory_space<hbm>>
        tpu.enqueue_dma source(%dma_start3A_916 : memref<128x128xf32, #tpu.memory_space<hbm>>) target(%dma_start3A_913 : memref<128x128xf32, #tpu.memory_space<vmem>>) target_semaphore(%dma_start3A_909 : memref<!tpu.dma_semaphore, #tpu.memory_space<semaphore_mem>>)
        %dma_start3A_917 = arith.constant 1 : i32
        %dma_start3A_918 = arith.constant 0 : i32
        %dma_start3A_919 = arith.constant 0 : i32
        %dma_start3A_920 = tpu.memref_slice %arg11[%and3A_893, %dma_start3A_918, %dma_start3A_919] : memref<2x128x128xf32, #tpu.memory_space<vmem>> -> memref<1x128x128xf32, #tpu.memory_space<vmem>>
        %dma_start3A_921 = tpu.memref_squeeze %dma_start3A_920 : memref<1x128x128xf32, #tpu.memory_space<vmem>> -> memref<128x128xf32, #tpu.memory_space<vmem>>
        %dma_start3A_922 = arith.constant 0 : i32
        %dma_start3A_923 = tpu.memref_slice %arg5[%add3A_2, %mul3A_897, %dma_start3A_922] : memref<64x2048x128xf32, #tpu.memory_space<hbm>> -> memref<1x128x128xf32, #tpu.memory_space<hbm>>
        %dma_start3A_924 = tpu.memref_squeeze %dma_start3A_923 : memref<1x128x128xf32, #tpu.memory_space<hbm>> -> memref<128x128xf32, #tpu.memory_space<hbm>>
        %dma_start3A_925 = tpu.memref_slice %arg14[%dma_start3A_917, %and3A_893] : memref<3x2x!tpu.dma_semaphore, #tpu.memory_space<semaphore_mem>> -> memref<1x1x!tpu.dma_semaphore, #tpu.memory_space<semaphore_mem>>
        %dma_start3A_926 = tpu.memref_squeeze %dma_start3A_925 : memref<1x1x!tpu.dma_semaphore, #tpu.memory_space<semaphore_mem>> -> memref<!tpu.dma_semaphore, #tpu.memory_space<semaphore_mem>>
        %dma_start3A_927 = arith.constant 0 : i32
        %dma_start3A_928 = arith.constant 0 : i32
        %dma_start3A_929 = tpu.memref_slice %arg11[%and3A_893, %dma_start3A_927, %dma_start3A_928] : memref<2x128x128xf32, #tpu.memory_space<vmem>> -> memref<1x128x128xf32, #tpu.memory_space<vmem>>
        %dma_start3A_930 = tpu.memref_squeeze %dma_start3A_929 : memref<1x128x128xf32, #tpu.memory_space<vmem>> -> memref<128x128xf32, #tpu.memory_space<vmem>>
        %dma_start3A_931 = arith.constant 0 : i32
        %dma_start3A_932 = tpu.memref_slice %arg5[%add3A_2, %mul3A_897, %dma_start3A_931] : memref<64x2048x128xf32, #tpu.memory_space<hbm>> -> memref<1x128x128xf32, #tpu.memory_space<hbm>>
        %dma_start3A_933 = tpu.memref_squeeze %dma_start3A_932 : memref<1x128x128xf32, #tpu.memory_space<hbm>> -> memref<128x128xf32, #tpu.memory_space<hbm>>
        tpu.enqueue_dma source(%dma_start3A_933 : memref<128x128xf32, #tpu.memory_space<hbm>>) target(%dma_start3A_930 : memref<128x128xf32, #tpu.memory_space<vmem>>) target_semaphore(%dma_start3A_926 : memref<!tpu.dma_semaphore, #tpu.memory_space<semaphore_mem>>)
        %dma_start3A_934 = arith.constant 2 : i32
        %dma_start3A_935 = arith.constant 0 : i32
        %dma_start3A_936 = arith.constant 0 : i32
        %dma_start3A_937 = tpu.memref_slice %arg12[%and3A_893, %dma_start3A_935, %dma_start3A_936] : memref<2x128x128xf32, #tpu.memory_space<vmem>> -> memref<1x128x128xf32, #tpu.memory_space<vmem>>
        %dma_start3A_938 = tpu.memref_squeeze %dma_start3A_937 : memref<1x128x128xf32, #tpu.memory_space<vmem>> -> memref<128x128xf32, #tpu.memory_space<vmem>>
        %dma_start3A_939 = arith.constant 0 : i32
        %dma_start3A_940 = tpu.memref_slice %arg6[%add3A_2, %mul3A_899, %dma_start3A_939] : memref<64x2048x128xf32, #tpu.memory_space<hbm>> -> memref<1x128x128xf32, #tpu.memory_space<hbm>>
        %dma_start3A_941 = tpu.memref_squeeze %dma_start3A_940 : memref<1x128x128xf32, #tpu.memory_space<hbm>> -> memref<128x128xf32, #tpu.memory_space<hbm>>
        %dma_start3A_942 = tpu.memref_slice %arg14[%dma_start3A_934, %and3A_893] : memref<3x2x!tpu.dma_semaphore, #tpu.memory_space<semaphore_mem>> -> memref<1x1x!tpu.dma_semaphore, #tpu.memory_space<semaphore_mem>>
        %dma_start3A_943 = tpu.memref_squeeze %dma_start3A_942 : memref<1x1x!tpu.dma_semaphore, #tpu.memory_space<semaphore_mem>> -> memref<!tpu.dma_semaphore, #tpu.memory_space<semaphore_mem>>
        %dma_start3A_944 = arith.constant 0 : i32
        %dma_start3A_945 = arith.constant 0 : i32
        %dma_start3A_946 = tpu.memref_slice %arg12[%and3A_893, %dma_start3A_944, %dma_start3A_945] : memref<2x128x128xf32, #tpu.memory_space<vmem>> -> memref<1x128x128xf32, #tpu.memory_space<vmem>>
        %dma_start3A_947 = tpu.memref_squeeze %dma_start3A_946 : memref<1x128x128xf32, #tpu.memory_space<vmem>> -> memref<128x128xf32, #tpu.memory_space<vmem>>
        %dma_start3A_948 = arith.constant 0 : i32
        %dma_start3A_949 = tpu.memref_slice %arg6[%add3A_2, %mul3A_899, %dma_start3A_948] : memref<64x2048x128xf32, #tpu.memory_space<hbm>> -> memref<1x128x128xf32, #tpu.memory_space<hbm>>
        %dma_start3A_950 = tpu.memref_squeeze %dma_start3A_949 : memref<1x128x128xf32, #tpu.memory_space<hbm>> -> memref<128x128xf32, #tpu.memory_space<hbm>>
        tpu.enqueue_dma source(%dma_start3A_950 : memref<128x128xf32, #tpu.memory_space<hbm>>) target(%dma_start3A_947 : memref<128x128xf32, #tpu.memory_space<vmem>>) target_semaphore(%dma_start3A_943 : memref<!tpu.dma_semaphore, #tpu.memory_space<semaphore_mem>>)
      } else {
      }
      %mul3A_827 = arith.constant 128 : i32
      %mul3A_828 = arith.muli %while3A_818, %mul3A_827 : i32
      %mul3A_829 = arith.constant 128 : i32
      %mul3A_830 = arith.muli %while3A_818, %mul3A_829 : i32
      %mul3A_831 = arith.constant 128 : i32
      %mul3A_832 = arith.muli %while3A_818, %mul3A_831 : i32
      %dma_wait3A = arith.constant 0 : i32
      %dma_wait3A_833 = arith.constant 0 : i32
      %dma_wait3A_834 = arith.constant 0 : i32
      %dma_wait3A_835 = tpu.memref_slice %arg10[%and3A_823, %dma_wait3A_833, %dma_wait3A_834] : memref<2x128x128xf32, #tpu.memory_space<vmem>> -> memref<1x128x128xf32, #tpu.memory_space<vmem>>
      %dma_wait3A_836 = tpu.memref_squeeze %dma_wait3A_835 : memref<1x128x128xf32, #tpu.memory_space<vmem>> -> memref<128x128xf32, #tpu.memory_space<vmem>>
      %dma_wait3A_837 = arith.constant 0 : i32
      %dma_wait3A_838 = tpu.memref_slice %arg4[%add3A_2, %mul3A_828, %dma_wait3A_837] : memref<64x2048x128xf32, #tpu.memory_space<hbm>> -> memref<1x128x128xf32, #tpu.memory_space<hbm>>
      %dma_wait3A_839 = tpu.memref_squeeze %dma_wait3A_838 : memref<1x128x128xf32, #tpu.memory_space<hbm>> -> memref<128x128xf32, #tpu.memory_space<hbm>>
      %dma_wait3A_840 = tpu.memref_slice %arg14[%dma_wait3A, %and3A_823] : memref<3x2x!tpu.dma_semaphore, #tpu.memory_space<semaphore_mem>> -> memref<1x1x!tpu.dma_semaphore, #tpu.memory_space<semaphore_mem>>
      %dma_wait3A_841 = tpu.memref_squeeze %dma_wait3A_840 : memref<1x1x!tpu.dma_semaphore, #tpu.memory_space<semaphore_mem>> -> memref<!tpu.dma_semaphore, #tpu.memory_space<semaphore_mem>>
      %dma_wait3A_842 = arith.constant 0 : i32
      %dma_wait3A_843 = arith.constant 0 : i32
      %dma_wait3A_844 = tpu.memref_slice %arg10[%and3A_823, %dma_wait3A_842, %dma_wait3A_843] : memref<2x128x128xf32, #tpu.memory_space<vmem>> -> memref<1x128x128xf32, #tpu.memory_space<vmem>>
      %dma_wait3A_845 = tpu.memref_squeeze %dma_wait3A_844 : memref<1x128x128xf32, #tpu.memory_space<vmem>> -> memref<128x128xf32, #tpu.memory_space<vmem>>
      %dma_wait3A_846 = arith.constant 0 : i32
      %dma_wait3A_847 = tpu.memref_slice %arg4[%add3A_2, %mul3A_828, %dma_wait3A_846] : memref<64x2048x128xf32, #tpu.memory_space<hbm>> -> memref<1x128x128xf32, #tpu.memory_space<hbm>>
      %dma_wait3A_848 = tpu.memref_squeeze %dma_wait3A_847 : memref<1x128x128xf32, #tpu.memory_space<hbm>> -> memref<128x128xf32, #tpu.memory_space<hbm>>
      tpu.wait_dma2 semaphore(%dma_wait3A_841 : memref<!tpu.dma_semaphore, #tpu.memory_space<semaphore_mem>>) src(%dma_wait3A_848 : memref<128x128xf32, #tpu.memory_space<hbm>>) dst(%dma_wait3A_845 : memref<128x128xf32, #tpu.memory_space<vmem>>)
      %dma_wait3A_849 = arith.constant 1 : i32
      %dma_wait3A_850 = arith.constant 0 : i32
      %dma_wait3A_851 = arith.constant 0 : i32
      %dma_wait3A_852 = tpu.memref_slice %arg11[%and3A_823, %dma_wait3A_850, %dma_wait3A_851] : memref<2x128x128xf32, #tpu.memory_space<vmem>> -> memref<1x128x128xf32, #tpu.memory_space<vmem>>
      %dma_wait3A_853 = tpu.memref_squeeze %dma_wait3A_852 : memref<1x128x128xf32, #tpu.memory_space<vmem>> -> memref<128x128xf32, #tpu.memory_space<vmem>>
      %dma_wait3A_854 = arith.constant 0 : i32
      %dma_wait3A_855 = tpu.memref_slice %arg5[%add3A_2, %mul3A_830, %dma_wait3A_854] : memref<64x2048x128xf32, #tpu.memory_space<hbm>> -> memref<1x128x128xf32, #tpu.memory_space<hbm>>
      %dma_wait3A_856 = tpu.memref_squeeze %dma_wait3A_855 : memref<1x128x128xf32, #tpu.memory_space<hbm>> -> memref<128x128xf32, #tpu.memory_space<hbm>>
      %dma_wait3A_857 = tpu.memref_slice %arg14[%dma_wait3A_849, %and3A_823] : memref<3x2x!tpu.dma_semaphore, #tpu.memory_space<semaphore_mem>> -> memref<1x1x!tpu.dma_semaphore, #tpu.memory_space<semaphore_mem>>
      %dma_wait3A_858 = tpu.memref_squeeze %dma_wait3A_857 : memref<1x1x!tpu.dma_semaphore, #tpu.memory_space<semaphore_mem>> -> memref<!tpu.dma_semaphore, #tpu.memory_space<semaphore_mem>>
      %dma_wait3A_859 = arith.constant 0 : i32
      %dma_wait3A_860 = arith.constant 0 : i32
      %dma_wait3A_861 = tpu.memref_slice %arg11[%and3A_823, %dma_wait3A_859, %dma_wait3A_860] : memref<2x128x128xf32, #tpu.memory_space<vmem>> -> memref<1x128x128xf32, #tpu.memory_space<vmem>>
      %dma_wait3A_862 = tpu.memref_squeeze %dma_wait3A_861 : memref<1x128x128xf32, #tpu.memory_space<vmem>> -> memref<128x128xf32, #tpu.memory_space<vmem>>
      %dma_wait3A_863 = arith.constant 0 : i32
      %dma_wait3A_864 = tpu.memref_slice %arg5[%add3A_2, %mul3A_830, %dma_wait3A_863] : memref<64x2048x128xf32, #tpu.memory_space<hbm>> -> memref<1x128x128xf32, #tpu.memory_space<hbm>>
      %dma_wait3A_865 = tpu.memref_squeeze %dma_wait3A_864 : memref<1x128x128xf32, #tpu.memory_space<hbm>> -> memref<128x128xf32, #tpu.memory_space<hbm>>
      tpu.wait_dma2 semaphore(%dma_wait3A_858 : memref<!tpu.dma_semaphore, #tpu.memory_space<semaphore_mem>>) src(%dma_wait3A_865 : memref<128x128xf32, #tpu.memory_space<hbm>>) dst(%dma_wait3A_862 : memref<128x128xf32, #tpu.memory_space<vmem>>)
      %dma_wait3A_866 = arith.constant 2 : i32
      %dma_wait3A_867 = arith.constant 0 : i32
      %dma_wait3A_868 = arith.constant 0 : i32
      %dma_wait3A_869 = tpu.memref_slice %arg12[%and3A_823, %dma_wait3A_867, %dma_wait3A_868] : memref<2x128x128xf32, #tpu.memory_space<vmem>> -> memref<1x128x128xf32, #tpu.memory_space<vmem>>
      %dma_wait3A_870 = tpu.memref_squeeze %dma_wait3A_869 : memref<1x128x128xf32, #tpu.memory_space<vmem>> -> memref<128x128xf32, #tpu.memory_space<vmem>>
      %dma_wait3A_871 = arith.constant 0 : i32
      %dma_wait3A_872 = tpu.memref_slice %arg6[%add3A_2, %mul3A_832, %dma_wait3A_871] : memref<64x2048x128xf32, #tpu.memory_space<hbm>> -> memref<1x128x128xf32, #tpu.memory_space<hbm>>
      %dma_wait3A_873 = tpu.memref_squeeze %dma_wait3A_872 : memref<1x128x128xf32, #tpu.memory_space<hbm>> -> memref<128x128xf32, #tpu.memory_space<hbm>>
      %dma_wait3A_874 = tpu.memref_slice %arg14[%dma_wait3A_866, %and3A_823] : memref<3x2x!tpu.dma_semaphore, #tpu.memory_space<semaphore_mem>> -> memref<1x1x!tpu.dma_semaphore, #tpu.memory_space<semaphore_mem>>
      %dma_wait3A_875 = tpu.memref_squeeze %dma_wait3A_874 : memref<1x1x!tpu.dma_semaphore, #tpu.memory_space<semaphore_mem>> -> memref<!tpu.dma_semaphore, #tpu.memory_space<semaphore_mem>>
      %dma_wait3A_876 = arith.constant 0 : i32
      %dma_wait3A_877 = arith.constant 0 : i32
      %dma_wait3A_878 = tpu.memref_slice %arg12[%and3A_823, %dma_wait3A_876, %dma_wait3A_877] : memref<2x128x128xf32, #tpu.memory_space<vmem>> -> memref<1x128x128xf32, #tpu.memory_space<vmem>>
      %dma_wait3A_879 = tpu.memref_squeeze %dma_wait3A_878 : memref<1x128x128xf32, #tpu.memory_space<vmem>> -> memref<128x128xf32, #tpu.memory_space<vmem>>
      %dma_wait3A_880 = arith.constant 0 : i32
      %dma_wait3A_881 = tpu.memref_slice %arg6[%add3A_2, %mul3A_832, %dma_wait3A_880] : memref<64x2048x128xf32, #tpu.memory_space<hbm>> -> memref<1x128x128xf32, #tpu.memory_space<hbm>>
      %dma_wait3A_882 = tpu.memref_squeeze %dma_wait3A_881 : memref<1x128x128xf32, #tpu.memory_space<hbm>> -> memref<128x128xf32, #tpu.memory_space<hbm>>
      tpu.wait_dma2 semaphore(%dma_wait3A_875 : memref<!tpu.dma_semaphore, #tpu.memory_space<semaphore_mem>>) src(%dma_wait3A_882 : memref<128x128xf32, #tpu.memory_space<hbm>>) dst(%dma_wait3A_879 : memref<128x128xf32, #tpu.memory_space<vmem>>)
      %scan3A = arith.constant 0 : i32
      %scan3A_883 = arith.constant 128 : i32
      %scan3A_884 = arith.addi %scan3A, %scan3A_883 : i32
      %scan3A_885 = arith.constant 1 : i32
      %scan3A_886 = scf.for %scan3A_888 = %scan3A to %scan3A_884 step %scan3A_885 iter_args(%scan3A_889 = %while3A_819) -> (vector<16xf32>)  : i32 {
        %broadcast_in_dim3A_890 = arith.constant 0.000000e+00 : f32
        %broadcast_in_dim3A_891 = vector.broadcast %broadcast_in_dim3A_890 : f32 to vector<16xf32>
        %broadcast_in_dim3A_892 = arith.constant 0.000000e+00 : f32
        %broadcast_in_dim3A_893 = vector.broadcast %broadcast_in_dim3A_892 : f32 to vector<16xf32>
        %get3A_894 = arith.index_cast %and3A_823 : i32 to index
        %get3A_895 = arith.index_cast %scan3A_888 : i32 to index
        %get3A_896 = arith.constant 0 : index
        %get3A_897 = tpu.vector_load %arg10[%get3A_894, %get3A_895, %get3A_896] {strides = array<i32>} : memref<2x128x128xf32, #tpu.memory_space<vmem>>, vector<1x1x16xf32>,
        %get3A_898 = vector.shape_cast %get3A_897 : vector<1x1x16xf32> to vector<16xf32>
        %sub3A_899 = arith.subf %get3A_898, %mul3A_30 : vector<16xf32>
        %mul3A_900 = arith.mulf %get3A_898, %sub3A_899 : vector<16xf32>
        %add3A_901 = arith.addf %broadcast_in_dim3A_891, %mul3A_900 : vector<16xf32>
        %get3A_902 = arith.index_cast %and3A_823 : i32 to index
        %get3A_903 = arith.index_cast %scan3A_888 : i32 to index
        %get3A_904 = arith.constant 16 : index
        %get3A_905 = tpu.vector_load %arg10[%get3A_902, %get3A_903, %get3A_904] {strides = array<i32>} : memref<2x128x128xf32, #tpu.memory_space<vmem>>, vector<1x1x16xf32>,
        %get3A_906 = vector.shape_cast %get3A_905 : vector<1x1x16xf32> to vector<16xf32>
        %sub3A_907 = arith.subf %get3A_906, %mul3A_36 : vector<16xf32>
        %mul3A_908 = arith.mulf %get3A_906, %sub3A_907 : vector<16xf32>
        %add3A_909 = arith.addf %broadcast_in_dim3A_893, %mul3A_908 : vector<16xf32>
        %get3A_910 = arith.index_cast %and3A_823 : i32 to index
        %get3A_911 = arith.index_cast %scan3A_888 : i32 to index
        %get3A_912 = arith.constant 32 : index
        %get3A_913 = tpu.vector_load %arg10[%get3A_910, %get3A_911, %get3A_912] {strides = array<i32>} : memref<2x128x128xf32, #tpu.memory_space<vmem>>, vector<1x1x16xf32>,
        %get3A_914 = vector.shape_cast %get3A_913 : vector<1x1x16xf32> to vector<16xf32>
        %sub3A_915 = arith.subf %get3A_914, %mul3A_42 : vector<16xf32>
        %mul3A_916 = arith.mulf %get3A_914, %sub3A_915 : vector<16xf32>
        %add3A_917 = arith.addf %add3A_901, %mul3A_916 : vector<16xf32>
        %get3A_918 = arith.index_cast %and3A_823 : i32 to index
        %get3A_919 = arith.index_cast %scan3A_888 : i32 to index
        %get3A_920 = arith.constant 48 : index
        %get3A_921 = tpu.vector_load %arg10[%get3A_918, %get3A_919, %get3A_920] {strides = array<i32>} : memref<2x128x128xf32, #tpu.memory_space<vmem>>, vector<1x1x16xf32>,
        %get3A_922 = vector.shape_cast %get3A_921 : vector<1x1x16xf32> to vector<16xf32>
        %sub3A_923 = arith.subf %get3A_922, %mul3A_48 : vector<16xf32>
        %mul3A_924 = arith.mulf %get3A_922, %sub3A_923 : vector<16xf32>
        %add3A_925 = arith.addf %add3A_909, %mul3A_924 : vector<16xf32>
        %get3A_926 = arith.index_cast %and3A_823 : i32 to index
        %get3A_927 = arith.index_cast %scan3A_888 : i32 to index
        %get3A_928 = arith.constant 64 : index
        %get3A_929 = tpu.vector_load %arg10[%get3A_926, %get3A_927, %get3A_928] {strides = array<i32>} : memref<2x128x128xf32, #tpu.memory_space<vmem>>, vector<1x1x16xf32>,
        %get3A_930 = vector.shape_cast %get3A_929 : vector<1x1x16xf32> to vector<16xf32>
        %sub3A_931 = arith.subf %get3A_930, %mul3A_54 : vector<16xf32>
        %mul3A_932 = arith.mulf %get3A_930, %sub3A_931 : vector<16xf32>
        %add3A_933 = arith.addf %add3A_917, %mul3A_932 : vector<16xf32>
        %get3A_934 = arith.index_cast %and3A_823 : i32 to index
        %get3A_935 = arith.index_cast %scan3A_888 : i32 to index
        %get3A_936 = arith.constant 80 : index
        %get3A_937 = tpu.vector_load %arg10[%get3A_934, %get3A_935, %get3A_936] {strides = array<i32>} : memref<2x128x128xf32, #tpu.memory_space<vmem>>, vector<1x1x16xf32>,
        %get3A_938 = vector.shape_cast %get3A_937 : vector<1x1x16xf32> to vector<16xf32>
        %sub3A_939 = arith.subf %get3A_938, %mul3A_60 : vector<16xf32>
        %mul3A_940 = arith.mulf %get3A_938, %sub3A_939 : vector<16xf32>
        %add3A_941 = arith.addf %add3A_925, %mul3A_940 : vector<16xf32>
        %get3A_942 = arith.index_cast %and3A_823 : i32 to index
        %get3A_943 = arith.index_cast %scan3A_888 : i32 to index
        %get3A_944 = arith.constant 96 : index
        %get3A_945 = tpu.vector_load %arg10[%get3A_942, %get3A_943, %get3A_944] {strides = array<i32>} : memref<2x128x128xf32, #tpu.memory_space<vmem>>, vector<1x1x16xf32>,
        %get3A_946 = vector.shape_cast %get3A_945 : vector<1x1x16xf32> to vector<16xf32>
        %sub3A_947 = arith.subf %get3A_946, %mul3A_66 : vector<16xf32>
        %mul3A_948 = arith.mulf %get3A_946, %sub3A_947 : vector<16xf32>
        %add3A_949 = arith.addf %add3A_933, %mul3A_948 : vector<16xf32>
        %get3A_950 = arith.index_cast %and3A_823 : i32 to index
        %get3A_951 = arith.index_cast %scan3A_888 : i32 to index
        %get3A_952 = arith.constant 112 : index
        %get3A_953 = tpu.vector_load %arg10[%get3A_950, %get3A_951, %get3A_952] {strides = array<i32>} : memref<2x128x128xf32, #tpu.memory_space<vmem>>, vector<1x1x16xf32>,
        %get3A_954 = vector.shape_cast %get3A_953 : vector<1x1x16xf32> to vector<16xf32>
        %sub3A_955 = arith.subf %get3A_954, %mul3A_72 : vector<16xf32>
        %mul3A_956 = arith.mulf %get3A_954, %sub3A_955 : vector<16xf32>
        %add3A_957 = arith.addf %add3A_941, %mul3A_956 : vector<16xf32>
        %add3A_958 = arith.addf %add3A_949, %add3A_957 : vector<16xf32>
        %broadcast_in_dim3A_959 = arith.constant 0.000000e+00 : f32
        %broadcast_in_dim3A_960 = vector.broadcast %broadcast_in_dim3A_959 : f32 to vector<16xf32>
        %broadcast_in_dim3A_961 = arith.constant 0.000000e+00 : f32
        %broadcast_in_dim3A_962 = vector.broadcast %broadcast_in_dim3A_961 : f32 to vector<16xf32>
        %get3A_963 = arith.index_cast %and3A_823 : i32 to index
        %get3A_964 = arith.index_cast %scan3A_888 : i32 to index
        %get3A_965 = arith.constant 0 : index
        %get3A_966 = tpu.vector_load %arg11[%get3A_963, %get3A_964, %get3A_965] {strides = array<i32>} : memref<2x128x128xf32, #tpu.memory_space<vmem>>, vector<1x1x16xf32>,
        %get3A_967 = vector.shape_cast %get3A_966 : vector<1x1x16xf32> to vector<16xf32>
        %sub3A_968 = arith.subf %get3A_967, %mul3A_78 : vector<16xf32>
        %mul3A_969 = arith.mulf %get3A_967, %sub3A_968 : vector<16xf32>
        %add3A_970 = arith.addf %broadcast_in_dim3A_960, %mul3A_969 : vector<16xf32>
        %get3A_971 = arith.index_cast %and3A_823 : i32 to index
        %get3A_972 = arith.index_cast %scan3A_888 : i32 to index
        %get3A_973 = arith.constant 16 : index
        %get3A_974 = tpu.vector_load %arg11[%get3A_971, %get3A_972, %get3A_973] {strides = array<i32>} : memref<2x128x128xf32, #tpu.memory_space<vmem>>, vector<1x1x16xf32>,
        %get3A_975 = vector.shape_cast %get3A_974 : vector<1x1x16xf32> to vector<16xf32>
        %sub3A_976 = arith.subf %get3A_975, %mul3A_84 : vector<16xf32>
        %mul3A_977 = arith.mulf %get3A_975, %sub3A_976 : vector<16xf32>
        %add3A_978 = arith.addf %broadcast_in_dim3A_962, %mul3A_977 : vector<16xf32>
        %get3A_979 = arith.index_cast %and3A_823 : i32 to index
        %get3A_980 = arith.index_cast %scan3A_888 : i32 to index
        %get3A_981 = arith.constant 32 : index
        %get3A_982 = tpu.vector_load %arg11[%get3A_979, %get3A_980, %get3A_981] {strides = array<i32>} : memref<2x128x128xf32, #tpu.memory_space<vmem>>, vector<1x1x16xf32>,
        %get3A_983 = vector.shape_cast %get3A_982 : vector<1x1x16xf32> to vector<16xf32>
        %sub3A_984 = arith.subf %get3A_983, %mul3A_90 : vector<16xf32>
        %mul3A_985 = arith.mulf %get3A_983, %sub3A_984 : vector<16xf32>
        %add3A_986 = arith.addf %add3A_970, %mul3A_985 : vector<16xf32>
        %get3A_987 = arith.index_cast %and3A_823 : i32 to index
        %get3A_988 = arith.index_cast %scan3A_888 : i32 to index
        %get3A_989 = arith.constant 48 : index
        %get3A_990 = tpu.vector_load %arg11[%get3A_987, %get3A_988, %get3A_989] {strides = array<i32>} : memref<2x128x128xf32, #tpu.memory_space<vmem>>, vector<1x1x16xf32>,
        %get3A_991 = vector.shape_cast %get3A_990 : vector<1x1x16xf32> to vector<16xf32>
        %sub3A_992 = arith.subf %get3A_991, %mul3A_96 : vector<16xf32>
        %mul3A_993 = arith.mulf %get3A_991, %sub3A_992 : vector<16xf32>
        %add3A_994 = arith.addf %add3A_978, %mul3A_993 : vector<16xf32>
        %get3A_995 = arith.index_cast %and3A_823 : i32 to index
        %get3A_996 = arith.index_cast %scan3A_888 : i32 to index
        %get3A_997 = arith.constant 64 : index
        %get3A_998 = tpu.vector_load %arg11[%get3A_995, %get3A_996, %get3A_997] {strides = array<i32>} : memref<2x128x128xf32, #tpu.memory_space<vmem>>, vector<1x1x16xf32>,
        %get3A_999 = vector.shape_cast %get3A_998 : vector<1x1x16xf32> to vector<16xf32>
        %sub3A_1000 = arith.subf %get3A_999, %mul3A_102 : vector<16xf32>
        %mul3A_1001 = arith.mulf %get3A_999, %sub3A_1000 : vector<16xf32>
        %add3A_1002 = arith.addf %add3A_986, %mul3A_1001 : vector<16xf32>
        %get3A_1003 = arith.index_cast %and3A_823 : i32 to index
        %get3A_1004 = arith.index_cast %scan3A_888 : i32 to index
        %get3A_1005 = arith.constant 80 : index
        %get3A_1006 = tpu.vector_load %arg11[%get3A_1003, %get3A_1004, %get3A_1005] {strides = array<i32>} : memref<2x128x128xf32, #tpu.memory_space<vmem>>, vector<1x1x16xf32>,
        %get3A_1007 = vector.shape_cast %get3A_1006 : vector<1x1x16xf32> to vector<16xf32>
        %sub3A_1008 = arith.subf %get3A_1007, %mul3A_108 : vector<16xf32>
        %mul3A_1009 = arith.mulf %get3A_1007, %sub3A_1008 : vector<16xf32>
        %add3A_1010 = arith.addf %add3A_994, %mul3A_1009 : vector<16xf32>
        %get3A_1011 = arith.index_cast %and3A_823 : i32 to index
        %get3A_1012 = arith.index_cast %scan3A_888 : i32 to index
        %get3A_1013 = arith.constant 96 : index
        %get3A_1014 = tpu.vector_load %arg11[%get3A_1011, %get3A_1012, %get3A_1013] {strides = array<i32>} : memref<2x128x128xf32, #tpu.memory_space<vmem>>, vector<1x1x16xf32>,
        %get3A_1015 = vector.shape_cast %get3A_1014 : vector<1x1x16xf32> to vector<16xf32>
        %sub3A_1016 = arith.subf %get3A_1015, %mul3A_114 : vector<16xf32>
        %mul3A_1017 = arith.mulf %get3A_1015, %sub3A_1016 : vector<16xf32>
        %add3A_1018 = arith.addf %add3A_1002, %mul3A_1017 : vector<16xf32>
        %get3A_1019 = arith.index_cast %and3A_823 : i32 to index
        %get3A_1020 = arith.index_cast %scan3A_888 : i32 to index
        %get3A_1021 = arith.constant 112 : index
        %get3A_1022 = tpu.vector_load %arg11[%get3A_1019, %get3A_1020, %get3A_1021] {strides = array<i32>} : memref<2x128x128xf32, #tpu.memory_space<vmem>>, vector<1x1x16xf32>,
        %get3A_1023 = vector.shape_cast %get3A_1022 : vector<1x1x16xf32> to vector<16xf32>
        %sub3A_1024 = arith.subf %get3A_1023, %mul3A_120 : vector<16xf32>
        %mul3A_1025 = arith.mulf %get3A_1023, %sub3A_1024 : vector<16xf32>
        %add3A_1026 = arith.addf %add3A_1010, %mul3A_1025 : vector<16xf32>
        %add3A_1027 = arith.addf %add3A_1018, %add3A_1026 : vector<16xf32>
        %broadcast_in_dim3A_1028 = arith.constant 0.000000e+00 : f32
        %broadcast_in_dim3A_1029 = vector.broadcast %broadcast_in_dim3A_1028 : f32 to vector<16xf32>
        %broadcast_in_dim3A_1030 = arith.constant 0.000000e+00 : f32
        %broadcast_in_dim3A_1031 = vector.broadcast %broadcast_in_dim3A_1030 : f32 to vector<16xf32>
        %get3A_1032 = arith.index_cast %and3A_823 : i32 to index
        %get3A_1033 = arith.index_cast %scan3A_888 : i32 to index
        %get3A_1034 = arith.constant 0 : index
        %get3A_1035 = tpu.vector_load %arg12[%get3A_1032, %get3A_1033, %get3A_1034] {strides = array<i32>} : memref<2x128x128xf32, #tpu.memory_space<vmem>>, vector<1x1x16xf32>,
        %get3A_1036 = vector.shape_cast %get3A_1035 : vector<1x1x16xf32> to vector<16xf32>
        %sub3A_1037 = arith.subf %get3A_1036, %mul3A_126 : vector<16xf32>
        %mul3A_1038 = arith.mulf %get3A_1036, %sub3A_1037 : vector<16xf32>
        %add3A_1039 = arith.addf %broadcast_in_dim3A_1029, %mul3A_1038 : vector<16xf32>
        %get3A_1040 = arith.index_cast %and3A_823 : i32 to index
        %get3A_1041 = arith.index_cast %scan3A_888 : i32 to index
        %get3A_1042 = arith.constant 16 : index
        %get3A_1043 = tpu.vector_load %arg12[%get3A_1040, %get3A_1041, %get3A_1042] {strides = array<i32>} : memref<2x128x128xf32, #tpu.memory_space<vmem>>, vector<1x1x16xf32>,
        %get3A_1044 = vector.shape_cast %get3A_1043 : vector<1x1x16xf32> to vector<16xf32>
        %sub3A_1045 = arith.subf %get3A_1044, %mul3A_132 : vector<16xf32>
        %mul3A_1046 = arith.mulf %get3A_1044, %sub3A_1045 : vector<16xf32>
        %add3A_1047 = arith.addf %broadcast_in_dim3A_1031, %mul3A_1046 : vector<16xf32>
        %get3A_1048 = arith.index_cast %and3A_823 : i32 to index
        %get3A_1049 = arith.index_cast %scan3A_888 : i32 to index
        %get3A_1050 = arith.constant 32 : index
        %get3A_1051 = tpu.vector_load %arg12[%get3A_1048, %get3A_1049, %get3A_1050] {strides = array<i32>} : memref<2x128x128xf32, #tpu.memory_space<vmem>>, vector<1x1x16xf32>,
        %get3A_1052 = vector.shape_cast %get3A_1051 : vector<1x1x16xf32> to vector<16xf32>
        %sub3A_1053 = arith.subf %get3A_1052, %mul3A_138 : vector<16xf32>
        %mul3A_1054 = arith.mulf %get3A_1052, %sub3A_1053 : vector<16xf32>
        %add3A_1055 = arith.addf %add3A_1039, %mul3A_1054 : vector<16xf32>
        %get3A_1056 = arith.index_cast %and3A_823 : i32 to index
        %get3A_1057 = arith.index_cast %scan3A_888 : i32 to index
        %get3A_1058 = arith.constant 48 : index
        %get3A_1059 = tpu.vector_load %arg12[%get3A_1056, %get3A_1057, %get3A_1058] {strides = array<i32>} : memref<2x128x128xf32, #tpu.memory_space<vmem>>, vector<1x1x16xf32>,
        %get3A_1060 = vector.shape_cast %get3A_1059 : vector<1x1x16xf32> to vector<16xf32>
        %sub3A_1061 = arith.subf %get3A_1060, %mul3A_144 : vector<16xf32>
        %mul3A_1062 = arith.mulf %get3A_1060, %sub3A_1061 : vector<16xf32>
        %add3A_1063 = arith.addf %add3A_1047, %mul3A_1062 : vector<16xf32>
        %get3A_1064 = arith.index_cast %and3A_823 : i32 to index
        %get3A_1065 = arith.index_cast %scan3A_888 : i32 to index
        %get3A_1066 = arith.constant 64 : index
        %get3A_1067 = tpu.vector_load %arg12[%get3A_1064, %get3A_1065, %get3A_1066] {strides = array<i32>} : memref<2x128x128xf32, #tpu.memory_space<vmem>>, vector<1x1x16xf32>,
        %get3A_1068 = vector.shape_cast %get3A_1067 : vector<1x1x16xf32> to vector<16xf32>
        %sub3A_1069 = arith.subf %get3A_1068, %mul3A_150 : vector<16xf32>
        %mul3A_1070 = arith.mulf %get3A_1068, %sub3A_1069 : vector<16xf32>
        %add3A_1071 = arith.addf %add3A_1055, %mul3A_1070 : vector<16xf32>
        %get3A_1072 = arith.index_cast %and3A_823 : i32 to index
        %get3A_1073 = arith.index_cast %scan3A_888 : i32 to index
        %get3A_1074 = arith.constant 80 : index
        %get3A_1075 = tpu.vector_load %arg12[%get3A_1072, %get3A_1073, %get3A_1074] {strides = array<i32>} : memref<2x128x128xf32, #tpu.memory_space<vmem>>, vector<1x1x16xf32>,
        %get3A_1076 = vector.shape_cast %get3A_1075 : vector<1x1x16xf32> to vector<16xf32>
        %sub3A_1077 = arith.subf %get3A_1076, %mul3A_156 : vector<16xf32>
        %mul3A_1078 = arith.mulf %get3A_1076, %sub3A_1077 : vector<16xf32>
        %add3A_1079 = arith.addf %add3A_1063, %mul3A_1078 : vector<16xf32>
        %get3A_1080 = arith.index_cast %and3A_823 : i32 to index
        %get3A_1081 = arith.index_cast %scan3A_888 : i32 to index
        %get3A_1082 = arith.constant 96 : index
        %get3A_1083 = tpu.vector_load %arg12[%get3A_1080, %get3A_1081, %get3A_1082] {strides = array<i32>} : memref<2x128x128xf32, #tpu.memory_space<vmem>>, vector<1x1x16xf32>,
        %get3A_1084 = vector.shape_cast %get3A_1083 : vector<1x1x16xf32> to vector<16xf32>
        %sub3A_1085 = arith.subf %get3A_1084, %mul3A_162 : vector<16xf32>
        %mul3A_1086 = arith.mulf %get3A_1084, %sub3A_1085 : vector<16xf32>
        %add3A_1087 = arith.addf %add3A_1071, %mul3A_1086 : vector<16xf32>
        %get3A_1088 = arith.index_cast %and3A_823 : i32 to index
        %get3A_1089 = arith.index_cast %scan3A_888 : i32 to index
        %get3A_1090 = arith.constant 112 : index
        %get3A_1091 = tpu.vector_load %arg12[%get3A_1088, %get3A_1089, %get3A_1090] {strides = array<i32>} : memref<2x128x128xf32, #tpu.memory_space<vmem>>, vector<1x1x16xf32>,
        %get3A_1092 = vector.shape_cast %get3A_1091 : vector<1x1x16xf32> to vector<16xf32>
        %sub3A_1093 = arith.subf %get3A_1092, %mul3A_168 : vector<16xf32>
        %mul3A_1094 = arith.mulf %get3A_1092, %sub3A_1093 : vector<16xf32>
        %add3A_1095 = arith.addf %add3A_1079, %mul3A_1094 : vector<16xf32>
        %add3A_1096 = arith.addf %add3A_1087, %add3A_1095 : vector<16xf32>
        %add3A_1097 = arith.addf %add3A_958, %add3A_1027 : vector<16xf32>
        %add3A_1098 = arith.addf %add3A_1097, %add3A_1096 : vector<16xf32>
        %iota3A_1099 = tpu.iota {dimensions = array<i32: 0>} : vector<16xi32>
        %xor3A_1100 = arith.constant 1 : i32
        %xor3A_1101 = vector.broadcast %xor3A_1100 : i32 to vector<16xi32>
        %xor3A_1102 = arith.xori %iota3A_1099, %xor3A_1101 : vector<16xi32>
        %broadcast_in_dim3A_1103 = vector.shape_cast %xor3A_1102 : vector<16xi32> to vector<16x1xi32>
        %gather3A_1104 = vector.shape_cast %broadcast_in_dim3A_1103 : vector<16x1xi32> to vector<16xi32>
        %gather3A_1105 = tpu.dynamic_gather %add3A_1098[%gather3A_1104] in [0] : vector<16xf32>, vector<16xi32> -> vector<16xf32>
        %add3A_1106 = arith.addf %add3A_1098, %gather3A_1105 : vector<16xf32>
        %iota3A_1107 = tpu.iota {dimensions = array<i32: 0>} : vector<16xi32>
        %xor3A_1108 = arith.constant 2 : i32
        %xor3A_1109 = vector.broadcast %xor3A_1108 : i32 to vector<16xi32>
        %xor3A_1110 = arith.xori %iota3A_1107, %xor3A_1109 : vector<16xi32>
        %broadcast_in_dim3A_1111 = vector.shape_cast %xor3A_1110 : vector<16xi32> to vector<16x1xi32>
        %gather3A_1112 = vector.shape_cast %broadcast_in_dim3A_1111 : vector<16x1xi32> to vector<16xi32>
        %gather3A_1113 = tpu.dynamic_gather %add3A_1106[%gather3A_1112] in [0] : vector<16xf32>, vector<16xi32> -> vector<16xf32>
        %add3A_1114 = arith.addf %add3A_1106, %gather3A_1113 : vector<16xf32>
        %iota3A_1115 = tpu.iota {dimensions = array<i32: 0>} : vector<16xi32>
        %xor3A_1116 = arith.constant 4 : i32
        %xor3A_1117 = vector.broadcast %xor3A_1116 : i32 to vector<16xi32>
        %xor3A_1118 = arith.xori %iota3A_1115, %xor3A_1117 : vector<16xi32>
        %broadcast_in_dim3A_1119 = vector.shape_cast %xor3A_1118 : vector<16xi32> to vector<16x1xi32>
        %gather3A_1120 = vector.shape_cast %broadcast_in_dim3A_1119 : vector<16x1xi32> to vector<16xi32>
        %gather3A_1121 = tpu.dynamic_gather %add3A_1114[%gather3A_1120] in [0] : vector<16xf32>, vector<16xi32> -> vector<16xf32>
        %add3A_1122 = arith.addf %add3A_1114, %gather3A_1121 : vector<16xf32>
        %iota3A_1123 = tpu.iota {dimensions = array<i32: 0>} : vector<16xi32>
        %xor3A_1124 = arith.constant 8 : i32
        %xor3A_1125 = vector.broadcast %xor3A_1124 : i32 to vector<16xi32>
        %xor3A_1126 = arith.xori %iota3A_1123, %xor3A_1125 : vector<16xi32>
        %broadcast_in_dim3A_1127 = vector.shape_cast %xor3A_1126 : vector<16xi32> to vector<16x1xi32>
        %gather3A_1128 = vector.shape_cast %broadcast_in_dim3A_1127 : vector<16x1xi32> to vector<16xi32>
        %gather3A_1129 = tpu.dynamic_gather %add3A_1122[%gather3A_1128] in [0] : vector<16xf32>, vector<16xi32> -> vector<16xf32>
        %add3A_1130 = arith.addf %add3A_1122, %gather3A_1129 : vector<16xf32>
        %add3A_1131 = arith.addi %mul3A_821, %scan3A_888 : i32
        %ge3A = arith.cmpi sge, %add3A_1131, %squeeze3A : i32
        %convert_element_type3A_1132 = arith.extui %ge3A : i1 to i32
        %convert_element_type3A_1133 = arith.sitofp %convert_element_type3A_1132 : i32 to f32
        %mul3A_1134 = arith.constant 3.000000e+38 : f32
        %mul3A_1135 = arith.mulf %convert_element_type3A_1133, %mul3A_1134 : f32
        %add3A_1136 = vector.broadcast %mul3A_1135 : f32 to vector<16xf32>
        %add3A_1137 = arith.addf %add3A_1130, %add3A_1136 : vector<16xf32>
        %min3A = arith.minimumf %scan3A_889, %add3A_1137 : vector<16xf32>
        scf.yield %min3A : vector<16xf32>
      }
      %scan3A_887 = arith.constant 128 : i32
      scf.yield %scan3A_886 : vector<16xf32>
    }
    %while3A_391 = arith.constant 1 : i32
    %while3A_392 = scf.for %while3A_818 = %while3A_388 to %while3A_384 step %while3A_391 iter_args(%while3A_819 = %while3A_390) -> (vector<16xf32>)  : i32 {
      %mul3A_820 = arith.constant 128 : i32
      %mul3A_821 = arith.muli %while3A_818, %mul3A_820 : i32
      %and3A_822 = arith.constant 1 : i32
      %and3A_823 = arith.andi %while3A_818, %and3A_822 : i32
      %add3A_824 = arith.constant 1 : i32
      %add3A_825 = arith.addi %while3A_818, %add3A_824 : i32
      %lt3A = arith.cmpi slt, %add3A_825, %select_n3A : i32
      %convert_element_type3A = arith.extui %lt3A : i1 to i32
      %cond3A = arith.constant 0 : i32
      %cond3A_826 = arith.cmpi ne, %convert_element_type3A, %cond3A : i32
      scf.if %cond3A_826 {
        %add3A_888 = arith.constant 1 : i32
        %add3A_889 = arith.addi %while3A_818, %add3A_888 : i32
        %add3A_890 = arith.constant 1 : i32
        %add3A_891 = arith.addi %while3A_818, %add3A_890 : i32
        %and3A_892 = arith.constant 1 : i32
        %and3A_893 = arith.andi %add3A_891, %and3A_892 : i32
        %mul3A_894 = arith.constant 128 : i32
        %mul3A_895 = arith.muli %add3A_889, %mul3A_894 : i32
        %mul3A_896 = arith.constant 128 : i32
        %mul3A_897 = arith.muli %add3A_889, %mul3A_896 : i32
        %mul3A_898 = arith.constant 128 : i32
        %mul3A_899 = arith.muli %add3A_889, %mul3A_898 : i32
        %dma_start3A_900 = arith.constant 0 : i32
        %dma_start3A_901 = arith.constant 0 : i32
        %dma_start3A_902 = arith.constant 0 : i32
        %dma_start3A_903 = tpu.memref_slice %arg10[%and3A_893, %dma_start3A_901, %dma_start3A_902] : memref<2x128x128xf32, #tpu.memory_space<vmem>> -> memref<1x128x128xf32, #tpu.memory_space<vmem>>
        %dma_start3A_904 = tpu.memref_squeeze %dma_start3A_903 : memref<1x128x128xf32, #tpu.memory_space<vmem>> -> memref<128x128xf32, #tpu.memory_space<vmem>>
        %dma_start3A_905 = arith.constant 0 : i32
        %dma_start3A_906 = tpu.memref_slice %arg4[%add3A_2, %mul3A_895, %dma_start3A_905] : memref<64x2048x128xf32, #tpu.memory_space<hbm>> -> memref<1x128x128xf32, #tpu.memory_space<hbm>>
        %dma_start3A_907 = tpu.memref_squeeze %dma_start3A_906 : memref<1x128x128xf32, #tpu.memory_space<hbm>> -> memref<128x128xf32, #tpu.memory_space<hbm>>
        %dma_start3A_908 = tpu.memref_slice %arg14[%dma_start3A_900, %and3A_893] : memref<3x2x!tpu.dma_semaphore, #tpu.memory_space<semaphore_mem>> -> memref<1x1x!tpu.dma_semaphore, #tpu.memory_space<semaphore_mem>>
        %dma_start3A_909 = tpu.memref_squeeze %dma_start3A_908 : memref<1x1x!tpu.dma_semaphore, #tpu.memory_space<semaphore_mem>> -> memref<!tpu.dma_semaphore, #tpu.memory_space<semaphore_mem>>
        %dma_start3A_910 = arith.constant 0 : i32
        %dma_start3A_911 = arith.constant 0 : i32
        %dma_start3A_912 = tpu.memref_slice %arg10[%and3A_893, %dma_start3A_910, %dma_start3A_911] : memref<2x128x128xf32, #tpu.memory_space<vmem>> -> memref<1x128x128xf32, #tpu.memory_space<vmem>>
        %dma_start3A_913 = tpu.memref_squeeze %dma_start3A_912 : memref<1x128x128xf32, #tpu.memory_space<vmem>> -> memref<128x128xf32, #tpu.memory_space<vmem>>
        %dma_start3A_914 = arith.constant 0 : i32
        %dma_start3A_915 = tpu.memref_slice %arg4[%add3A_2, %mul3A_895, %dma_start3A_914] : memref<64x2048x128xf32, #tpu.memory_space<hbm>> -> memref<1x128x128xf32, #tpu.memory_space<hbm>>
        %dma_start3A_916 = tpu.memref_squeeze %dma_start3A_915 : memref<1x128x128xf32, #tpu.memory_space<hbm>> -> memref<128x128xf32, #tpu.memory_space<hbm>>
        tpu.enqueue_dma source(%dma_start3A_916 : memref<128x128xf32, #tpu.memory_space<hbm>>) target(%dma_start3A_913 : memref<128x128xf32, #tpu.memory_space<vmem>>) target_semaphore(%dma_start3A_909 : memref<!tpu.dma_semaphore, #tpu.memory_space<semaphore_mem>>)
        %dma_start3A_917 = arith.constant 1 : i32
        %dma_start3A_918 = arith.constant 0 : i32
        %dma_start3A_919 = arith.constant 0 : i32
        %dma_start3A_920 = tpu.memref_slice %arg11[%and3A_893, %dma_start3A_918, %dma_start3A_919] : memref<2x128x128xf32, #tpu.memory_space<vmem>> -> memref<1x128x128xf32, #tpu.memory_space<vmem>>
        %dma_start3A_921 = tpu.memref_squeeze %dma_start3A_920 : memref<1x128x128xf32, #tpu.memory_space<vmem>> -> memref<128x128xf32, #tpu.memory_space<vmem>>
        %dma_start3A_922 = arith.constant 0 : i32
        %dma_start3A_923 = tpu.memref_slice %arg5[%add3A_2, %mul3A_897, %dma_start3A_922] : memref<64x2048x128xf32, #tpu.memory_space<hbm>> -> memref<1x128x128xf32, #tpu.memory_space<hbm>>
        %dma_start3A_924 = tpu.memref_squeeze %dma_start3A_923 : memref<1x128x128xf32, #tpu.memory_space<hbm>> -> memref<128x128xf32, #tpu.memory_space<hbm>>
        %dma_start3A_925 = tpu.memref_slice %arg14[%dma_start3A_917, %and3A_893] : memref<3x2x!tpu.dma_semaphore, #tpu.memory_space<semaphore_mem>> -> memref<1x1x!tpu.dma_semaphore, #tpu.memory_space<semaphore_mem>>
        %dma_start3A_926 = tpu.memref_squeeze %dma_start3A_925 : memref<1x1x!tpu.dma_semaphore, #tpu.memory_space<semaphore_mem>> -> memref<!tpu.dma_semaphore, #tpu.memory_space<semaphore_mem>>
        %dma_start3A_927 = arith.constant 0 : i32
        %dma_start3A_928 = arith.constant 0 : i32
        %dma_start3A_929 = tpu.memref_slice %arg11[%and3A_893, %dma_start3A_927, %dma_start3A_928] : memref<2x128x128xf32, #tpu.memory_space<vmem>> -> memref<1x128x128xf32, #tpu.memory_space<vmem>>
        %dma_start3A_930 = tpu.memref_squeeze %dma_start3A_929 : memref<1x128x128xf32, #tpu.memory_space<vmem>> -> memref<128x128xf32, #tpu.memory_space<vmem>>
        %dma_start3A_931 = arith.constant 0 : i32
        %dma_start3A_932 = tpu.memref_slice %arg5[%add3A_2, %mul3A_897, %dma_start3A_931] : memref<64x2048x128xf32, #tpu.memory_space<hbm>> -> memref<1x128x128xf32, #tpu.memory_space<hbm>>
        %dma_start3A_933 = tpu.memref_squeeze %dma_start3A_932 : memref<1x128x128xf32, #tpu.memory_space<hbm>> -> memref<128x128xf32, #tpu.memory_space<hbm>>
        tpu.enqueue_dma source(%dma_start3A_933 : memref<128x128xf32, #tpu.memory_space<hbm>>) target(%dma_start3A_930 : memref<128x128xf32, #tpu.memory_space<vmem>>) target_semaphore(%dma_start3A_926 : memref<!tpu.dma_semaphore, #tpu.memory_space<semaphore_mem>>)
        %dma_start3A_934 = arith.constant 2 : i32
        %dma_start3A_935 = arith.constant 0 : i32
        %dma_start3A_936 = arith.constant 0 : i32
        %dma_start3A_937 = tpu.memref_slice %arg12[%and3A_893, %dma_start3A_935, %dma_start3A_936] : memref<2x128x128xf32, #tpu.memory_space<vmem>> -> memref<1x128x128xf32, #tpu.memory_space<vmem>>
        %dma_start3A_938 = tpu.memref_squeeze %dma_start3A_937 : memref<1x128x128xf32, #tpu.memory_space<vmem>> -> memref<128x128xf32, #tpu.memory_space<vmem>>
        %dma_start3A_939 = arith.constant 0 : i32
        %dma_start3A_940 = tpu.memref_slice %arg6[%add3A_2, %mul3A_899, %dma_start3A_939] : memref<64x2048x128xf32, #tpu.memory_space<hbm>> -> memref<1x128x128xf32, #tpu.memory_space<hbm>>
        %dma_start3A_941 = tpu.memref_squeeze %dma_start3A_940 : memref<1x128x128xf32, #tpu.memory_space<hbm>> -> memref<128x128xf32, #tpu.memory_space<hbm>>
        %dma_start3A_942 = tpu.memref_slice %arg14[%dma_start3A_934, %and3A_893] : memref<3x2x!tpu.dma_semaphore, #tpu.memory_space<semaphore_mem>> -> memref<1x1x!tpu.dma_semaphore, #tpu.memory_space<semaphore_mem>>
        %dma_start3A_943 = tpu.memref_squeeze %dma_start3A_942 : memref<1x1x!tpu.dma_semaphore, #tpu.memory_space<semaphore_mem>> -> memref<!tpu.dma_semaphore, #tpu.memory_space<semaphore_mem>>
        %dma_start3A_944 = arith.constant 0 : i32
        %dma_start3A_945 = arith.constant 0 : i32
        %dma_start3A_946 = tpu.memref_slice %arg12[%and3A_893, %dma_start3A_944, %dma_start3A_945] : memref<2x128x128xf32, #tpu.memory_space<vmem>> -> memref<1x128x128xf32, #tpu.memory_space<vmem>>
        %dma_start3A_947 = tpu.memref_squeeze %dma_start3A_946 : memref<1x128x128xf32, #tpu.memory_space<vmem>> -> memref<128x128xf32, #tpu.memory_space<vmem>>
        %dma_start3A_948 = arith.constant 0 : i32
        %dma_start3A_949 = tpu.memref_slice %arg6[%add3A_2, %mul3A_899, %dma_start3A_948] : memref<64x2048x128xf32, #tpu.memory_space<hbm>> -> memref<1x128x128xf32, #tpu.memory_space<hbm>>
        %dma_start3A_950 = tpu.memref_squeeze %dma_start3A_949 : memref<1x128x128xf32, #tpu.memory_space<hbm>> -> memref<128x128xf32, #tpu.memory_space<hbm>>
        tpu.enqueue_dma source(%dma_start3A_950 : memref<128x128xf32, #tpu.memory_space<hbm>>) target(%dma_start3A_947 : memref<128x128xf32, #tpu.memory_space<vmem>>) target_semaphore(%dma_start3A_943 : memref<!tpu.dma_semaphore, #tpu.memory_space<semaphore_mem>>)
      } else {
      }
      %mul3A_827 = arith.constant 128 : i32
      %mul3A_828 = arith.muli %while3A_818, %mul3A_827 : i32
      %mul3A_829 = arith.constant 128 : i32
      %mul3A_830 = arith.muli %while3A_818, %mul3A_829 : i32
      %mul3A_831 = arith.constant 128 : i32
      %mul3A_832 = arith.muli %while3A_818, %mul3A_831 : i32
      %dma_wait3A = arith.constant 0 : i32
      %dma_wait3A_833 = arith.constant 0 : i32
      %dma_wait3A_834 = arith.constant 0 : i32
      %dma_wait3A_835 = tpu.memref_slice %arg10[%and3A_823, %dma_wait3A_833, %dma_wait3A_834] : memref<2x128x128xf32, #tpu.memory_space<vmem>> -> memref<1x128x128xf32, #tpu.memory_space<vmem>>
      %dma_wait3A_836 = tpu.memref_squeeze %dma_wait3A_835 : memref<1x128x128xf32, #tpu.memory_space<vmem>> -> memref<128x128xf32, #tpu.memory_space<vmem>>
      %dma_wait3A_837 = arith.constant 0 : i32
      %dma_wait3A_838 = tpu.memref_slice %arg4[%add3A_2, %mul3A_828, %dma_wait3A_837] : memref<64x2048x128xf32, #tpu.memory_space<hbm>> -> memref<1x128x128xf32, #tpu.memory_space<hbm>>
      %dma_wait3A_839 = tpu.memref_squeeze %dma_wait3A_838 : memref<1x128x128xf32, #tpu.memory_space<hbm>> -> memref<128x128xf32, #tpu.memory_space<hbm>>
      %dma_wait3A_840 = tpu.memref_slice %arg14[%dma_wait3A, %and3A_823] : memref<3x2x!tpu.dma_semaphore, #tpu.memory_space<semaphore_mem>> -> memref<1x1x!tpu.dma_semaphore, #tpu.memory_space<semaphore_mem>>
      %dma_wait3A_841 = tpu.memref_squeeze %dma_wait3A_840 : memref<1x1x!tpu.dma_semaphore, #tpu.memory_space<semaphore_mem>> -> memref<!tpu.dma_semaphore, #tpu.memory_space<semaphore_mem>>
      %dma_wait3A_842 = arith.constant 0 : i32
      %dma_wait3A_843 = arith.constant 0 : i32
      %dma_wait3A_844 = tpu.memref_slice %arg10[%and3A_823, %dma_wait3A_842, %dma_wait3A_843] : memref<2x128x128xf32, #tpu.memory_space<vmem>> -> memref<1x128x128xf32, #tpu.memory_space<vmem>>
      %dma_wait3A_845 = tpu.memref_squeeze %dma_wait3A_844 : memref<1x128x128xf32, #tpu.memory_space<vmem>> -> memref<128x128xf32, #tpu.memory_space<vmem>>
      %dma_wait3A_846 = arith.constant 0 : i32
      %dma_wait3A_847 = tpu.memref_slice %arg4[%add3A_2, %mul3A_828, %dma_wait3A_846] : memref<64x2048x128xf32, #tpu.memory_space<hbm>> -> memref<1x128x128xf32, #tpu.memory_space<hbm>>
      %dma_wait3A_848 = tpu.memref_squeeze %dma_wait3A_847 : memref<1x128x128xf32, #tpu.memory_space<hbm>> -> memref<128x128xf32, #tpu.memory_space<hbm>>
      tpu.wait_dma2 semaphore(%dma_wait3A_841 : memref<!tpu.dma_semaphore, #tpu.memory_space<semaphore_mem>>) src(%dma_wait3A_848 : memref<128x128xf32, #tpu.memory_space<hbm>>) dst(%dma_wait3A_845 : memref<128x128xf32, #tpu.memory_space<vmem>>)
      %dma_wait3A_849 = arith.constant 1 : i32
      %dma_wait3A_850 = arith.constant 0 : i32
      %dma_wait3A_851 = arith.constant 0 : i32
      %dma_wait3A_852 = tpu.memref_slice %arg11[%and3A_823, %dma_wait3A_850, %dma_wait3A_851] : memref<2x128x128xf32, #tpu.memory_space<vmem>> -> memref<1x128x128xf32, #tpu.memory_space<vmem>>
      %dma_wait3A_853 = tpu.memref_squeeze %dma_wait3A_852 : memref<1x128x128xf32, #tpu.memory_space<vmem>> -> memref<128x128xf32, #tpu.memory_space<vmem>>
      %dma_wait3A_854 = arith.constant 0 : i32
      %dma_wait3A_855 = tpu.memref_slice %arg5[%add3A_2, %mul3A_830, %dma_wait3A_854] : memref<64x2048x128xf32, #tpu.memory_space<hbm>> -> memref<1x128x128xf32, #tpu.memory_space<hbm>>
      %dma_wait3A_856 = tpu.memref_squeeze %dma_wait3A_855 : memref<1x128x128xf32, #tpu.memory_space<hbm>> -> memref<128x128xf32, #tpu.memory_space<hbm>>
      %dma_wait3A_857 = tpu.memref_slice %arg14[%dma_wait3A_849, %and3A_823] : memref<3x2x!tpu.dma_semaphore, #tpu.memory_space<semaphore_mem>> -> memref<1x1x!tpu.dma_semaphore, #tpu.memory_space<semaphore_mem>>
      %dma_wait3A_858 = tpu.memref_squeeze %dma_wait3A_857 : memref<1x1x!tpu.dma_semaphore, #tpu.memory_space<semaphore_mem>> -> memref<!tpu.dma_semaphore, #tpu.memory_space<semaphore_mem>>
      %dma_wait3A_859 = arith.constant 0 : i32
      %dma_wait3A_860 = arith.constant 0 : i32
      %dma_wait3A_861 = tpu.memref_slice %arg11[%and3A_823, %dma_wait3A_859, %dma_wait3A_860] : memref<2x128x128xf32, #tpu.memory_space<vmem>> -> memref<1x128x128xf32, #tpu.memory_space<vmem>>
      %dma_wait3A_862 = tpu.memref_squeeze %dma_wait3A_861 : memref<1x128x128xf32, #tpu.memory_space<vmem>> -> memref<128x128xf32, #tpu.memory_space<vmem>>
      %dma_wait3A_863 = arith.constant 0 : i32
      %dma_wait3A_864 = tpu.memref_slice %arg5[%add3A_2, %mul3A_830, %dma_wait3A_863] : memref<64x2048x128xf32, #tpu.memory_space<hbm>> -> memref<1x128x128xf32, #tpu.memory_space<hbm>>
      %dma_wait3A_865 = tpu.memref_squeeze %dma_wait3A_864 : memref<1x128x128xf32, #tpu.memory_space<hbm>> -> memref<128x128xf32, #tpu.memory_space<hbm>>
      tpu.wait_dma2 semaphore(%dma_wait3A_858 : memref<!tpu.dma_semaphore, #tpu.memory_space<semaphore_mem>>) src(%dma_wait3A_865 : memref<128x128xf32, #tpu.memory_space<hbm>>) dst(%dma_wait3A_862 : memref<128x128xf32, #tpu.memory_space<vmem>>)
      %dma_wait3A_866 = arith.constant 2 : i32
      %dma_wait3A_867 = arith.constant 0 : i32
      %dma_wait3A_868 = arith.constant 0 : i32
      %dma_wait3A_869 = tpu.memref_slice %arg12[%and3A_823, %dma_wait3A_867, %dma_wait3A_868] : memref<2x128x128xf32, #tpu.memory_space<vmem>> -> memref<1x128x128xf32, #tpu.memory_space<vmem>>
      %dma_wait3A_870 = tpu.memref_squeeze %dma_wait3A_869 : memref<1x128x128xf32, #tpu.memory_space<vmem>> -> memref<128x128xf32, #tpu.memory_space<vmem>>
      %dma_wait3A_871 = arith.constant 0 : i32
      %dma_wait3A_872 = tpu.memref_slice %arg6[%add3A_2, %mul3A_832, %dma_wait3A_871] : memref<64x2048x128xf32, #tpu.memory_space<hbm>> -> memref<1x128x128xf32, #tpu.memory_space<hbm>>
      %dma_wait3A_873 = tpu.memref_squeeze %dma_wait3A_872 : memref<1x128x128xf32, #tpu.memory_space<hbm>> -> memref<128x128xf32, #tpu.memory_space<hbm>>
      %dma_wait3A_874 = tpu.memref_slice %arg14[%dma_wait3A_866, %and3A_823] : memref<3x2x!tpu.dma_semaphore, #tpu.memory_space<semaphore_mem>> -> memref<1x1x!tpu.dma_semaphore, #tpu.memory_space<semaphore_mem>>
      %dma_wait3A_875 = tpu.memref_squeeze %dma_wait3A_874 : memref<1x1x!tpu.dma_semaphore, #tpu.memory_space<semaphore_mem>> -> memref<!tpu.dma_semaphore, #tpu.memory_space<semaphore_mem>>
      %dma_wait3A_876 = arith.constant 0 : i32
      %dma_wait3A_877 = arith.constant 0 : i32
      %dma_wait3A_878 = tpu.memref_slice %arg12[%and3A_823, %dma_wait3A_876, %dma_wait3A_877] : memref<2x128x128xf32, #tpu.memory_space<vmem>> -> memref<1x128x128xf32, #tpu.memory_space<vmem>>
      %dma_wait3A_879 = tpu.memref_squeeze %dma_wait3A_878 : memref<1x128x128xf32, #tpu.memory_space<vmem>> -> memref<128x128xf32, #tpu.memory_space<vmem>>
      %dma_wait3A_880 = arith.constant 0 : i32
      %dma_wait3A_881 = tpu.memref_slice %arg6[%add3A_2, %mul3A_832, %dma_wait3A_880] : memref<64x2048x128xf32, #tpu.memory_space<hbm>> -> memref<1x128x128xf32, #tpu.memory_space<hbm>>
      %dma_wait3A_882 = tpu.memref_squeeze %dma_wait3A_881 : memref<1x128x128xf32, #tpu.memory_space<hbm>> -> memref<128x128xf32, #tpu.memory_space<hbm>>
      tpu.wait_dma2 semaphore(%dma_wait3A_875 : memref<!tpu.dma_semaphore, #tpu.memory_space<semaphore_mem>>) src(%dma_wait3A_882 : memref<128x128xf32, #tpu.memory_space<hbm>>) dst(%dma_wait3A_879 : memref<128x128xf32, #tpu.memory_space<vmem>>)
      %scan3A = arith.constant 0 : i32
      %scan3A_883 = arith.constant 128 : i32
      %scan3A_884 = arith.addi %scan3A, %scan3A_883 : i32
      %scan3A_885 = arith.constant 1 : i32
      %scan3A_886 = scf.for %scan3A_888 = %scan3A to %scan3A_884 step %scan3A_885 iter_args(%scan3A_889 = %while3A_819) -> (vector<16xf32>)  : i32 {
        %broadcast_in_dim3A_890 = arith.constant 0.000000e+00 : f32
        %broadcast_in_dim3A_891 = vector.broadcast %broadcast_in_dim3A_890 : f32 to vector<16xf32>
        %broadcast_in_dim3A_892 = arith.constant 0.000000e+00 : f32
        %broadcast_in_dim3A_893 = vector.broadcast %broadcast_in_dim3A_892 : f32 to vector<16xf32>
        %get3A_894 = arith.index_cast %and3A_823 : i32 to index
        %get3A_895 = arith.index_cast %scan3A_888 : i32 to index
        %get3A_896 = arith.constant 0 : index
        %get3A_897 = tpu.vector_load %arg10[%get3A_894, %get3A_895, %get3A_896] {strides = array<i32>} : memref<2x128x128xf32, #tpu.memory_space<vmem>>, vector<1x1x16xf32>,
        %get3A_898 = vector.shape_cast %get3A_897 : vector<1x1x16xf32> to vector<16xf32>
        %sub3A_899 = arith.subf %get3A_898, %mul3A_30 : vector<16xf32>
        %mul3A_900 = arith.mulf %get3A_898, %sub3A_899 : vector<16xf32>
        %add3A_901 = arith.addf %broadcast_in_dim3A_891, %mul3A_900 : vector<16xf32>
        %get3A_902 = arith.index_cast %and3A_823 : i32 to index
        %get3A_903 = arith.index_cast %scan3A_888 : i32 to index
        %get3A_904 = arith.constant 16 : index
        %get3A_905 = tpu.vector_load %arg10[%get3A_902, %get3A_903, %get3A_904] {strides = array<i32>} : memref<2x128x128xf32, #tpu.memory_space<vmem>>, vector<1x1x16xf32>,
        %get3A_906 = vector.shape_cast %get3A_905 : vector<1x1x16xf32> to vector<16xf32>
        %sub3A_907 = arith.subf %get3A_906, %mul3A_36 : vector<16xf32>
        %mul3A_908 = arith.mulf %get3A_906, %sub3A_907 : vector<16xf32>
        %add3A_909 = arith.addf %broadcast_in_dim3A_893, %mul3A_908 : vector<16xf32>
        %get3A_910 = arith.index_cast %and3A_823 : i32 to index
        %get3A_911 = arith.index_cast %scan3A_888 : i32 to index
        %get3A_912 = arith.constant 32 : index
        %get3A_913 = tpu.vector_load %arg10[%get3A_910, %get3A_911, %get3A_912] {strides = array<i32>} : memref<2x128x128xf32, #tpu.memory_space<vmem>>, vector<1x1x16xf32>,
        %get3A_914 = vector.shape_cast %get3A_913 : vector<1x1x16xf32> to vector<16xf32>
        %sub3A_915 = arith.subf %get3A_914, %mul3A_42 : vector<16xf32>
        %mul3A_916 = arith.mulf %get3A_914, %sub3A_915 : vector<16xf32>
        %add3A_917 = arith.addf %add3A_901, %mul3A_916 : vector<16xf32>
        %get3A_918 = arith.index_cast %and3A_823 : i32 to index
        %get3A_919 = arith.index_cast %scan3A_888 : i32 to index
        %get3A_920 = arith.constant 48 : index
        %get3A_921 = tpu.vector_load %arg10[%get3A_918, %get3A_919, %get3A_920] {strides = array<i32>} : memref<2x128x128xf32, #tpu.memory_space<vmem>>, vector<1x1x16xf32>,
        %get3A_922 = vector.shape_cast %get3A_921 : vector<1x1x16xf32> to vector<16xf32>
        %sub3A_923 = arith.subf %get3A_922, %mul3A_48 : vector<16xf32>
        %mul3A_924 = arith.mulf %get3A_922, %sub3A_923 : vector<16xf32>
        %add3A_925 = arith.addf %add3A_909, %mul3A_924 : vector<16xf32>
        %get3A_926 = arith.index_cast %and3A_823 : i32 to index
        %get3A_927 = arith.index_cast %scan3A_888 : i32 to index
        %get3A_928 = arith.constant 64 : index
        %get3A_929 = tpu.vector_load %arg10[%get3A_926, %get3A_927, %get3A_928] {strides = array<i32>} : memref<2x128x128xf32, #tpu.memory_space<vmem>>, vector<1x1x16xf32>,
        %get3A_930 = vector.shape_cast %get3A_929 : vector<1x1x16xf32> to vector<16xf32>
        %sub3A_931 = arith.subf %get3A_930, %mul3A_54 : vector<16xf32>
        %mul3A_932 = arith.mulf %get3A_930, %sub3A_931 : vector<16xf32>
        %add3A_933 = arith.addf %add3A_917, %mul3A_932 : vector<16xf32>
        %get3A_934 = arith.index_cast %and3A_823 : i32 to index
        %get3A_935 = arith.index_cast %scan3A_888 : i32 to index
        %get3A_936 = arith.constant 80 : index
        %get3A_937 = tpu.vector_load %arg10[%get3A_934, %get3A_935, %get3A_936] {strides = array<i32>} : memref<2x128x128xf32, #tpu.memory_space<vmem>>, vector<1x1x16xf32>,
        %get3A_938 = vector.shape_cast %get3A_937 : vector<1x1x16xf32> to vector<16xf32>
        %sub3A_939 = arith.subf %get3A_938, %mul3A_60 : vector<16xf32>
        %mul3A_940 = arith.mulf %get3A_938, %sub3A_939 : vector<16xf32>
        %add3A_941 = arith.addf %add3A_925, %mul3A_940 : vector<16xf32>
        %get3A_942 = arith.index_cast %and3A_823 : i32 to index
        %get3A_943 = arith.index_cast %scan3A_888 : i32 to index
        %get3A_944 = arith.constant 96 : index
        %get3A_945 = tpu.vector_load %arg10[%get3A_942, %get3A_943, %get3A_944] {strides = array<i32>} : memref<2x128x128xf32, #tpu.memory_space<vmem>>, vector<1x1x16xf32>,
        %get3A_946 = vector.shape_cast %get3A_945 : vector<1x1x16xf32> to vector<16xf32>
        %sub3A_947 = arith.subf %get3A_946, %mul3A_66 : vector<16xf32>
        %mul3A_948 = arith.mulf %get3A_946, %sub3A_947 : vector<16xf32>
        %add3A_949 = arith.addf %add3A_933, %mul3A_948 : vector<16xf32>
        %get3A_950 = arith.index_cast %and3A_823 : i32 to index
        %get3A_951 = arith.index_cast %scan3A_888 : i32 to index
        %get3A_952 = arith.constant 112 : index
        %get3A_953 = tpu.vector_load %arg10[%get3A_950, %get3A_951, %get3A_952] {strides = array<i32>} : memref<2x128x128xf32, #tpu.memory_space<vmem>>, vector<1x1x16xf32>,
        %get3A_954 = vector.shape_cast %get3A_953 : vector<1x1x16xf32> to vector<16xf32>
        %sub3A_955 = arith.subf %get3A_954, %mul3A_72 : vector<16xf32>
        %mul3A_956 = arith.mulf %get3A_954, %sub3A_955 : vector<16xf32>
        %add3A_957 = arith.addf %add3A_941, %mul3A_956 : vector<16xf32>
        %add3A_958 = arith.addf %add3A_949, %add3A_957 : vector<16xf32>
        %broadcast_in_dim3A_959 = arith.constant 0.000000e+00 : f32
        %broadcast_in_dim3A_960 = vector.broadcast %broadcast_in_dim3A_959 : f32 to vector<16xf32>
        %broadcast_in_dim3A_961 = arith.constant 0.000000e+00 : f32
        %broadcast_in_dim3A_962 = vector.broadcast %broadcast_in_dim3A_961 : f32 to vector<16xf32>
        %get3A_963 = arith.index_cast %and3A_823 : i32 to index
        %get3A_964 = arith.index_cast %scan3A_888 : i32 to index
        %get3A_965 = arith.constant 0 : index
        %get3A_966 = tpu.vector_load %arg11[%get3A_963, %get3A_964, %get3A_965] {strides = array<i32>} : memref<2x128x128xf32, #tpu.memory_space<vmem>>, vector<1x1x16xf32>,
        %get3A_967 = vector.shape_cast %get3A_966 : vector<1x1x16xf32> to vector<16xf32>
        %sub3A_968 = arith.subf %get3A_967, %mul3A_78 : vector<16xf32>
        %mul3A_969 = arith.mulf %get3A_967, %sub3A_968 : vector<16xf32>
        %add3A_970 = arith.addf %broadcast_in_dim3A_960, %mul3A_969 : vector<16xf32>
        %get3A_971 = arith.index_cast %and3A_823 : i32 to index
        %get3A_972 = arith.index_cast %scan3A_888 : i32 to index
        %get3A_973 = arith.constant 16 : index
        %get3A_974 = tpu.vector_load %arg11[%get3A_971, %get3A_972, %get3A_973] {strides = array<i32>} : memref<2x128x128xf32, #tpu.memory_space<vmem>>, vector<1x1x16xf32>,
        %get3A_975 = vector.shape_cast %get3A_974 : vector<1x1x16xf32> to vector<16xf32>
        %sub3A_976 = arith.subf %get3A_975, %mul3A_84 : vector<16xf32>
        %mul3A_977 = arith.mulf %get3A_975, %sub3A_976 : vector<16xf32>
        %add3A_978 = arith.addf %broadcast_in_dim3A_962, %mul3A_977 : vector<16xf32>
        %get3A_979 = arith.index_cast %and3A_823 : i32 to index
        %get3A_980 = arith.index_cast %scan3A_888 : i32 to index
        %get3A_981 = arith.constant 32 : index
        %get3A_982 = tpu.vector_load %arg11[%get3A_979, %get3A_980, %get3A_981] {strides = array<i32>} : memref<2x128x128xf32, #tpu.memory_space<vmem>>, vector<1x1x16xf32>,
        %get3A_983 = vector.shape_cast %get3A_982 : vector<1x1x16xf32> to vector<16xf32>
        %sub3A_984 = arith.subf %get3A_983, %mul3A_90 : vector<16xf32>
        %mul3A_985 = arith.mulf %get3A_983, %sub3A_984 : vector<16xf32>
        %add3A_986 = arith.addf %add3A_970, %mul3A_985 : vector<16xf32>
        %get3A_987 = arith.index_cast %and3A_823 : i32 to index
        %get3A_988 = arith.index_cast %scan3A_888 : i32 to index
        %get3A_989 = arith.constant 48 : index
        %get3A_990 = tpu.vector_load %arg11[%get3A_987, %get3A_988, %get3A_989] {strides = array<i32>} : memref<2x128x128xf32, #tpu.memory_space<vmem>>, vector<1x1x16xf32>,
        %get3A_991 = vector.shape_cast %get3A_990 : vector<1x1x16xf32> to vector<16xf32>
        %sub3A_992 = arith.subf %get3A_991, %mul3A_96 : vector<16xf32>
        %mul3A_993 = arith.mulf %get3A_991, %sub3A_992 : vector<16xf32>
        %add3A_994 = arith.addf %add3A_978, %mul3A_993 : vector<16xf32>
        %get3A_995 = arith.index_cast %and3A_823 : i32 to index
        %get3A_996 = arith.index_cast %scan3A_888 : i32 to index
        %get3A_997 = arith.constant 64 : index
        %get3A_998 = tpu.vector_load %arg11[%get3A_995, %get3A_996, %get3A_997] {strides = array<i32>} : memref<2x128x128xf32, #tpu.memory_space<vmem>>, vector<1x1x16xf32>,
        %get3A_999 = vector.shape_cast %get3A_998 : vector<1x1x16xf32> to vector<16xf32>
        %sub3A_1000 = arith.subf %get3A_999, %mul3A_102 : vector<16xf32>
        %mul3A_1001 = arith.mulf %get3A_999, %sub3A_1000 : vector<16xf32>
        %add3A_1002 = arith.addf %add3A_986, %mul3A_1001 : vector<16xf32>
        %get3A_1003 = arith.index_cast %and3A_823 : i32 to index
        %get3A_1004 = arith.index_cast %scan3A_888 : i32 to index
        %get3A_1005 = arith.constant 80 : index
        %get3A_1006 = tpu.vector_load %arg11[%get3A_1003, %get3A_1004, %get3A_1005] {strides = array<i32>} : memref<2x128x128xf32, #tpu.memory_space<vmem>>, vector<1x1x16xf32>,
        %get3A_1007 = vector.shape_cast %get3A_1006 : vector<1x1x16xf32> to vector<16xf32>
        %sub3A_1008 = arith.subf %get3A_1007, %mul3A_108 : vector<16xf32>
        %mul3A_1009 = arith.mulf %get3A_1007, %sub3A_1008 : vector<16xf32>
        %add3A_1010 = arith.addf %add3A_994, %mul3A_1009 : vector<16xf32>
        %get3A_1011 = arith.index_cast %and3A_823 : i32 to index
        %get3A_1012 = arith.index_cast %scan3A_888 : i32 to index
        %get3A_1013 = arith.constant 96 : index
        %get3A_1014 = tpu.vector_load %arg11[%get3A_1011, %get3A_1012, %get3A_1013] {strides = array<i32>} : memref<2x128x128xf32, #tpu.memory_space<vmem>>, vector<1x1x16xf32>,
        %get3A_1015 = vector.shape_cast %get3A_1014 : vector<1x1x16xf32> to vector<16xf32>
        %sub3A_1016 = arith.subf %get3A_1015, %mul3A_114 : vector<16xf32>
        %mul3A_1017 = arith.mulf %get3A_1015, %sub3A_1016 : vector<16xf32>
        %add3A_1018 = arith.addf %add3A_1002, %mul3A_1017 : vector<16xf32>
        %get3A_1019 = arith.index_cast %and3A_823 : i32 to index
        %get3A_1020 = arith.index_cast %scan3A_888 : i32 to index
        %get3A_1021 = arith.constant 112 : index
        %get3A_1022 = tpu.vector_load %arg11[%get3A_1019, %get3A_1020, %get3A_1021] {strides = array<i32>} : memref<2x128x128xf32, #tpu.memory_space<vmem>>, vector<1x1x16xf32>,
        %get3A_1023 = vector.shape_cast %get3A_1022 : vector<1x1x16xf32> to vector<16xf32>
        %sub3A_1024 = arith.subf %get3A_1023, %mul3A_120 : vector<16xf32>
        %mul3A_1025 = arith.mulf %get3A_1023, %sub3A_1024 : vector<16xf32>
        %add3A_1026 = arith.addf %add3A_1010, %mul3A_1025 : vector<16xf32>
        %add3A_1027 = arith.addf %add3A_1018, %add3A_1026 : vector<16xf32>
        %broadcast_in_dim3A_1028 = arith.constant 0.000000e+00 : f32
        %broadcast_in_dim3A_1029 = vector.broadcast %broadcast_in_dim3A_1028 : f32 to vector<16xf32>
        %broadcast_in_dim3A_1030 = arith.constant 0.000000e+00 : f32
        %broadcast_in_dim3A_1031 = vector.broadcast %broadcast_in_dim3A_1030 : f32 to vector<16xf32>
        %get3A_1032 = arith.index_cast %and3A_823 : i32 to index
        %get3A_1033 = arith.index_cast %scan3A_888 : i32 to index
        %get3A_1034 = arith.constant 0 : index
        %get3A_1035 = tpu.vector_load %arg12[%get3A_1032, %get3A_1033, %get3A_1034] {strides = array<i32>} : memref<2x128x128xf32, #tpu.memory_space<vmem>>, vector<1x1x16xf32>,
        %get3A_1036 = vector.shape_cast %get3A_1035 : vector<1x1x16xf32> to vector<16xf32>
        %sub3A_1037 = arith.subf %get3A_1036, %mul3A_126 : vector<16xf32>
        %mul3A_1038 = arith.mulf %get3A_1036, %sub3A_1037 : vector<16xf32>
        %add3A_1039 = arith.addf %broadcast_in_dim3A_1029, %mul3A_1038 : vector<16xf32>
        %get3A_1040 = arith.index_cast %and3A_823 : i32 to index
        %get3A_1041 = arith.index_cast %scan3A_888 : i32 to index
        %get3A_1042 = arith.constant 16 : index
        %get3A_1043 = tpu.vector_load %arg12[%get3A_1040, %get3A_1041, %get3A_1042] {strides = array<i32>} : memref<2x128x128xf32, #tpu.memory_space<vmem>>, vector<1x1x16xf32>,
        %get3A_1044 = vector.shape_cast %get3A_1043 : vector<1x1x16xf32> to vector<16xf32>
        %sub3A_1045 = arith.subf %get3A_1044, %mul3A_132 : vector<16xf32>
        %mul3A_1046 = arith.mulf %get3A_1044, %sub3A_1045 : vector<16xf32>
        %add3A_1047 = arith.addf %broadcast_in_dim3A_1031, %mul3A_1046 : vector<16xf32>
        %get3A_1048 = arith.index_cast %and3A_823 : i32 to index
        %get3A_1049 = arith.index_cast %scan3A_888 : i32 to index
        %get3A_1050 = arith.constant 32 : index
        %get3A_1051 = tpu.vector_load %arg12[%get3A_1048, %get3A_1049, %get3A_1050] {strides = array<i32>} : memref<2x128x128xf32, #tpu.memory_space<vmem>>, vector<1x1x16xf32>,
        %get3A_1052 = vector.shape_cast %get3A_1051 : vector<1x1x16xf32> to vector<16xf32>
        %sub3A_1053 = arith.subf %get3A_1052, %mul3A_138 : vector<16xf32>
        %mul3A_1054 = arith.mulf %get3A_1052, %sub3A_1053 : vector<16xf32>
        %add3A_1055 = arith.addf %add3A_1039, %mul3A_1054 : vector<16xf32>
        %get3A_1056 = arith.index_cast %and3A_823 : i32 to index
        %get3A_1057 = arith.index_cast %scan3A_888 : i32 to index
        %get3A_1058 = arith.constant 48 : index
        %get3A_1059 = tpu.vector_load %arg12[%get3A_1056, %get3A_1057, %get3A_1058] {strides = array<i32>} : memref<2x128x128xf32, #tpu.memory_space<vmem>>, vector<1x1x16xf32>,
        %get3A_1060 = vector.shape_cast %get3A_1059 : vector<1x1x16xf32> to vector<16xf32>
        %sub3A_1061 = arith.subf %get3A_1060, %mul3A_144 : vector<16xf32>
        %mul3A_1062 = arith.mulf %get3A_1060, %sub3A_1061 : vector<16xf32>
        %add3A_1063 = arith.addf %add3A_1047, %mul3A_1062 : vector<16xf32>
        %get3A_1064 = arith.index_cast %and3A_823 : i32 to index
        %get3A_1065 = arith.index_cast %scan3A_888 : i32 to index
        %get3A_1066 = arith.constant 64 : index
        %get3A_1067 = tpu.vector_load %arg12[%get3A_1064, %get3A_1065, %get3A_1066] {strides = array<i32>} : memref<2x128x128xf32, #tpu.memory_space<vmem>>, vector<1x1x16xf32>,
        %get3A_1068 = vector.shape_cast %get3A_1067 : vector<1x1x16xf32> to vector<16xf32>
        %sub3A_1069 = arith.subf %get3A_1068, %mul3A_150 : vector<16xf32>
        %mul3A_1070 = arith.mulf %get3A_1068, %sub3A_1069 : vector<16xf32>
        %add3A_1071 = arith.addf %add3A_1055, %mul3A_1070 : vector<16xf32>
        %get3A_1072 = arith.index_cast %and3A_823 : i32 to index
        %get3A_1073 = arith.index_cast %scan3A_888 : i32 to index
        %get3A_1074 = arith.constant 80 : index
        %get3A_1075 = tpu.vector_load %arg12[%get3A_1072, %get3A_1073, %get3A_1074] {strides = array<i32>} : memref<2x128x128xf32, #tpu.memory_space<vmem>>, vector<1x1x16xf32>,
        %get3A_1076 = vector.shape_cast %get3A_1075 : vector<1x1x16xf32> to vector<16xf32>
        %sub3A_1077 = arith.subf %get3A_1076, %mul3A_156 : vector<16xf32>
        %mul3A_1078 = arith.mulf %get3A_1076, %sub3A_1077 : vector<16xf32>
        %add3A_1079 = arith.addf %add3A_1063, %mul3A_1078 : vector<16xf32>
        %get3A_1080 = arith.index_cast %and3A_823 : i32 to index
        %get3A_1081 = arith.index_cast %scan3A_888 : i32 to index
        %get3A_1082 = arith.constant 96 : index
        %get3A_1083 = tpu.vector_load %arg12[%get3A_1080, %get3A_1081, %get3A_1082] {strides = array<i32>} : memref<2x128x128xf32, #tpu.memory_space<vmem>>, vector<1x1x16xf32>,
        %get3A_1084 = vector.shape_cast %get3A_1083 : vector<1x1x16xf32> to vector<16xf32>
        %sub3A_1085 = arith.subf %get3A_1084, %mul3A_162 : vector<16xf32>
        %mul3A_1086 = arith.mulf %get3A_1084, %sub3A_1085 : vector<16xf32>
        %add3A_1087 = arith.addf %add3A_1071, %mul3A_1086 : vector<16xf32>
        %get3A_1088 = arith.index_cast %and3A_823 : i32 to index
        %get3A_1089 = arith.index_cast %scan3A_888 : i32 to index
        %get3A_1090 = arith.constant 112 : index
        %get3A_1091 = tpu.vector_load %arg12[%get3A_1088, %get3A_1089, %get3A_1090] {strides = array<i32>} : memref<2x128x128xf32, #tpu.memory_space<vmem>>, vector<1x1x16xf32>,
        %get3A_1092 = vector.shape_cast %get3A_1091 : vector<1x1x16xf32> to vector<16xf32>
        %sub3A_1093 = arith.subf %get3A_1092, %mul3A_168 : vector<16xf32>
        %mul3A_1094 = arith.mulf %get3A_1092, %sub3A_1093 : vector<16xf32>
        %add3A_1095 = arith.addf %add3A_1079, %mul3A_1094 : vector<16xf32>
        %add3A_1096 = arith.addf %add3A_1087, %add3A_1095 : vector<16xf32>
        %add3A_1097 = arith.addf %add3A_958, %add3A_1027 : vector<16xf32>
        %add3A_1098 = arith.addf %add3A_1097, %add3A_1096 : vector<16xf32>
        %iota3A_1099 = tpu.iota {dimensions = array<i32: 0>} : vector<16xi32>
        %xor3A_1100 = arith.constant 1 : i32
        %xor3A_1101 = vector.broadcast %xor3A_1100 : i32 to vector<16xi32>
        %xor3A_1102 = arith.xori %iota3A_1099, %xor3A_1101 : vector<16xi32>
        %broadcast_in_dim3A_1103 = vector.shape_cast %xor3A_1102 : vector<16xi32> to vector<16x1xi32>
        %gather3A_1104 = vector.shape_cast %broadcast_in_dim3A_1103 : vector<16x1xi32> to vector<16xi32>
        %gather3A_1105 = tpu.dynamic_gather %add3A_1098[%gather3A_1104] in [0] : vector<16xf32>, vector<16xi32> -> vector<16xf32>
        %add3A_1106 = arith.addf %add3A_1098, %gather3A_1105 : vector<16xf32>
        %iota3A_1107 = tpu.iota {dimensions = array<i32: 0>} : vector<16xi32>
        %xor3A_1108 = arith.constant 2 : i32
        %xor3A_1109 = vector.broadcast %xor3A_1108 : i32 to vector<16xi32>
        %xor3A_1110 = arith.xori %iota3A_1107, %xor3A_1109 : vector<16xi32>
        %broadcast_in_dim3A_1111 = vector.shape_cast %xor3A_1110 : vector<16xi32> to vector<16x1xi32>
        %gather3A_1112 = vector.shape_cast %broadcast_in_dim3A_1111 : vector<16x1xi32> to vector<16xi32>
        %gather3A_1113 = tpu.dynamic_gather %add3A_1106[%gather3A_1112] in [0] : vector<16xf32>, vector<16xi32> -> vector<16xf32>
        %add3A_1114 = arith.addf %add3A_1106, %gather3A_1113 : vector<16xf32>
        %iota3A_1115 = tpu.iota {dimensions = array<i32: 0>} : vector<16xi32>
        %xor3A_1116 = arith.constant 4 : i32
        %xor3A_1117 = vector.broadcast %xor3A_1116 : i32 to vector<16xi32>
        %xor3A_1118 = arith.xori %iota3A_1115, %xor3A_1117 : vector<16xi32>
        %broadcast_in_dim3A_1119 = vector.shape_cast %xor3A_1118 : vector<16xi32> to vector<16x1xi32>
        %gather3A_1120 = vector.shape_cast %broadcast_in_dim3A_1119 : vector<16x1xi32> to vector<16xi32>
        %gather3A_1121 = tpu.dynamic_gather %add3A_1114[%gather3A_1120] in [0] : vector<16xf32>, vector<16xi32> -> vector<16xf32>
        %add3A_1122 = arith.addf %add3A_1114, %gather3A_1121 : vector<16xf32>
        %iota3A_1123 = tpu.iota {dimensions = array<i32: 0>} : vector<16xi32>
        %xor3A_1124 = arith.constant 8 : i32
        %xor3A_1125 = vector.broadcast %xor3A_1124 : i32 to vector<16xi32>
        %xor3A_1126 = arith.xori %iota3A_1123, %xor3A_1125 : vector<16xi32>
        %broadcast_in_dim3A_1127 = vector.shape_cast %xor3A_1126 : vector<16xi32> to vector<16x1xi32>
        %gather3A_1128 = vector.shape_cast %broadcast_in_dim3A_1127 : vector<16x1xi32> to vector<16xi32>
        %gather3A_1129 = tpu.dynamic_gather %add3A_1122[%gather3A_1128] in [0] : vector<16xf32>, vector<16xi32> -> vector<16xf32>
        %add3A_1130 = arith.addf %add3A_1122, %gather3A_1129 : vector<16xf32>
        %add3A_1131 = arith.addi %mul3A_821, %scan3A_888 : i32
        %ge3A = arith.cmpi sge, %add3A_1131, %squeeze3A : i32
        %convert_element_type3A_1132 = arith.extui %ge3A : i1 to i32
        %convert_element_type3A_1133 = arith.sitofp %convert_element_type3A_1132 : i32 to f32
        %mul3A_1134 = arith.constant 3.000000e+38 : f32
        %mul3A_1135 = arith.mulf %convert_element_type3A_1133, %mul3A_1134 : f32
        %add3A_1136 = vector.broadcast %mul3A_1135 : f32 to vector<16xf32>
        %add3A_1137 = arith.addf %add3A_1130, %add3A_1136 : vector<16xf32>
        %min3A = arith.minimumf %scan3A_889, %add3A_1137 : vector<16xf32>
        scf.yield %min3A : vector<16xf32>
      }
      %scan3A_887 = arith.constant 128 : i32
      scf.yield %scan3A_886 : vector<16xf32>
    }
    %add3A_393 = arith.addf %while3A_392, %add3A_318 : vector<16xf32>
    %mul3A_394 = arith.constant -5.000000e-01 : f32
    %mul3A_395 = vector.broadcast %mul3A_394 : f32 to vector<16xf32>
    %mul3A_396 = arith.mulf %mul3A_395, %add3A_393 : vector<16xf32>
    %exp3A = math.exp %mul3A_396 : vector<16xf32>
    %swap3A = arith.constant 0 : index
    %swap3A_397 = tpu.vector_load %arg13[%swap3A] {strides = array<i32>} : memref<16xf32, #tpu.memory_space<vmem>>, vector<16xf32>,
    %swap3A_398 = vector.shape_cast %swap3A_397 : vector<16xf32> to vector<16xf32>
    %swap3A_399 = vector.shape_cast %exp3A : vector<16xf32> to vector<16xf32>
    tpu.vector_store %arg13[%swap3A], %swap3A_399 {strides = array<i32>} : memref<16xf32, #tpu.memory_space<vmem>>, vector<16xf32>,
    "tpu.region"() ({
      %run_scoped3A = tpu.sem_alloc : memref<!tpu.dma_semaphore, #tpu.memory_space<semaphore_mem>>
      %dma_start3A_818 = arith.constant 0 : i32
      %dma_start3A_819 = tpu.memref_slice %arg7[%add3A_2, %dma_start3A_818] : memref<64x16xf32, #tpu.memory_space<hbm>> -> memref<1x16xf32, #tpu.memory_space<hbm>>
      %dma_start3A_820 = tpu.memref_squeeze %dma_start3A_819 : memref<1x16xf32, #tpu.memory_space<hbm>> -> memref<16xf32, #tpu.memory_space<hbm>>
      %dma_start3A_821 = arith.constant 0 : i32
      %dma_start3A_822 = tpu.memref_slice %arg7[%add3A_2, %dma_start3A_821] : memref<64x16xf32, #tpu.memory_space<hbm>> -> memref<1x16xf32, #tpu.memory_space<hbm>>
      %dma_start3A_823 = tpu.memref_squeeze %dma_start3A_822 : memref<1x16xf32, #tpu.memory_space<hbm>> -> memref<16xf32, #tpu.memory_space<hbm>>
      tpu.enqueue_dma source(%arg13 : memref<16xf32, #tpu.memory_space<vmem>>) target(%dma_start3A_823 : memref<16xf32, #tpu.memory_space<hbm>>) target_semaphore(%run_scoped3A : memref<!tpu.dma_semaphore, #tpu.memory_space<semaphore_mem>>)
      %dma_wait3A = arith.constant 0 : i32
      %dma_wait3A_824 = tpu.memref_slice %arg7[%add3A_2, %dma_wait3A] : memref<64x16xf32, #tpu.memory_space<hbm>> -> memref<1x16xf32, #tpu.memory_space<hbm>>
      %dma_wait3A_825 = tpu.memref_squeeze %dma_wait3A_824 : memref<1x16xf32, #tpu.memory_space<hbm>> -> memref<16xf32, #tpu.memory_space<hbm>>
      %dma_wait3A_826 = arith.constant 0 : i32
      %dma_wait3A_827 = tpu.memref_slice %arg7[%add3A_2, %dma_wait3A_826] : memref<64x16xf32, #tpu.memory_space<hbm>> -> memref<1x16xf32, #tpu.memory_space<hbm>>
      %dma_wait3A_828 = tpu.memref_squeeze %dma_wait3A_827 : memref<1x16xf32, #tpu.memory_space<hbm>> -> memref<16xf32, #tpu.memory_space<hbm>>
      tpu.wait_dma2 semaphore(%run_scoped3A : memref<!tpu.dma_semaphore, #tpu.memory_space<semaphore_mem>>) src(%arg13 : memref<16xf32, #tpu.memory_space<vmem>>) dst(%dma_wait3A_828 : memref<16xf32, #tpu.memory_space<hbm>>)
      tpu.yield
    }) : () -> ()
    %add3A_400 = arith.constant 32 : i32
    %add3A_401 = arith.addi %add3A, %add3A_400 : i32
    "tpu.region"() ({
      %run_scoped3A = tpu.sem_alloc : memref<!tpu.dma_semaphore, #tpu.memory_space<semaphore_mem>>
      %dma_start3A_818 = arith.constant 0 : i32
      %dma_start3A_819 = tpu.memref_slice %arg3[%add3A_401, %dma_start3A_818] : memref<64x384xf32, #tpu.memory_space<hbm>> -> memref<1x384xf32, #tpu.memory_space<hbm>>
      %dma_start3A_820 = tpu.memref_squeeze %dma_start3A_819 : memref<1x384xf32, #tpu.memory_space<hbm>> -> memref<384xf32, #tpu.memory_space<hbm>>
      %dma_start3A_821 = arith.constant 0 : i32
      %dma_start3A_822 = tpu.memref_slice %arg3[%add3A_401, %dma_start3A_821] : memref<64x384xf32, #tpu.memory_space<hbm>> -> memref<1x384xf32, #tpu.memory_space<hbm>>
      %dma_start3A_823 = tpu.memref_squeeze %dma_start3A_822 : memref<1x384xf32, #tpu.memory_space<hbm>> -> memref<384xf32, #tpu.memory_space<hbm>>
      tpu.enqueue_dma source(%dma_start3A_823 : memref<384xf32, #tpu.memory_space<hbm>>) target(%arg9 : memref<384xf32, #tpu.memory_space<vmem>>) target_semaphore(%run_scoped3A : memref<!tpu.dma_semaphore, #tpu.memory_space<semaphore_mem>>)
      %dma_wait3A = arith.constant 0 : i32
      %dma_wait3A_824 = tpu.memref_slice %arg3[%add3A_401, %dma_wait3A] : memref<64x384xf32, #tpu.memory_space<hbm>> -> memref<1x384xf32, #tpu.memory_space<hbm>>
      %dma_wait3A_825 = tpu.memref_squeeze %dma_wait3A_824 : memref<1x384xf32, #tpu.memory_space<hbm>> -> memref<384xf32, #tpu.memory_space<hbm>>
      %dma_wait3A_826 = arith.constant 0 : i32
      %dma_wait3A_827 = tpu.memref_slice %arg3[%add3A_401, %dma_wait3A_826] : memref<64x384xf32, #tpu.memory_space<hbm>> -> memref<1x384xf32, #tpu.memory_space<hbm>>
      %dma_wait3A_828 = tpu.memref_squeeze %dma_wait3A_827 : memref<1x384xf32, #tpu.memory_space<hbm>> -> memref<384xf32, #tpu.memory_space<hbm>>
      tpu.wait_dma2 semaphore(%run_scoped3A : memref<!tpu.dma_semaphore, #tpu.memory_space<semaphore_mem>>) src(%dma_wait3A_828 : memref<384xf32, #tpu.memory_space<hbm>>) dst(%arg9 : memref<384xf32, #tpu.memory_space<vmem>>)
      tpu.yield
    }) : () -> ()
    %get3A_402 = arith.index_cast %add3A_401 : i32 to index
    %get3A_403 = tpu.vector_load %arg8[%get3A_402] {strides = array<i32>} : memref<80xi32, #tpu.memory_space<vmem>>, vector<16xi32>,
    %get3A_404 = vector.shape_cast %get3A_403 : vector<16xi32> to vector<16xi32>
    %slice3A_405 = vector.extract_strided_slice %get3A_404 {offsets = [0], sizes = [1], strides = [1]} : vector<16xi32> to vector<1xi32>
    %squeeze3A_406 = vector.extract %slice3A_405[0] : i32 from vector<1xi32>
    %add3A_407 = arith.constant 128 : i32
    %add3A_408 = arith.addi %squeeze3A_406, %add3A_407 : i32
    %sub3A_409 = arith.constant 1 : i32
    %sub3A_410 = arith.subi %add3A_408, %sub3A_409 : i32
    %jit3A_411 = arith.constant 128 : i32
    %div3A_412 = arith.divsi %sub3A_410, %jit3A_411 : i32
    %sign3A_413 = arith.constant 0 : i32
    %sign3A_414 = arith.cmpi sgt, %sub3A_410, %sign3A_413 : i32
    %sign3A_415 = arith.extui %sign3A_414 : i1 to i32
    %sign3A_416 = arith.constant 0 : i32
    %sign3A_417 = arith.cmpi slt, %sub3A_410, %sign3A_416 : i32
    %sign3A_418 = arith.extui %sign3A_417 : i1 to i32
    %sign3A_419 = arith.subi %sign3A_415, %sign3A_418 : i32
    %sign3A_420 = arith.constant 0 : i32
    %sign3A_421 = arith.cmpi sgt, %jit3A_411, %sign3A_420 : i32
    %sign3A_422 = arith.extui %sign3A_421 : i1 to i32
    %sign3A_423 = arith.constant 0 : i32
    %sign3A_424 = arith.cmpi slt, %jit3A_411, %sign3A_423 : i32
    %sign3A_425 = arith.extui %sign3A_424 : i1 to i32
    %sign3A_426 = arith.subi %sign3A_422, %sign3A_425 : i32
    %ne3A_427 = arith.cmpi ne, %sign3A_419, %sign3A_426 : i32
    %rem3A_428 = arith.remsi %sub3A_410, %jit3A_411 : i32
    %ne3A_429 = arith.constant 0 : i32
    %ne3A_430 = arith.cmpi ne, %rem3A_428, %ne3A_429 : i32
    %and3A_431 = arith.andi %ne3A_427, %ne3A_430 : i1
    %sub3A_432 = arith.constant 1 : i32
    %sub3A_433 = arith.subi %div3A_412, %sub3A_432 : i32
    %select_n3A_434 = arith.select %and3A_431, %sub3A_433, %div3A_412 : i32
    %get3A_435 = arith.constant 0 : index
    %get3A_436 = tpu.vector_load %arg9[%get3A_435] {strides = array<i32>} : memref<384xf32, #tpu.memory_space<vmem>>, vector<16xf32>,
    %get3A_437 = vector.shape_cast %get3A_436 : vector<16xf32> to vector<16xf32>
    %mul3A_438 = arith.constant 2.000000e+00 : f32
    %mul3A_439 = vector.broadcast %mul3A_438 : f32 to vector<16xf32>
    %mul3A_440 = arith.mulf %get3A_437, %mul3A_439 : vector<16xf32>
    %get3A_441 = arith.constant 16 : index
    %get3A_442 = tpu.vector_load %arg9[%get3A_441] {strides = array<i32>} : memref<384xf32, #tpu.memory_space<vmem>>, vector<16xf32>,
    %get3A_443 = vector.shape_cast %get3A_442 : vector<16xf32> to vector<16xf32>
    %mul3A_444 = arith.constant 2.000000e+00 : f32
    %mul3A_445 = vector.broadcast %mul3A_444 : f32 to vector<16xf32>
    %mul3A_446 = arith.mulf %get3A_443, %mul3A_445 : vector<16xf32>
    %get3A_447 = arith.constant 32 : index
    %get3A_448 = tpu.vector_load %arg9[%get3A_447] {strides = array<i32>} : memref<384xf32, #tpu.memory_space<vmem>>, vector<16xf32>,
    %get3A_449 = vector.shape_cast %get3A_448 : vector<16xf32> to vector<16xf32>
    %mul3A_450 = arith.constant 2.000000e+00 : f32
    %mul3A_451 = vector.broadcast %mul3A_450 : f32 to vector<16xf32>
    %mul3A_452 = arith.mulf %get3A_449, %mul3A_451 : vector<16xf32>
    %get3A_453 = arith.constant 48 : index
    %get3A_454 = tpu.vector_load %arg9[%get3A_453] {strides = array<i32>} : memref<384xf32, #tpu.memory_space<vmem>>, vector<16xf32>,
    %get3A_455 = vector.shape_cast %get3A_454 : vector<16xf32> to vector<16xf32>
    %mul3A_456 = arith.constant 2.000000e+00 : f32
    %mul3A_457 = vector.broadcast %mul3A_456 : f32 to vector<16xf32>
    %mul3A_458 = arith.mulf %get3A_455, %mul3A_457 : vector<16xf32>
    %get3A_459 = arith.constant 64 : index
    %get3A_460 = tpu.vector_load %arg9[%get3A_459] {strides = array<i32>} : memref<384xf32, #tpu.memory_space<vmem>>, vector<16xf32>,
    %get3A_461 = vector.shape_cast %get3A_460 : vector<16xf32> to vector<16xf32>
    %mul3A_462 = arith.constant 2.000000e+00 : f32
    %mul3A_463 = vector.broadcast %mul3A_462 : f32 to vector<16xf32>
    %mul3A_464 = arith.mulf %get3A_461, %mul3A_463 : vector<16xf32>
    %get3A_465 = arith.constant 80 : index
    %get3A_466 = tpu.vector_load %arg9[%get3A_465] {strides = array<i32>} : memref<384xf32, #tpu.memory_space<vmem>>, vector<16xf32>,
    %get3A_467 = vector.shape_cast %get3A_466 : vector<16xf32> to vector<16xf32>
    %mul3A_468 = arith.constant 2.000000e+00 : f32
    %mul3A_469 = vector.broadcast %mul3A_468 : f32 to vector<16xf32>
    %mul3A_470 = arith.mulf %get3A_467, %mul3A_469 : vector<16xf32>
    %get3A_471 = arith.constant 96 : index
    %get3A_472 = tpu.vector_load %arg9[%get3A_471] {strides = array<i32>} : memref<384xf32, #tpu.memory_space<vmem>>, vector<16xf32>,
    %get3A_473 = vector.shape_cast %get3A_472 : vector<16xf32> to vector<16xf32>
    %mul3A_474 = arith.constant 2.000000e+00 : f32
    %mul3A_475 = vector.broadcast %mul3A_474 : f32 to vector<16xf32>
    %mul3A_476 = arith.mulf %get3A_473, %mul3A_475 : vector<16xf32>
    %get3A_477 = arith.constant 112 : index
    %get3A_478 = tpu.vector_load %arg9[%get3A_477] {strides = array<i32>} : memref<384xf32, #tpu.memory_space<vmem>>, vector<16xf32>,
    %get3A_479 = vector.shape_cast %get3A_478 : vector<16xf32> to vector<16xf32>
    %mul3A_480 = arith.constant 2.000000e+00 : f32
    %mul3A_481 = vector.broadcast %mul3A_480 : f32 to vector<16xf32>
    %mul3A_482 = arith.mulf %get3A_479, %mul3A_481 : vector<16xf32>
    %get3A_483 = arith.constant 128 : index
    %get3A_484 = tpu.vector_load %arg9[%get3A_483] {strides = array<i32>} : memref<384xf32, #tpu.memory_space<vmem>>, vector<16xf32>,
    %get3A_485 = vector.shape_cast %get3A_484 : vector<16xf32> to vector<16xf32>
    %mul3A_486 = arith.constant 2.000000e+00 : f32
    %mul3A_487 = vector.broadcast %mul3A_486 : f32 to vector<16xf32>
    %mul3A_488 = arith.mulf %get3A_485, %mul3A_487 : vector<16xf32>
    %get3A_489 = arith.constant 144 : index
    %get3A_490 = tpu.vector_load %arg9[%get3A_489] {strides = array<i32>} : memref<384xf32, #tpu.memory_space<vmem>>, vector<16xf32>,
    %get3A_491 = vector.shape_cast %get3A_490 : vector<16xf32> to vector<16xf32>
    %mul3A_492 = arith.constant 2.000000e+00 : f32
    %mul3A_493 = vector.broadcast %mul3A_492 : f32 to vector<16xf32>
    %mul3A_494 = arith.mulf %get3A_491, %mul3A_493 : vector<16xf32>
    %get3A_495 = arith.constant 160 : index
    %get3A_496 = tpu.vector_load %arg9[%get3A_495] {strides = array<i32>} : memref<384xf32, #tpu.memory_space<vmem>>, vector<16xf32>,
    %get3A_497 = vector.shape_cast %get3A_496 : vector<16xf32> to vector<16xf32>
    %mul3A_498 = arith.constant 2.000000e+00 : f32
    %mul3A_499 = vector.broadcast %mul3A_498 : f32 to vector<16xf32>
    %mul3A_500 = arith.mulf %get3A_497, %mul3A_499 : vector<16xf32>
    %get3A_501 = arith.constant 176 : index
    %get3A_502 = tpu.vector_load %arg9[%get3A_501] {strides = array<i32>} : memref<384xf32, #tpu.memory_space<vmem>>, vector<16xf32>,
    %get3A_503 = vector.shape_cast %get3A_502 : vector<16xf32> to vector<16xf32>
    %mul3A_504 = arith.constant 2.000000e+00 : f32
    %mul3A_505 = vector.broadcast %mul3A_504 : f32 to vector<16xf32>
    %mul3A_506 = arith.mulf %get3A_503, %mul3A_505 : vector<16xf32>
    %get3A_507 = arith.constant 192 : index
    %get3A_508 = tpu.vector_load %arg9[%get3A_507] {strides = array<i32>} : memref<384xf32, #tpu.memory_space<vmem>>, vector<16xf32>,
    %get3A_509 = vector.shape_cast %get3A_508 : vector<16xf32> to vector<16xf32>
    %mul3A_510 = arith.constant 2.000000e+00 : f32
    %mul3A_511 = vector.broadcast %mul3A_510 : f32 to vector<16xf32>
    %mul3A_512 = arith.mulf %get3A_509, %mul3A_511 : vector<16xf32>
    %get3A_513 = arith.constant 208 : index
    %get3A_514 = tpu.vector_load %arg9[%get3A_513] {strides = array<i32>} : memref<384xf32, #tpu.memory_space<vmem>>, vector<16xf32>,
    %get3A_515 = vector.shape_cast %get3A_514 : vector<16xf32> to vector<16xf32>
    %mul3A_516 = arith.constant 2.000000e+00 : f32
    %mul3A_517 = vector.broadcast %mul3A_516 : f32 to vector<16xf32>
    %mul3A_518 = arith.mulf %get3A_515, %mul3A_517 : vector<16xf32>
    %get3A_519 = arith.constant 224 : index
    %get3A_520 = tpu.vector_load %arg9[%get3A_519] {strides = array<i32>} : memref<384xf32, #tpu.memory_space<vmem>>, vector<16xf32>,
    %get3A_521 = vector.shape_cast %get3A_520 : vector<16xf32> to vector<16xf32>
    %mul3A_522 = arith.constant 2.000000e+00 : f32
    %mul3A_523 = vector.broadcast %mul3A_522 : f32 to vector<16xf32>
    %mul3A_524 = arith.mulf %get3A_521, %mul3A_523 : vector<16xf32>
    %get3A_525 = arith.constant 240 : index
    %get3A_526 = tpu.vector_load %arg9[%get3A_525] {strides = array<i32>} : memref<384xf32, #tpu.memory_space<vmem>>, vector<16xf32>,
    %get3A_527 = vector.shape_cast %get3A_526 : vector<16xf32> to vector<16xf32>
    %mul3A_528 = arith.constant 2.000000e+00 : f32
    %mul3A_529 = vector.broadcast %mul3A_528 : f32 to vector<16xf32>
    %mul3A_530 = arith.mulf %get3A_527, %mul3A_529 : vector<16xf32>
    %get3A_531 = arith.constant 256 : index
    %get3A_532 = tpu.vector_load %arg9[%get3A_531] {strides = array<i32>} : memref<384xf32, #tpu.memory_space<vmem>>, vector<16xf32>,
    %get3A_533 = vector.shape_cast %get3A_532 : vector<16xf32> to vector<16xf32>
    %mul3A_534 = arith.constant 2.000000e+00 : f32
    %mul3A_535 = vector.broadcast %mul3A_534 : f32 to vector<16xf32>
    %mul3A_536 = arith.mulf %get3A_533, %mul3A_535 : vector<16xf32>
    %get3A_537 = arith.constant 272 : index
    %get3A_538 = tpu.vector_load %arg9[%get3A_537] {strides = array<i32>} : memref<384xf32, #tpu.memory_space<vmem>>, vector<16xf32>,
    %get3A_539 = vector.shape_cast %get3A_538 : vector<16xf32> to vector<16xf32>
    %mul3A_540 = arith.constant 2.000000e+00 : f32
    %mul3A_541 = vector.broadcast %mul3A_540 : f32 to vector<16xf32>
    %mul3A_542 = arith.mulf %get3A_539, %mul3A_541 : vector<16xf32>
    %get3A_543 = arith.constant 288 : index
    %get3A_544 = tpu.vector_load %arg9[%get3A_543] {strides = array<i32>} : memref<384xf32, #tpu.memory_space<vmem>>, vector<16xf32>,
    %get3A_545 = vector.shape_cast %get3A_544 : vector<16xf32> to vector<16xf32>
    %mul3A_546 = arith.constant 2.000000e+00 : f32
    %mul3A_547 = vector.broadcast %mul3A_546 : f32 to vector<16xf32>
    %mul3A_548 = arith.mulf %get3A_545, %mul3A_547 : vector<16xf32>
    %get3A_549 = arith.constant 304 : index
    %get3A_550 = tpu.vector_load %arg9[%get3A_549] {strides = array<i32>} : memref<384xf32, #tpu.memory_space<vmem>>, vector<16xf32>,
    %get3A_551 = vector.shape_cast %get3A_550 : vector<16xf32> to vector<16xf32>
    %mul3A_552 = arith.constant 2.000000e+00 : f32
    %mul3A_553 = vector.broadcast %mul3A_552 : f32 to vector<16xf32>
    %mul3A_554 = arith.mulf %get3A_551, %mul3A_553 : vector<16xf32>
    %get3A_555 = arith.constant 320 : index
    %get3A_556 = tpu.vector_load %arg9[%get3A_555] {strides = array<i32>} : memref<384xf32, #tpu.memory_space<vmem>>, vector<16xf32>,
    %get3A_557 = vector.shape_cast %get3A_556 : vector<16xf32> to vector<16xf32>
    %mul3A_558 = arith.constant 2.000000e+00 : f32
    %mul3A_559 = vector.broadcast %mul3A_558 : f32 to vector<16xf32>
    %mul3A_560 = arith.mulf %get3A_557, %mul3A_559 : vector<16xf32>
    %get3A_561 = arith.constant 336 : index
    %get3A_562 = tpu.vector_load %arg9[%get3A_561] {strides = array<i32>} : memref<384xf32, #tpu.memory_space<vmem>>, vector<16xf32>,
    %get3A_563 = vector.shape_cast %get3A_562 : vector<16xf32> to vector<16xf32>
    %mul3A_564 = arith.constant 2.000000e+00 : f32
    %mul3A_565 = vector.broadcast %mul3A_564 : f32 to vector<16xf32>
    %mul3A_566 = arith.mulf %get3A_563, %mul3A_565 : vector<16xf32>
    %get3A_567 = arith.constant 352 : index
    %get3A_568 = tpu.vector_load %arg9[%get3A_567] {strides = array<i32>} : memref<384xf32, #tpu.memory_space<vmem>>, vector<16xf32>,
    %get3A_569 = vector.shape_cast %get3A_568 : vector<16xf32> to vector<16xf32>
    %mul3A_570 = arith.constant 2.000000e+00 : f32
    %mul3A_571 = vector.broadcast %mul3A_570 : f32 to vector<16xf32>
    %mul3A_572 = arith.mulf %get3A_569, %mul3A_571 : vector<16xf32>
    %get3A_573 = arith.constant 368 : index
    %get3A_574 = tpu.vector_load %arg9[%get3A_573] {strides = array<i32>} : memref<384xf32, #tpu.memory_space<vmem>>, vector<16xf32>,
    %get3A_575 = vector.shape_cast %get3A_574 : vector<16xf32> to vector<16xf32>
    %mul3A_576 = arith.constant 2.000000e+00 : f32
    %mul3A_577 = vector.broadcast %mul3A_576 : f32 to vector<16xf32>
    %mul3A_578 = arith.mulf %get3A_575, %mul3A_577 : vector<16xf32>
    %broadcast_in_dim3A_579 = arith.constant 0.000000e+00 : f32
    %broadcast_in_dim3A_580 = vector.broadcast %broadcast_in_dim3A_579 : f32 to vector<16xf32>
    %get3A_581 = arith.constant 0 : index
    %get3A_582 = tpu.vector_load %arg9[%get3A_581] {strides = array<i32>} : memref<384xf32, #tpu.memory_space<vmem>>, vector<16xf32>,
    %get3A_583 = vector.shape_cast %get3A_582 : vector<16xf32> to vector<16xf32>
    %mul3A_584 = arith.mulf %get3A_583, %get3A_583 : vector<16xf32>
    %add3A_585 = arith.addf %broadcast_in_dim3A_580, %mul3A_584 : vector<16xf32>
    %get3A_586 = arith.constant 16 : index
    %get3A_587 = tpu.vector_load %arg9[%get3A_586] {strides = array<i32>} : memref<384xf32, #tpu.memory_space<vmem>>, vector<16xf32>,
    %get3A_588 = vector.shape_cast %get3A_587 : vector<16xf32> to vector<16xf32>
    %mul3A_589 = arith.mulf %get3A_588, %get3A_588 : vector<16xf32>
    %add3A_590 = arith.addf %add3A_585, %mul3A_589 : vector<16xf32>
    %get3A_591 = arith.constant 32 : index
    %get3A_592 = tpu.vector_load %arg9[%get3A_591] {strides = array<i32>} : memref<384xf32, #tpu.memory_space<vmem>>, vector<16xf32>,
    %get3A_593 = vector.shape_cast %get3A_592 : vector<16xf32> to vector<16xf32>
    %mul3A_594 = arith.mulf %get3A_593, %get3A_593 : vector<16xf32>
    %add3A_595 = arith.addf %add3A_590, %mul3A_594 : vector<16xf32>
    %get3A_596 = arith.constant 48 : index
    %get3A_597 = tpu.vector_load %arg9[%get3A_596] {strides = array<i32>} : memref<384xf32, #tpu.memory_space<vmem>>, vector<16xf32>,
    %get3A_598 = vector.shape_cast %get3A_597 : vector<16xf32> to vector<16xf32>
    %mul3A_599 = arith.mulf %get3A_598, %get3A_598 : vector<16xf32>
    %add3A_600 = arith.addf %add3A_595, %mul3A_599 : vector<16xf32>
    %get3A_601 = arith.constant 64 : index
    %get3A_602 = tpu.vector_load %arg9[%get3A_601] {strides = array<i32>} : memref<384xf32, #tpu.memory_space<vmem>>, vector<16xf32>,
    %get3A_603 = vector.shape_cast %get3A_602 : vector<16xf32> to vector<16xf32>
    %mul3A_604 = arith.mulf %get3A_603, %get3A_603 : vector<16xf32>
    %add3A_605 = arith.addf %add3A_600, %mul3A_604 : vector<16xf32>
    %get3A_606 = arith.constant 80 : index
    %get3A_607 = tpu.vector_load %arg9[%get3A_606] {strides = array<i32>} : memref<384xf32, #tpu.memory_space<vmem>>, vector<16xf32>,
    %get3A_608 = vector.shape_cast %get3A_607 : vector<16xf32> to vector<16xf32>
    %mul3A_609 = arith.mulf %get3A_608, %get3A_608 : vector<16xf32>
    %add3A_610 = arith.addf %add3A_605, %mul3A_609 : vector<16xf32>
    %get3A_611 = arith.constant 96 : index
    %get3A_612 = tpu.vector_load %arg9[%get3A_611] {strides = array<i32>} : memref<384xf32, #tpu.memory_space<vmem>>, vector<16xf32>,
    %get3A_613 = vector.shape_cast %get3A_612 : vector<16xf32> to vector<16xf32>
    %mul3A_614 = arith.mulf %get3A_613, %get3A_613 : vector<16xf32>
    %add3A_615 = arith.addf %add3A_610, %mul3A_614 : vector<16xf32>
    %get3A_616 = arith.constant 112 : index
    %get3A_617 = tpu.vector_load %arg9[%get3A_616] {strides = array<i32>} : memref<384xf32, #tpu.memory_space<vmem>>, vector<16xf32>,
    %get3A_618 = vector.shape_cast %get3A_617 : vector<16xf32> to vector<16xf32>
    %mul3A_619 = arith.mulf %get3A_618, %get3A_618 : vector<16xf32>
    %add3A_620 = arith.addf %add3A_615, %mul3A_619 : vector<16xf32>
    %get3A_621 = arith.constant 128 : index
    %get3A_622 = tpu.vector_load %arg9[%get3A_621] {strides = array<i32>} : memref<384xf32, #tpu.memory_space<vmem>>, vector<16xf32>,
    %get3A_623 = vector.shape_cast %get3A_622 : vector<16xf32> to vector<16xf32>
    %mul3A_624 = arith.mulf %get3A_623, %get3A_623 : vector<16xf32>
    %add3A_625 = arith.addf %add3A_620, %mul3A_624 : vector<16xf32>
    %get3A_626 = arith.constant 144 : index
    %get3A_627 = tpu.vector_load %arg9[%get3A_626] {strides = array<i32>} : memref<384xf32, #tpu.memory_space<vmem>>, vector<16xf32>,
    %get3A_628 = vector.shape_cast %get3A_627 : vector<16xf32> to vector<16xf32>
    %mul3A_629 = arith.mulf %get3A_628, %get3A_628 : vector<16xf32>
    %add3A_630 = arith.addf %add3A_625, %mul3A_629 : vector<16xf32>
    %get3A_631 = arith.constant 160 : index
    %get3A_632 = tpu.vector_load %arg9[%get3A_631] {strides = array<i32>} : memref<384xf32, #tpu.memory_space<vmem>>, vector<16xf32>,
    %get3A_633 = vector.shape_cast %get3A_632 : vector<16xf32> to vector<16xf32>
    %mul3A_634 = arith.mulf %get3A_633, %get3A_633 : vector<16xf32>
    %add3A_635 = arith.addf %add3A_630, %mul3A_634 : vector<16xf32>
    %get3A_636 = arith.constant 176 : index
    %get3A_637 = tpu.vector_load %arg9[%get3A_636] {strides = array<i32>} : memref<384xf32, #tpu.memory_space<vmem>>, vector<16xf32>,
    %get3A_638 = vector.shape_cast %get3A_637 : vector<16xf32> to vector<16xf32>
    %mul3A_639 = arith.mulf %get3A_638, %get3A_638 : vector<16xf32>
    %add3A_640 = arith.addf %add3A_635, %mul3A_639 : vector<16xf32>
    %get3A_641 = arith.constant 192 : index
    %get3A_642 = tpu.vector_load %arg9[%get3A_641] {strides = array<i32>} : memref<384xf32, #tpu.memory_space<vmem>>, vector<16xf32>,
    %get3A_643 = vector.shape_cast %get3A_642 : vector<16xf32> to vector<16xf32>
    %mul3A_644 = arith.mulf %get3A_643, %get3A_643 : vector<16xf32>
    %add3A_645 = arith.addf %add3A_640, %mul3A_644 : vector<16xf32>
    %get3A_646 = arith.constant 208 : index
    %get3A_647 = tpu.vector_load %arg9[%get3A_646] {strides = array<i32>} : memref<384xf32, #tpu.memory_space<vmem>>, vector<16xf32>,
    %get3A_648 = vector.shape_cast %get3A_647 : vector<16xf32> to vector<16xf32>
    %mul3A_649 = arith.mulf %get3A_648, %get3A_648 : vector<16xf32>
    %add3A_650 = arith.addf %add3A_645, %mul3A_649 : vector<16xf32>
    %get3A_651 = arith.constant 224 : index
    %get3A_652 = tpu.vector_load %arg9[%get3A_651] {strides = array<i32>} : memref<384xf32, #tpu.memory_space<vmem>>, vector<16xf32>,
    %get3A_653 = vector.shape_cast %get3A_652 : vector<16xf32> to vector<16xf32>
    %mul3A_654 = arith.mulf %get3A_653, %get3A_653 : vector<16xf32>
    %add3A_655 = arith.addf %add3A_650, %mul3A_654 : vector<16xf32>
    %get3A_656 = arith.constant 240 : index
    %get3A_657 = tpu.vector_load %arg9[%get3A_656] {strides = array<i32>} : memref<384xf32, #tpu.memory_space<vmem>>, vector<16xf32>,
    %get3A_658 = vector.shape_cast %get3A_657 : vector<16xf32> to vector<16xf32>
    %mul3A_659 = arith.mulf %get3A_658, %get3A_658 : vector<16xf32>
    %add3A_660 = arith.addf %add3A_655, %mul3A_659 : vector<16xf32>
    %get3A_661 = arith.constant 256 : index
    %get3A_662 = tpu.vector_load %arg9[%get3A_661] {strides = array<i32>} : memref<384xf32, #tpu.memory_space<vmem>>, vector<16xf32>,
    %get3A_663 = vector.shape_cast %get3A_662 : vector<16xf32> to vector<16xf32>
    %mul3A_664 = arith.mulf %get3A_663, %get3A_663 : vector<16xf32>
    %add3A_665 = arith.addf %add3A_660, %mul3A_664 : vector<16xf32>
    %get3A_666 = arith.constant 272 : index
    %get3A_667 = tpu.vector_load %arg9[%get3A_666] {strides = array<i32>} : memref<384xf32, #tpu.memory_space<vmem>>, vector<16xf32>,
    %get3A_668 = vector.shape_cast %get3A_667 : vector<16xf32> to vector<16xf32>
    %mul3A_669 = arith.mulf %get3A_668, %get3A_668 : vector<16xf32>
    %add3A_670 = arith.addf %add3A_665, %mul3A_669 : vector<16xf32>
    %get3A_671 = arith.constant 288 : index
    %get3A_672 = tpu.vector_load %arg9[%get3A_671] {strides = array<i32>} : memref<384xf32, #tpu.memory_space<vmem>>, vector<16xf32>,
    %get3A_673 = vector.shape_cast %get3A_672 : vector<16xf32> to vector<16xf32>
    %mul3A_674 = arith.mulf %get3A_673, %get3A_673 : vector<16xf32>
    %add3A_675 = arith.addf %add3A_670, %mul3A_674 : vector<16xf32>
    %get3A_676 = arith.constant 304 : index
    %get3A_677 = tpu.vector_load %arg9[%get3A_676] {strides = array<i32>} : memref<384xf32, #tpu.memory_space<vmem>>, vector<16xf32>,
    %get3A_678 = vector.shape_cast %get3A_677 : vector<16xf32> to vector<16xf32>
    %mul3A_679 = arith.mulf %get3A_678, %get3A_678 : vector<16xf32>
    %add3A_680 = arith.addf %add3A_675, %mul3A_679 : vector<16xf32>
    %get3A_681 = arith.constant 320 : index
    %get3A_682 = tpu.vector_load %arg9[%get3A_681] {strides = array<i32>} : memref<384xf32, #tpu.memory_space<vmem>>, vector<16xf32>,
    %get3A_683 = vector.shape_cast %get3A_682 : vector<16xf32> to vector<16xf32>
    %mul3A_684 = arith.mulf %get3A_683, %get3A_683 : vector<16xf32>
    %add3A_685 = arith.addf %add3A_680, %mul3A_684 : vector<16xf32>
    %get3A_686 = arith.constant 336 : index
    %get3A_687 = tpu.vector_load %arg9[%get3A_686] {strides = array<i32>} : memref<384xf32, #tpu.memory_space<vmem>>, vector<16xf32>,
    %get3A_688 = vector.shape_cast %get3A_687 : vector<16xf32> to vector<16xf32>
    %mul3A_689 = arith.mulf %get3A_688, %get3A_688 : vector<16xf32>
    %add3A_690 = arith.addf %add3A_685, %mul3A_689 : vector<16xf32>
    %get3A_691 = arith.constant 352 : index
    %get3A_692 = tpu.vector_load %arg9[%get3A_691] {strides = array<i32>} : memref<384xf32, #tpu.memory_space<vmem>>, vector<16xf32>,
    %get3A_693 = vector.shape_cast %get3A_692 : vector<16xf32> to vector<16xf32>
    %mul3A_694 = arith.mulf %get3A_693, %get3A_693 : vector<16xf32>
    %add3A_695 = arith.addf %add3A_690, %mul3A_694 : vector<16xf32>
    %get3A_696 = arith.constant 368 : index
    %get3A_697 = tpu.vector_load %arg9[%get3A_696] {strides = array<i32>} : memref<384xf32, #tpu.memory_space<vmem>>, vector<16xf32>,
    %get3A_698 = vector.shape_cast %get3A_697 : vector<16xf32> to vector<16xf32>
    %mul3A_699 = arith.mulf %get3A_698, %get3A_698 : vector<16xf32>
    %add3A_700 = arith.addf %add3A_695, %mul3A_699 : vector<16xf32>
    %iota3A_701 = tpu.iota {dimensions = array<i32: 0>} : vector<16xi32>
    %xor3A_702 = arith.constant 1 : i32
    %xor3A_703 = vector.broadcast %xor3A_702 : i32 to vector<16xi32>
    %xor3A_704 = arith.xori %iota3A_701, %xor3A_703 : vector<16xi32>
    %broadcast_in_dim3A_705 = vector.shape_cast %xor3A_704 : vector<16xi32> to vector<16x1xi32>
    %gather3A_706 = vector.shape_cast %broadcast_in_dim3A_705 : vector<16x1xi32> to vector<16xi32>
    %gather3A_707 = tpu.dynamic_gather %add3A_700[%gather3A_706] in [0] : vector<16xf32>, vector<16xi32> -> vector<16xf32>
    %add3A_708 = arith.addf %add3A_700, %gather3A_707 : vector<16xf32>
    %iota3A_709 = tpu.iota {dimensions = array<i32: 0>} : vector<16xi32>
    %xor3A_710 = arith.constant 2 : i32
    %xor3A_711 = vector.broadcast %xor3A_710 : i32 to vector<16xi32>
    %xor3A_712 = arith.xori %iota3A_709, %xor3A_711 : vector<16xi32>
    %broadcast_in_dim3A_713 = vector.shape_cast %xor3A_712 : vector<16xi32> to vector<16x1xi32>
    %gather3A_714 = vector.shape_cast %broadcast_in_dim3A_713 : vector<16x1xi32> to vector<16xi32>
    %gather3A_715 = tpu.dynamic_gather %add3A_708[%gather3A_714] in [0] : vector<16xf32>, vector<16xi32> -> vector<16xf32>
    %add3A_716 = arith.addf %add3A_708, %gather3A_715 : vector<16xf32>
    %iota3A_717 = tpu.iota {dimensions = array<i32: 0>} : vector<16xi32>
    %xor3A_718 = arith.constant 4 : i32
    %xor3A_719 = vector.broadcast %xor3A_718 : i32 to vector<16xi32>
    %xor3A_720 = arith.xori %iota3A_717, %xor3A_719 : vector<16xi32>
    %broadcast_in_dim3A_721 = vector.shape_cast %xor3A_720 : vector<16xi32> to vector<16x1xi32>
    %gather3A_722 = vector.shape_cast %broadcast_in_dim3A_721 : vector<16x1xi32> to vector<16xi32>
    %gather3A_723 = tpu.dynamic_gather %add3A_716[%gather3A_722] in [0] : vector<16xf32>, vector<16xi32> -> vector<16xf32>
    %add3A_724 = arith.addf %add3A_716, %gather3A_723 : vector<16xf32>
    %iota3A_725 = tpu.iota {dimensions = array<i32: 0>} : vector<16xi32>
    %xor3A_726 = arith.constant 8 : i32
    %xor3A_727 = vector.broadcast %xor3A_726 : i32 to vector<16xi32>
    %xor3A_728 = arith.xori %iota3A_725, %xor3A_727 : vector<16xi32>
    %broadcast_in_dim3A_729 = vector.shape_cast %xor3A_728 : vector<16xi32> to vector<16x1xi32>
    %gather3A_730 = vector.shape_cast %broadcast_in_dim3A_729 : vector<16x1xi32> to vector<16xi32>
    %gather3A_731 = tpu.dynamic_gather %add3A_724[%gather3A_730] in [0] : vector<16xf32>, vector<16xi32> -> vector<16xf32>
    %add3A_732 = arith.addf %add3A_724, %gather3A_731 : vector<16xf32>
    %dma_start3A_733 = arith.constant 0 : i32
    %dma_start3A_734 = arith.constant 0 : i32
    %dma_start3A_735 = arith.constant 0 : i32
    %dma_start3A_736 = arith.constant 0 : i32
    %dma_start3A_737 = arith.constant 0 : i32
    %dma_start3A_738 = tpu.memref_slice %arg10[%dma_start3A_733, %dma_start3A_736, %dma_start3A_737] : memref<2x128x128xf32, #tpu.memory_space<vmem>> -> memref<1x128x128xf32, #tpu.memory_space<vmem>>
    %dma_start3A_739 = tpu.memref_squeeze %dma_start3A_738 : memref<1x128x128xf32, #tpu.memory_space<vmem>> -> memref<128x128xf32, #tpu.memory_space<vmem>>
    %dma_start3A_740 = arith.constant 0 : i32
    %dma_start3A_741 = arith.constant 0 : i32
    %dma_start3A_742 = tpu.memref_slice %arg4[%add3A_401, %dma_start3A_740, %dma_start3A_741] : memref<64x2048x128xf32, #tpu.memory_space<hbm>> -> memref<1x128x128xf32, #tpu.memory_space<hbm>>
    %dma_start3A_743 = tpu.memref_squeeze %dma_start3A_742 : memref<1x128x128xf32, #tpu.memory_space<hbm>> -> memref<128x128xf32, #tpu.memory_space<hbm>>
    %dma_start3A_744 = tpu.memref_slice %arg14[%dma_start3A_734, %dma_start3A_735] : memref<3x2x!tpu.dma_semaphore, #tpu.memory_space<semaphore_mem>> -> memref<1x1x!tpu.dma_semaphore, #tpu.memory_space<semaphore_mem>>
    %dma_start3A_745 = tpu.memref_squeeze %dma_start3A_744 : memref<1x1x!tpu.dma_semaphore, #tpu.memory_space<semaphore_mem>> -> memref<!tpu.dma_semaphore, #tpu.memory_space<semaphore_mem>>
    %dma_start3A_746 = arith.constant 0 : i32
    %dma_start3A_747 = arith.constant 0 : i32
    %dma_start3A_748 = tpu.memref_slice %arg10[%dma_start3A_733, %dma_start3A_746, %dma_start3A_747] : memref<2x128x128xf32, #tpu.memory_space<vmem>> -> memref<1x128x128xf32, #tpu.memory_space<vmem>>
    %dma_start3A_749 = tpu.memref_squeeze %dma_start3A_748 : memref<1x128x128xf32, #tpu.memory_space<vmem>> -> memref<128x128xf32, #tpu.memory_space<vmem>>
    %dma_start3A_750 = arith.constant 0 : i32
    %dma_start3A_751 = arith.constant 0 : i32
    %dma_start3A_752 = tpu.memref_slice %arg4[%add3A_401, %dma_start3A_750, %dma_start3A_751] : memref<64x2048x128xf32, #tpu.memory_space<hbm>> -> memref<1x128x128xf32, #tpu.memory_space<hbm>>
    %dma_start3A_753 = tpu.memref_squeeze %dma_start3A_752 : memref<1x128x128xf32, #tpu.memory_space<hbm>> -> memref<128x128xf32, #tpu.memory_space<hbm>>
    tpu.enqueue_dma source(%dma_start3A_753 : memref<128x128xf32, #tpu.memory_space<hbm>>) target(%dma_start3A_749 : memref<128x128xf32, #tpu.memory_space<vmem>>) target_semaphore(%dma_start3A_745 : memref<!tpu.dma_semaphore, #tpu.memory_space<semaphore_mem>>)
    %dma_start3A_754 = arith.constant 0 : i32
    %dma_start3A_755 = arith.constant 1 : i32
    %dma_start3A_756 = arith.constant 0 : i32
    %dma_start3A_757 = arith.constant 0 : i32
    %dma_start3A_758 = arith.constant 0 : i32
    %dma_start3A_759 = tpu.memref_slice %arg11[%dma_start3A_754, %dma_start3A_757, %dma_start3A_758] : memref<2x128x128xf32, #tpu.memory_space<vmem>> -> memref<1x128x128xf32, #tpu.memory_space<vmem>>
    %dma_start3A_760 = tpu.memref_squeeze %dma_start3A_759 : memref<1x128x128xf32, #tpu.memory_space<vmem>> -> memref<128x128xf32, #tpu.memory_space<vmem>>
    %dma_start3A_761 = arith.constant 0 : i32
    %dma_start3A_762 = arith.constant 0 : i32
    %dma_start3A_763 = tpu.memref_slice %arg5[%add3A_401, %dma_start3A_761, %dma_start3A_762] : memref<64x2048x128xf32, #tpu.memory_space<hbm>> -> memref<1x128x128xf32, #tpu.memory_space<hbm>>
    %dma_start3A_764 = tpu.memref_squeeze %dma_start3A_763 : memref<1x128x128xf32, #tpu.memory_space<hbm>> -> memref<128x128xf32, #tpu.memory_space<hbm>>
    %dma_start3A_765 = tpu.memref_slice %arg14[%dma_start3A_755, %dma_start3A_756] : memref<3x2x!tpu.dma_semaphore, #tpu.memory_space<semaphore_mem>> -> memref<1x1x!tpu.dma_semaphore, #tpu.memory_space<semaphore_mem>>
    %dma_start3A_766 = tpu.memref_squeeze %dma_start3A_765 : memref<1x1x!tpu.dma_semaphore, #tpu.memory_space<semaphore_mem>> -> memref<!tpu.dma_semaphore, #tpu.memory_space<semaphore_mem>>
    %dma_start3A_767 = arith.constant 0 : i32
    %dma_start3A_768 = arith.constant 0 : i32
    %dma_start3A_769 = tpu.memref_slice %arg11[%dma_start3A_754, %dma_start3A_767, %dma_start3A_768] : memref<2x128x128xf32, #tpu.memory_space<vmem>> -> memref<1x128x128xf32, #tpu.memory_space<vmem>>
    %dma_start3A_770 = tpu.memref_squeeze %dma_start3A_769 : memref<1x128x128xf32, #tpu.memory_space<vmem>> -> memref<128x128xf32, #tpu.memory_space<vmem>>
    %dma_start3A_771 = arith.constant 0 : i32
    %dma_start3A_772 = arith.constant 0 : i32
    %dma_start3A_773 = tpu.memref_slice %arg5[%add3A_401, %dma_start3A_771, %dma_start3A_772] : memref<64x2048x128xf32, #tpu.memory_space<hbm>> -> memref<1x128x128xf32, #tpu.memory_space<hbm>>
    %dma_start3A_774 = tpu.memref_squeeze %dma_start3A_773 : memref<1x128x128xf32, #tpu.memory_space<hbm>> -> memref<128x128xf32, #tpu.memory_space<hbm>>
    tpu.enqueue_dma source(%dma_start3A_774 : memref<128x128xf32, #tpu.memory_space<hbm>>) target(%dma_start3A_770 : memref<128x128xf32, #tpu.memory_space<vmem>>) target_semaphore(%dma_start3A_766 : memref<!tpu.dma_semaphore, #tpu.memory_space<semaphore_mem>>)
    %dma_start3A_775 = arith.constant 0 : i32
    %dma_start3A_776 = arith.constant 2 : i32
    %dma_start3A_777 = arith.constant 0 : i32
    %dma_start3A_778 = arith.constant 0 : i32
    %dma_start3A_779 = arith.constant 0 : i32
    %dma_start3A_780 = tpu.memref_slice %arg12[%dma_start3A_775, %dma_start3A_778, %dma_start3A_779] : memref<2x128x128xf32, #tpu.memory_space<vmem>> -> memref<1x128x128xf32, #tpu.memory_space<vmem>>
    %dma_start3A_781 = tpu.memref_squeeze %dma_start3A_780 : memref<1x128x128xf32, #tpu.memory_space<vmem>> -> memref<128x128xf32, #tpu.memory_space<vmem>>
    %dma_start3A_782 = arith.constant 0 : i32
    %dma_start3A_783 = arith.constant 0 : i32
    %dma_start3A_784 = tpu.memref_slice %arg6[%add3A_401, %dma_start3A_782, %dma_start3A_783] : memref<64x2048x128xf32, #tpu.memory_space<hbm>> -> memref<1x128x128xf32, #tpu.memory_space<hbm>>
    %dma_start3A_785 = tpu.memref_squeeze %dma_start3A_784 : memref<1x128x128xf32, #tpu.memory_space<hbm>> -> memref<128x128xf32, #tpu.memory_space<hbm>>
    %dma_start3A_786 = tpu.memref_slice %arg14[%dma_start3A_776, %dma_start3A_777] : memref<3x2x!tpu.dma_semaphore, #tpu.memory_space<semaphore_mem>> -> memref<1x1x!tpu.dma_semaphore, #tpu.memory_space<semaphore_mem>>
    %dma_start3A_787 = tpu.memref_squeeze %dma_start3A_786 : memref<1x1x!tpu.dma_semaphore, #tpu.memory_space<semaphore_mem>> -> memref<!tpu.dma_semaphore, #tpu.memory_space<semaphore_mem>>
    %dma_start3A_788 = arith.constant 0 : i32
    %dma_start3A_789 = arith.constant 0 : i32
    %dma_start3A_790 = tpu.memref_slice %arg12[%dma_start3A_775, %dma_start3A_788, %dma_start3A_789] : memref<2x128x128xf32, #tpu.memory_space<vmem>> -> memref<1x128x128xf32, #tpu.memory_space<vmem>>
    %dma_start3A_791 = tpu.memref_squeeze %dma_start3A_790 : memref<1x128x128xf32, #tpu.memory_space<vmem>> -> memref<128x128xf32, #tpu.memory_space<vmem>>
    %dma_start3A_792 = arith.constant 0 : i32
    %dma_start3A_793 = arith.constant 0 : i32
    %dma_start3A_794 = tpu.memref_slice %arg6[%add3A_401, %dma_start3A_792, %dma_start3A_793] : memref<64x2048x128xf32, #tpu.memory_space<hbm>> -> memref<1x128x128xf32, #tpu.memory_space<hbm>>
    %dma_start3A_795 = tpu.memref_squeeze %dma_start3A_794 : memref<1x128x128xf32, #tpu.memory_space<hbm>> -> memref<128x128xf32, #tpu.memory_space<hbm>>
    tpu.enqueue_dma source(%dma_start3A_795 : memref<128x128xf32, #tpu.memory_space<hbm>>) target(%dma_start3A_791 : memref<128x128xf32, #tpu.memory_space<vmem>>) target_semaphore(%dma_start3A_787 : memref<!tpu.dma_semaphore, #tpu.memory_space<semaphore_mem>>)
    %broadcast_in_dim3A_796 = arith.constant 3.000000e+38 : f32
    %broadcast_in_dim3A_797 = vector.broadcast %broadcast_in_dim3A_796 : f32 to vector<16xf32>
    %while3A_798 = arith.constant 0 : i32
    %while3A_799 = arith.subi %select_n3A_434, %while3A_798 : i32
    %while3A_800 = arith.addi %while3A_798, %while3A_799 : i32
    %while3A_801 = arith.constant 1 : i32
    %while3A_802 = arith.divsi %while3A_799, %while3A_801 : i32
    %while3A_803 = arith.muli %while3A_802, %while3A_801 : i32
    %while3A_804 = arith.addi %while3A_798, %while3A_803 : i32
    %while3A_805 = arith.constant 1 : i32
    %while3A_806 = scf.for %while3A_818 = %while3A_798 to %while3A_804 step %while3A_805 iter_args(%while3A_819 = %broadcast_in_dim3A_797) -> (vector<16xf32>)  : i32 {
      %mul3A_820 = arith.constant 128 : i32
      %mul3A_821 = arith.muli %while3A_818, %mul3A_820 : i32
      %and3A_822 = arith.constant 1 : i32
      %and3A_823 = arith.andi %while3A_818, %and3A_822 : i32
      %add3A_824 = arith.constant 1 : i32
      %add3A_825 = arith.addi %while3A_818, %add3A_824 : i32
      %lt3A = arith.cmpi slt, %add3A_825, %select_n3A_434 : i32
      %convert_element_type3A = arith.extui %lt3A : i1 to i32
      %cond3A = arith.constant 0 : i32
      %cond3A_826 = arith.cmpi ne, %convert_element_type3A, %cond3A : i32
      scf.if %cond3A_826 {
        %add3A_888 = arith.constant 1 : i32
        %add3A_889 = arith.addi %while3A_818, %add3A_888 : i32
        %add3A_890 = arith.constant 1 : i32
        %add3A_891 = arith.addi %while3A_818, %add3A_890 : i32
        %and3A_892 = arith.constant 1 : i32
        %and3A_893 = arith.andi %add3A_891, %and3A_892 : i32
        %mul3A_894 = arith.constant 128 : i32
        %mul3A_895 = arith.muli %add3A_889, %mul3A_894 : i32
        %mul3A_896 = arith.constant 128 : i32
        %mul3A_897 = arith.muli %add3A_889, %mul3A_896 : i32
        %mul3A_898 = arith.constant 128 : i32
        %mul3A_899 = arith.muli %add3A_889, %mul3A_898 : i32
        %dma_start3A_900 = arith.constant 0 : i32
        %dma_start3A_901 = arith.constant 0 : i32
        %dma_start3A_902 = arith.constant 0 : i32
        %dma_start3A_903 = tpu.memref_slice %arg10[%and3A_893, %dma_start3A_901, %dma_start3A_902] : memref<2x128x128xf32, #tpu.memory_space<vmem>> -> memref<1x128x128xf32, #tpu.memory_space<vmem>>
        %dma_start3A_904 = tpu.memref_squeeze %dma_start3A_903 : memref<1x128x128xf32, #tpu.memory_space<vmem>> -> memref<128x128xf32, #tpu.memory_space<vmem>>
        %dma_start3A_905 = arith.constant 0 : i32
        %dma_start3A_906 = tpu.memref_slice %arg4[%add3A_401, %mul3A_895, %dma_start3A_905] : memref<64x2048x128xf32, #tpu.memory_space<hbm>> -> memref<1x128x128xf32, #tpu.memory_space<hbm>>
        %dma_start3A_907 = tpu.memref_squeeze %dma_start3A_906 : memref<1x128x128xf32, #tpu.memory_space<hbm>> -> memref<128x128xf32, #tpu.memory_space<hbm>>
        %dma_start3A_908 = tpu.memref_slice %arg14[%dma_start3A_900, %and3A_893] : memref<3x2x!tpu.dma_semaphore, #tpu.memory_space<semaphore_mem>> -> memref<1x1x!tpu.dma_semaphore, #tpu.memory_space<semaphore_mem>>
        %dma_start3A_909 = tpu.memref_squeeze %dma_start3A_908 : memref<1x1x!tpu.dma_semaphore, #tpu.memory_space<semaphore_mem>> -> memref<!tpu.dma_semaphore, #tpu.memory_space<semaphore_mem>>
        %dma_start3A_910 = arith.constant 0 : i32
        %dma_start3A_911 = arith.constant 0 : i32
        %dma_start3A_912 = tpu.memref_slice %arg10[%and3A_893, %dma_start3A_910, %dma_start3A_911] : memref<2x128x128xf32, #tpu.memory_space<vmem>> -> memref<1x128x128xf32, #tpu.memory_space<vmem>>
        %dma_start3A_913 = tpu.memref_squeeze %dma_start3A_912 : memref<1x128x128xf32, #tpu.memory_space<vmem>> -> memref<128x128xf32, #tpu.memory_space<vmem>>
        %dma_start3A_914 = arith.constant 0 : i32
        %dma_start3A_915 = tpu.memref_slice %arg4[%add3A_401, %mul3A_895, %dma_start3A_914] : memref<64x2048x128xf32, #tpu.memory_space<hbm>> -> memref<1x128x128xf32, #tpu.memory_space<hbm>>
        %dma_start3A_916 = tpu.memref_squeeze %dma_start3A_915 : memref<1x128x128xf32, #tpu.memory_space<hbm>> -> memref<128x128xf32, #tpu.memory_space<hbm>>
        tpu.enqueue_dma source(%dma_start3A_916 : memref<128x128xf32, #tpu.memory_space<hbm>>) target(%dma_start3A_913 : memref<128x128xf32, #tpu.memory_space<vmem>>) target_semaphore(%dma_start3A_909 : memref<!tpu.dma_semaphore, #tpu.memory_space<semaphore_mem>>)
        %dma_start3A_917 = arith.constant 1 : i32
        %dma_start3A_918 = arith.constant 0 : i32
        %dma_start3A_919 = arith.constant 0 : i32
        %dma_start3A_920 = tpu.memref_slice %arg11[%and3A_893, %dma_start3A_918, %dma_start3A_919] : memref<2x128x128xf32, #tpu.memory_space<vmem>> -> memref<1x128x128xf32, #tpu.memory_space<vmem>>
        %dma_start3A_921 = tpu.memref_squeeze %dma_start3A_920 : memref<1x128x128xf32, #tpu.memory_space<vmem>> -> memref<128x128xf32, #tpu.memory_space<vmem>>
        %dma_start3A_922 = arith.constant 0 : i32
        %dma_start3A_923 = tpu.memref_slice %arg5[%add3A_401, %mul3A_897, %dma_start3A_922] : memref<64x2048x128xf32, #tpu.memory_space<hbm>> -> memref<1x128x128xf32, #tpu.memory_space<hbm>>
        %dma_start3A_924 = tpu.memref_squeeze %dma_start3A_923 : memref<1x128x128xf32, #tpu.memory_space<hbm>> -> memref<128x128xf32, #tpu.memory_space<hbm>>
        %dma_start3A_925 = tpu.memref_slice %arg14[%dma_start3A_917, %and3A_893] : memref<3x2x!tpu.dma_semaphore, #tpu.memory_space<semaphore_mem>> -> memref<1x1x!tpu.dma_semaphore, #tpu.memory_space<semaphore_mem>>
        %dma_start3A_926 = tpu.memref_squeeze %dma_start3A_925 : memref<1x1x!tpu.dma_semaphore, #tpu.memory_space<semaphore_mem>> -> memref<!tpu.dma_semaphore, #tpu.memory_space<semaphore_mem>>
        %dma_start3A_927 = arith.constant 0 : i32
        %dma_start3A_928 = arith.constant 0 : i32
        %dma_start3A_929 = tpu.memref_slice %arg11[%and3A_893, %dma_start3A_927, %dma_start3A_928] : memref<2x128x128xf32, #tpu.memory_space<vmem>> -> memref<1x128x128xf32, #tpu.memory_space<vmem>>
        %dma_start3A_930 = tpu.memref_squeeze %dma_start3A_929 : memref<1x128x128xf32, #tpu.memory_space<vmem>> -> memref<128x128xf32, #tpu.memory_space<vmem>>
        %dma_start3A_931 = arith.constant 0 : i32
        %dma_start3A_932 = tpu.memref_slice %arg5[%add3A_401, %mul3A_897, %dma_start3A_931] : memref<64x2048x128xf32, #tpu.memory_space<hbm>> -> memref<1x128x128xf32, #tpu.memory_space<hbm>>
        %dma_start3A_933 = tpu.memref_squeeze %dma_start3A_932 : memref<1x128x128xf32, #tpu.memory_space<hbm>> -> memref<128x128xf32, #tpu.memory_space<hbm>>
        tpu.enqueue_dma source(%dma_start3A_933 : memref<128x128xf32, #tpu.memory_space<hbm>>) target(%dma_start3A_930 : memref<128x128xf32, #tpu.memory_space<vmem>>) target_semaphore(%dma_start3A_926 : memref<!tpu.dma_semaphore, #tpu.memory_space<semaphore_mem>>)
        %dma_start3A_934 = arith.constant 2 : i32
        %dma_start3A_935 = arith.constant 0 : i32
        %dma_start3A_936 = arith.constant 0 : i32
        %dma_start3A_937 = tpu.memref_slice %arg12[%and3A_893, %dma_start3A_935, %dma_start3A_936] : memref<2x128x128xf32, #tpu.memory_space<vmem>> -> memref<1x128x128xf32, #tpu.memory_space<vmem>>
        %dma_start3A_938 = tpu.memref_squeeze %dma_start3A_937 : memref<1x128x128xf32, #tpu.memory_space<vmem>> -> memref<128x128xf32, #tpu.memory_space<vmem>>
        %dma_start3A_939 = arith.constant 0 : i32
        %dma_start3A_940 = tpu.memref_slice %arg6[%add3A_401, %mul3A_899, %dma_start3A_939] : memref<64x2048x128xf32, #tpu.memory_space<hbm>> -> memref<1x128x128xf32, #tpu.memory_space<hbm>>
        %dma_start3A_941 = tpu.memref_squeeze %dma_start3A_940 : memref<1x128x128xf32, #tpu.memory_space<hbm>> -> memref<128x128xf32, #tpu.memory_space<hbm>>
        %dma_start3A_942 = tpu.memref_slice %arg14[%dma_start3A_934, %and3A_893] : memref<3x2x!tpu.dma_semaphore, #tpu.memory_space<semaphore_mem>> -> memref<1x1x!tpu.dma_semaphore, #tpu.memory_space<semaphore_mem>>
        %dma_start3A_943 = tpu.memref_squeeze %dma_start3A_942 : memref<1x1x!tpu.dma_semaphore, #tpu.memory_space<semaphore_mem>> -> memref<!tpu.dma_semaphore, #tpu.memory_space<semaphore_mem>>
        %dma_start3A_944 = arith.constant 0 : i32
        %dma_start3A_945 = arith.constant 0 : i32
        %dma_start3A_946 = tpu.memref_slice %arg12[%and3A_893, %dma_start3A_944, %dma_start3A_945] : memref<2x128x128xf32, #tpu.memory_space<vmem>> -> memref<1x128x128xf32, #tpu.memory_space<vmem>>
        %dma_start3A_947 = tpu.memref_squeeze %dma_start3A_946 : memref<1x128x128xf32, #tpu.memory_space<vmem>> -> memref<128x128xf32, #tpu.memory_space<vmem>>
        %dma_start3A_948 = arith.constant 0 : i32
        %dma_start3A_949 = tpu.memref_slice %arg6[%add3A_401, %mul3A_899, %dma_start3A_948] : memref<64x2048x128xf32, #tpu.memory_space<hbm>> -> memref<1x128x128xf32, #tpu.memory_space<hbm>>
        %dma_start3A_950 = tpu.memref_squeeze %dma_start3A_949 : memref<1x128x128xf32, #tpu.memory_space<hbm>> -> memref<128x128xf32, #tpu.memory_space<hbm>>
        tpu.enqueue_dma source(%dma_start3A_950 : memref<128x128xf32, #tpu.memory_space<hbm>>) target(%dma_start3A_947 : memref<128x128xf32, #tpu.memory_space<vmem>>) target_semaphore(%dma_start3A_943 : memref<!tpu.dma_semaphore, #tpu.memory_space<semaphore_mem>>)
      } else {
      }
      %mul3A_827 = arith.constant 128 : i32
      %mul3A_828 = arith.muli %while3A_818, %mul3A_827 : i32
      %mul3A_829 = arith.constant 128 : i32
      %mul3A_830 = arith.muli %while3A_818, %mul3A_829 : i32
      %mul3A_831 = arith.constant 128 : i32
      %mul3A_832 = arith.muli %while3A_818, %mul3A_831 : i32
      %dma_wait3A = arith.constant 0 : i32
      %dma_wait3A_833 = arith.constant 0 : i32
      %dma_wait3A_834 = arith.constant 0 : i32
      %dma_wait3A_835 = tpu.memref_slice %arg10[%and3A_823, %dma_wait3A_833, %dma_wait3A_834] : memref<2x128x128xf32, #tpu.memory_space<vmem>> -> memref<1x128x128xf32, #tpu.memory_space<vmem>>
      %dma_wait3A_836 = tpu.memref_squeeze %dma_wait3A_835 : memref<1x128x128xf32, #tpu.memory_space<vmem>> -> memref<128x128xf32, #tpu.memory_space<vmem>>
      %dma_wait3A_837 = arith.constant 0 : i32
      %dma_wait3A_838 = tpu.memref_slice %arg4[%add3A_401, %mul3A_828, %dma_wait3A_837] : memref<64x2048x128xf32, #tpu.memory_space<hbm>> -> memref<1x128x128xf32, #tpu.memory_space<hbm>>
      %dma_wait3A_839 = tpu.memref_squeeze %dma_wait3A_838 : memref<1x128x128xf32, #tpu.memory_space<hbm>> -> memref<128x128xf32, #tpu.memory_space<hbm>>
      %dma_wait3A_840 = tpu.memref_slice %arg14[%dma_wait3A, %and3A_823] : memref<3x2x!tpu.dma_semaphore, #tpu.memory_space<semaphore_mem>> -> memref<1x1x!tpu.dma_semaphore, #tpu.memory_space<semaphore_mem>>
      %dma_wait3A_841 = tpu.memref_squeeze %dma_wait3A_840 : memref<1x1x!tpu.dma_semaphore, #tpu.memory_space<semaphore_mem>> -> memref<!tpu.dma_semaphore, #tpu.memory_space<semaphore_mem>>
      %dma_wait3A_842 = arith.constant 0 : i32
      %dma_wait3A_843 = arith.constant 0 : i32
      %dma_wait3A_844 = tpu.memref_slice %arg10[%and3A_823, %dma_wait3A_842, %dma_wait3A_843] : memref<2x128x128xf32, #tpu.memory_space<vmem>> -> memref<1x128x128xf32, #tpu.memory_space<vmem>>
      %dma_wait3A_845 = tpu.memref_squeeze %dma_wait3A_844 : memref<1x128x128xf32, #tpu.memory_space<vmem>> -> memref<128x128xf32, #tpu.memory_space<vmem>>
      %dma_wait3A_846 = arith.constant 0 : i32
      %dma_wait3A_847 = tpu.memref_slice %arg4[%add3A_401, %mul3A_828, %dma_wait3A_846] : memref<64x2048x128xf32, #tpu.memory_space<hbm>> -> memref<1x128x128xf32, #tpu.memory_space<hbm>>
      %dma_wait3A_848 = tpu.memref_squeeze %dma_wait3A_847 : memref<1x128x128xf32, #tpu.memory_space<hbm>> -> memref<128x128xf32, #tpu.memory_space<hbm>>
      tpu.wait_dma2 semaphore(%dma_wait3A_841 : memref<!tpu.dma_semaphore, #tpu.memory_space<semaphore_mem>>) src(%dma_wait3A_848 : memref<128x128xf32, #tpu.memory_space<hbm>>) dst(%dma_wait3A_845 : memref<128x128xf32, #tpu.memory_space<vmem>>)
      %dma_wait3A_849 = arith.constant 1 : i32
      %dma_wait3A_850 = arith.constant 0 : i32
      %dma_wait3A_851 = arith.constant 0 : i32
      %dma_wait3A_852 = tpu.memref_slice %arg11[%and3A_823, %dma_wait3A_850, %dma_wait3A_851] : memref<2x128x128xf32, #tpu.memory_space<vmem>> -> memref<1x128x128xf32, #tpu.memory_space<vmem>>
      %dma_wait3A_853 = tpu.memref_squeeze %dma_wait3A_852 : memref<1x128x128xf32, #tpu.memory_space<vmem>> -> memref<128x128xf32, #tpu.memory_space<vmem>>
      %dma_wait3A_854 = arith.constant 0 : i32
      %dma_wait3A_855 = tpu.memref_slice %arg5[%add3A_401, %mul3A_830, %dma_wait3A_854] : memref<64x2048x128xf32, #tpu.memory_space<hbm>> -> memref<1x128x128xf32, #tpu.memory_space<hbm>>
      %dma_wait3A_856 = tpu.memref_squeeze %dma_wait3A_855 : memref<1x128x128xf32, #tpu.memory_space<hbm>> -> memref<128x128xf32, #tpu.memory_space<hbm>>
      %dma_wait3A_857 = tpu.memref_slice %arg14[%dma_wait3A_849, %and3A_823] : memref<3x2x!tpu.dma_semaphore, #tpu.memory_space<semaphore_mem>> -> memref<1x1x!tpu.dma_semaphore, #tpu.memory_space<semaphore_mem>>
      %dma_wait3A_858 = tpu.memref_squeeze %dma_wait3A_857 : memref<1x1x!tpu.dma_semaphore, #tpu.memory_space<semaphore_mem>> -> memref<!tpu.dma_semaphore, #tpu.memory_space<semaphore_mem>>
      %dma_wait3A_859 = arith.constant 0 : i32
      %dma_wait3A_860 = arith.constant 0 : i32
      %dma_wait3A_861 = tpu.memref_slice %arg11[%and3A_823, %dma_wait3A_859, %dma_wait3A_860] : memref<2x128x128xf32, #tpu.memory_space<vmem>> -> memref<1x128x128xf32, #tpu.memory_space<vmem>>
      %dma_wait3A_862 = tpu.memref_squeeze %dma_wait3A_861 : memref<1x128x128xf32, #tpu.memory_space<vmem>> -> memref<128x128xf32, #tpu.memory_space<vmem>>
      %dma_wait3A_863 = arith.constant 0 : i32
      %dma_wait3A_864 = tpu.memref_slice %arg5[%add3A_401, %mul3A_830, %dma_wait3A_863] : memref<64x2048x128xf32, #tpu.memory_space<hbm>> -> memref<1x128x128xf32, #tpu.memory_space<hbm>>
      %dma_wait3A_865 = tpu.memref_squeeze %dma_wait3A_864 : memref<1x128x128xf32, #tpu.memory_space<hbm>> -> memref<128x128xf32, #tpu.memory_space<hbm>>
      tpu.wait_dma2 semaphore(%dma_wait3A_858 : memref<!tpu.dma_semaphore, #tpu.memory_space<semaphore_mem>>) src(%dma_wait3A_865 : memref<128x128xf32, #tpu.memory_space<hbm>>) dst(%dma_wait3A_862 : memref<128x128xf32, #tpu.memory_space<vmem>>)
      %dma_wait3A_866 = arith.constant 2 : i32
      %dma_wait3A_867 = arith.constant 0 : i32
      %dma_wait3A_868 = arith.constant 0 : i32
      %dma_wait3A_869 = tpu.memref_slice %arg12[%and3A_823, %dma_wait3A_867, %dma_wait3A_868] : memref<2x128x128xf32, #tpu.memory_space<vmem>> -> memref<1x128x128xf32, #tpu.memory_space<vmem>>
      %dma_wait3A_870 = tpu.memref_squeeze %dma_wait3A_869 : memref<1x128x128xf32, #tpu.memory_space<vmem>> -> memref<128x128xf32, #tpu.memory_space<vmem>>
      %dma_wait3A_871 = arith.constant 0 : i32
      %dma_wait3A_872 = tpu.memref_slice %arg6[%add3A_401, %mul3A_832, %dma_wait3A_871] : memref<64x2048x128xf32, #tpu.memory_space<hbm>> -> memref<1x128x128xf32, #tpu.memory_space<hbm>>
      %dma_wait3A_873 = tpu.memref_squeeze %dma_wait3A_872 : memref<1x128x128xf32, #tpu.memory_space<hbm>> -> memref<128x128xf32, #tpu.memory_space<hbm>>
      %dma_wait3A_874 = tpu.memref_slice %arg14[%dma_wait3A_866, %and3A_823] : memref<3x2x!tpu.dma_semaphore, #tpu.memory_space<semaphore_mem>> -> memref<1x1x!tpu.dma_semaphore, #tpu.memory_space<semaphore_mem>>
      %dma_wait3A_875 = tpu.memref_squeeze %dma_wait3A_874 : memref<1x1x!tpu.dma_semaphore, #tpu.memory_space<semaphore_mem>> -> memref<!tpu.dma_semaphore, #tpu.memory_space<semaphore_mem>>
      %dma_wait3A_876 = arith.constant 0 : i32
      %dma_wait3A_877 = arith.constant 0 : i32
      %dma_wait3A_878 = tpu.memref_slice %arg12[%and3A_823, %dma_wait3A_876, %dma_wait3A_877] : memref<2x128x128xf32, #tpu.memory_space<vmem>> -> memref<1x128x128xf32, #tpu.memory_space<vmem>>
      %dma_wait3A_879 = tpu.memref_squeeze %dma_wait3A_878 : memref<1x128x128xf32, #tpu.memory_space<vmem>> -> memref<128x128xf32, #tpu.memory_space<vmem>>
      %dma_wait3A_880 = arith.constant 0 : i32
      %dma_wait3A_881 = tpu.memref_slice %arg6[%add3A_401, %mul3A_832, %dma_wait3A_880] : memref<64x2048x128xf32, #tpu.memory_space<hbm>> -> memref<1x128x128xf32, #tpu.memory_space<hbm>>
      %dma_wait3A_882 = tpu.memref_squeeze %dma_wait3A_881 : memref<1x128x128xf32, #tpu.memory_space<hbm>> -> memref<128x128xf32, #tpu.memory_space<hbm>>
      tpu.wait_dma2 semaphore(%dma_wait3A_875 : memref<!tpu.dma_semaphore, #tpu.memory_space<semaphore_mem>>) src(%dma_wait3A_882 : memref<128x128xf32, #tpu.memory_space<hbm>>) dst(%dma_wait3A_879 : memref<128x128xf32, #tpu.memory_space<vmem>>)
      %scan3A = arith.constant 0 : i32
      %scan3A_883 = arith.constant 128 : i32
      %scan3A_884 = arith.addi %scan3A, %scan3A_883 : i32
      %scan3A_885 = arith.constant 1 : i32
      %scan3A_886 = scf.for %scan3A_888 = %scan3A to %scan3A_884 step %scan3A_885 iter_args(%scan3A_889 = %while3A_819) -> (vector<16xf32>)  : i32 {
        %broadcast_in_dim3A_890 = arith.constant 0.000000e+00 : f32
        %broadcast_in_dim3A_891 = vector.broadcast %broadcast_in_dim3A_890 : f32 to vector<16xf32>
        %broadcast_in_dim3A_892 = arith.constant 0.000000e+00 : f32
        %broadcast_in_dim3A_893 = vector.broadcast %broadcast_in_dim3A_892 : f32 to vector<16xf32>
        %get3A_894 = arith.index_cast %and3A_823 : i32 to index
        %get3A_895 = arith.index_cast %scan3A_888 : i32 to index
        %get3A_896 = arith.constant 0 : index
        %get3A_897 = tpu.vector_load %arg10[%get3A_894, %get3A_895, %get3A_896] {strides = array<i32>} : memref<2x128x128xf32, #tpu.memory_space<vmem>>, vector<1x1x16xf32>,
        %get3A_898 = vector.shape_cast %get3A_897 : vector<1x1x16xf32> to vector<16xf32>
        %sub3A_899 = arith.subf %get3A_898, %mul3A_440 : vector<16xf32>
        %mul3A_900 = arith.mulf %get3A_898, %sub3A_899 : vector<16xf32>
        %add3A_901 = arith.addf %broadcast_in_dim3A_891, %mul3A_900 : vector<16xf32>
        %get3A_902 = arith.index_cast %and3A_823 : i32 to index
        %get3A_903 = arith.index_cast %scan3A_888 : i32 to index
        %get3A_904 = arith.constant 16 : index
        %get3A_905 = tpu.vector_load %arg10[%get3A_902, %get3A_903, %get3A_904] {strides = array<i32>} : memref<2x128x128xf32, #tpu.memory_space<vmem>>, vector<1x1x16xf32>,
        %get3A_906 = vector.shape_cast %get3A_905 : vector<1x1x16xf32> to vector<16xf32>
        %sub3A_907 = arith.subf %get3A_906, %mul3A_446 : vector<16xf32>
        %mul3A_908 = arith.mulf %get3A_906, %sub3A_907 : vector<16xf32>
        %add3A_909 = arith.addf %broadcast_in_dim3A_893, %mul3A_908 : vector<16xf32>
        %get3A_910 = arith.index_cast %and3A_823 : i32 to index
        %get3A_911 = arith.index_cast %scan3A_888 : i32 to index
        %get3A_912 = arith.constant 32 : index
        %get3A_913 = tpu.vector_load %arg10[%get3A_910, %get3A_911, %get3A_912] {strides = array<i32>} : memref<2x128x128xf32, #tpu.memory_space<vmem>>, vector<1x1x16xf32>,
        %get3A_914 = vector.shape_cast %get3A_913 : vector<1x1x16xf32> to vector<16xf32>
        %sub3A_915 = arith.subf %get3A_914, %mul3A_452 : vector<16xf32>
        %mul3A_916 = arith.mulf %get3A_914, %sub3A_915 : vector<16xf32>
        %add3A_917 = arith.addf %add3A_901, %mul3A_916 : vector<16xf32>
        %get3A_918 = arith.index_cast %and3A_823 : i32 to index
        %get3A_919 = arith.index_cast %scan3A_888 : i32 to index
        %get3A_920 = arith.constant 48 : index
        %get3A_921 = tpu.vector_load %arg10[%get3A_918, %get3A_919, %get3A_920] {strides = array<i32>} : memref<2x128x128xf32, #tpu.memory_space<vmem>>, vector<1x1x16xf32>,
        %get3A_922 = vector.shape_cast %get3A_921 : vector<1x1x16xf32> to vector<16xf32>
        %sub3A_923 = arith.subf %get3A_922, %mul3A_458 : vector<16xf32>
        %mul3A_924 = arith.mulf %get3A_922, %sub3A_923 : vector<16xf32>
        %add3A_925 = arith.addf %add3A_909, %mul3A_924 : vector<16xf32>
        %get3A_926 = arith.index_cast %and3A_823 : i32 to index
        %get3A_927 = arith.index_cast %scan3A_888 : i32 to index
        %get3A_928 = arith.constant 64 : index
        %get3A_929 = tpu.vector_load %arg10[%get3A_926, %get3A_927, %get3A_928] {strides = array<i32>} : memref<2x128x128xf32, #tpu.memory_space<vmem>>, vector<1x1x16xf32>,
        %get3A_930 = vector.shape_cast %get3A_929 : vector<1x1x16xf32> to vector<16xf32>
        %sub3A_931 = arith.subf %get3A_930, %mul3A_464 : vector<16xf32>
        %mul3A_932 = arith.mulf %get3A_930, %sub3A_931 : vector<16xf32>
        %add3A_933 = arith.addf %add3A_917, %mul3A_932 : vector<16xf32>
        %get3A_934 = arith.index_cast %and3A_823 : i32 to index
        %get3A_935 = arith.index_cast %scan3A_888 : i32 to index
        %get3A_936 = arith.constant 80 : index
        %get3A_937 = tpu.vector_load %arg10[%get3A_934, %get3A_935, %get3A_936] {strides = array<i32>} : memref<2x128x128xf32, #tpu.memory_space<vmem>>, vector<1x1x16xf32>,
        %get3A_938 = vector.shape_cast %get3A_937 : vector<1x1x16xf32> to vector<16xf32>
        %sub3A_939 = arith.subf %get3A_938, %mul3A_470 : vector<16xf32>
        %mul3A_940 = arith.mulf %get3A_938, %sub3A_939 : vector<16xf32>
        %add3A_941 = arith.addf %add3A_925, %mul3A_940 : vector<16xf32>
        %get3A_942 = arith.index_cast %and3A_823 : i32 to index
        %get3A_943 = arith.index_cast %scan3A_888 : i32 to index
        %get3A_944 = arith.constant 96 : index
        %get3A_945 = tpu.vector_load %arg10[%get3A_942, %get3A_943, %get3A_944] {strides = array<i32>} : memref<2x128x128xf32, #tpu.memory_space<vmem>>, vector<1x1x16xf32>,
        %get3A_946 = vector.shape_cast %get3A_945 : vector<1x1x16xf32> to vector<16xf32>
        %sub3A_947 = arith.subf %get3A_946, %mul3A_476 : vector<16xf32>
        %mul3A_948 = arith.mulf %get3A_946, %sub3A_947 : vector<16xf32>
        %add3A_949 = arith.addf %add3A_933, %mul3A_948 : vector<16xf32>
        %get3A_950 = arith.index_cast %and3A_823 : i32 to index
        %get3A_951 = arith.index_cast %scan3A_888 : i32 to index
        %get3A_952 = arith.constant 112 : index
        %get3A_953 = tpu.vector_load %arg10[%get3A_950, %get3A_951, %get3A_952] {strides = array<i32>} : memref<2x128x128xf32, #tpu.memory_space<vmem>>, vector<1x1x16xf32>,
        %get3A_954 = vector.shape_cast %get3A_953 : vector<1x1x16xf32> to vector<16xf32>
        %sub3A_955 = arith.subf %get3A_954, %mul3A_482 : vector<16xf32>
        %mul3A_956 = arith.mulf %get3A_954, %sub3A_955 : vector<16xf32>
        %add3A_957 = arith.addf %add3A_941, %mul3A_956 : vector<16xf32>
        %add3A_958 = arith.addf %add3A_949, %add3A_957 : vector<16xf32>
        %broadcast_in_dim3A_959 = arith.constant 0.000000e+00 : f32
        %broadcast_in_dim3A_960 = vector.broadcast %broadcast_in_dim3A_959 : f32 to vector<16xf32>
        %broadcast_in_dim3A_961 = arith.constant 0.000000e+00 : f32
        %broadcast_in_dim3A_962 = vector.broadcast %broadcast_in_dim3A_961 : f32 to vector<16xf32>
        %get3A_963 = arith.index_cast %and3A_823 : i32 to index
        %get3A_964 = arith.index_cast %scan3A_888 : i32 to index
        %get3A_965 = arith.constant 0 : index
        %get3A_966 = tpu.vector_load %arg11[%get3A_963, %get3A_964, %get3A_965] {strides = array<i32>} : memref<2x128x128xf32, #tpu.memory_space<vmem>>, vector<1x1x16xf32>,
        %get3A_967 = vector.shape_cast %get3A_966 : vector<1x1x16xf32> to vector<16xf32>
        %sub3A_968 = arith.subf %get3A_967, %mul3A_488 : vector<16xf32>
        %mul3A_969 = arith.mulf %get3A_967, %sub3A_968 : vector<16xf32>
        %add3A_970 = arith.addf %broadcast_in_dim3A_960, %mul3A_969 : vector<16xf32>
        %get3A_971 = arith.index_cast %and3A_823 : i32 to index
        %get3A_972 = arith.index_cast %scan3A_888 : i32 to index
        %get3A_973 = arith.constant 16 : index
        %get3A_974 = tpu.vector_load %arg11[%get3A_971, %get3A_972, %get3A_973] {strides = array<i32>} : memref<2x128x128xf32, #tpu.memory_space<vmem>>, vector<1x1x16xf32>,
        %get3A_975 = vector.shape_cast %get3A_974 : vector<1x1x16xf32> to vector<16xf32>
        %sub3A_976 = arith.subf %get3A_975, %mul3A_494 : vector<16xf32>
        %mul3A_977 = arith.mulf %get3A_975, %sub3A_976 : vector<16xf32>
        %add3A_978 = arith.addf %broadcast_in_dim3A_962, %mul3A_977 : vector<16xf32>
        %get3A_979 = arith.index_cast %and3A_823 : i32 to index
        %get3A_980 = arith.index_cast %scan3A_888 : i32 to index
        %get3A_981 = arith.constant 32 : index
        %get3A_982 = tpu.vector_load %arg11[%get3A_979, %get3A_980, %get3A_981] {strides = array<i32>} : memref<2x128x128xf32, #tpu.memory_space<vmem>>, vector<1x1x16xf32>,
        %get3A_983 = vector.shape_cast %get3A_982 : vector<1x1x16xf32> to vector<16xf32>
        %sub3A_984 = arith.subf %get3A_983, %mul3A_500 : vector<16xf32>
        %mul3A_985 = arith.mulf %get3A_983, %sub3A_984 : vector<16xf32>
        %add3A_986 = arith.addf %add3A_970, %mul3A_985 : vector<16xf32>
        %get3A_987 = arith.index_cast %and3A_823 : i32 to index
        %get3A_988 = arith.index_cast %scan3A_888 : i32 to index
        %get3A_989 = arith.constant 48 : index
        %get3A_990 = tpu.vector_load %arg11[%get3A_987, %get3A_988, %get3A_989] {strides = array<i32>} : memref<2x128x128xf32, #tpu.memory_space<vmem>>, vector<1x1x16xf32>,
        %get3A_991 = vector.shape_cast %get3A_990 : vector<1x1x16xf32> to vector<16xf32>
        %sub3A_992 = arith.subf %get3A_991, %mul3A_506 : vector<16xf32>
        %mul3A_993 = arith.mulf %get3A_991, %sub3A_992 : vector<16xf32>
        %add3A_994 = arith.addf %add3A_978, %mul3A_993 : vector<16xf32>
        %get3A_995 = arith.index_cast %and3A_823 : i32 to index
        %get3A_996 = arith.index_cast %scan3A_888 : i32 to index
        %get3A_997 = arith.constant 64 : index
        %get3A_998 = tpu.vector_load %arg11[%get3A_995, %get3A_996, %get3A_997] {strides = array<i32>} : memref<2x128x128xf32, #tpu.memory_space<vmem>>, vector<1x1x16xf32>,
        %get3A_999 = vector.shape_cast %get3A_998 : vector<1x1x16xf32> to vector<16xf32>
        %sub3A_1000 = arith.subf %get3A_999, %mul3A_512 : vector<16xf32>
        %mul3A_1001 = arith.mulf %get3A_999, %sub3A_1000 : vector<16xf32>
        %add3A_1002 = arith.addf %add3A_986, %mul3A_1001 : vector<16xf32>
        %get3A_1003 = arith.index_cast %and3A_823 : i32 to index
        %get3A_1004 = arith.index_cast %scan3A_888 : i32 to index
        %get3A_1005 = arith.constant 80 : index
        %get3A_1006 = tpu.vector_load %arg11[%get3A_1003, %get3A_1004, %get3A_1005] {strides = array<i32>} : memref<2x128x128xf32, #tpu.memory_space<vmem>>, vector<1x1x16xf32>,
        %get3A_1007 = vector.shape_cast %get3A_1006 : vector<1x1x16xf32> to vector<16xf32>
        %sub3A_1008 = arith.subf %get3A_1007, %mul3A_518 : vector<16xf32>
        %mul3A_1009 = arith.mulf %get3A_1007, %sub3A_1008 : vector<16xf32>
        %add3A_1010 = arith.addf %add3A_994, %mul3A_1009 : vector<16xf32>
        %get3A_1011 = arith.index_cast %and3A_823 : i32 to index
        %get3A_1012 = arith.index_cast %scan3A_888 : i32 to index
        %get3A_1013 = arith.constant 96 : index
        %get3A_1014 = tpu.vector_load %arg11[%get3A_1011, %get3A_1012, %get3A_1013] {strides = array<i32>} : memref<2x128x128xf32, #tpu.memory_space<vmem>>, vector<1x1x16xf32>,
        %get3A_1015 = vector.shape_cast %get3A_1014 : vector<1x1x16xf32> to vector<16xf32>
        %sub3A_1016 = arith.subf %get3A_1015, %mul3A_524 : vector<16xf32>
        %mul3A_1017 = arith.mulf %get3A_1015, %sub3A_1016 : vector<16xf32>
        %add3A_1018 = arith.addf %add3A_1002, %mul3A_1017 : vector<16xf32>
        %get3A_1019 = arith.index_cast %and3A_823 : i32 to index
        %get3A_1020 = arith.index_cast %scan3A_888 : i32 to index
        %get3A_1021 = arith.constant 112 : index
        %get3A_1022 = tpu.vector_load %arg11[%get3A_1019, %get3A_1020, %get3A_1021] {strides = array<i32>} : memref<2x128x128xf32, #tpu.memory_space<vmem>>, vector<1x1x16xf32>,
        %get3A_1023 = vector.shape_cast %get3A_1022 : vector<1x1x16xf32> to vector<16xf32>
        %sub3A_1024 = arith.subf %get3A_1023, %mul3A_530 : vector<16xf32>
        %mul3A_1025 = arith.mulf %get3A_1023, %sub3A_1024 : vector<16xf32>
        %add3A_1026 = arith.addf %add3A_1010, %mul3A_1025 : vector<16xf32>
        %add3A_1027 = arith.addf %add3A_1018, %add3A_1026 : vector<16xf32>
        %broadcast_in_dim3A_1028 = arith.constant 0.000000e+00 : f32
        %broadcast_in_dim3A_1029 = vector.broadcast %broadcast_in_dim3A_1028 : f32 to vector<16xf32>
        %broadcast_in_dim3A_1030 = arith.constant 0.000000e+00 : f32
        %broadcast_in_dim3A_1031 = vector.broadcast %broadcast_in_dim3A_1030 : f32 to vector<16xf32>
        %get3A_1032 = arith.index_cast %and3A_823 : i32 to index
        %get3A_1033 = arith.index_cast %scan3A_888 : i32 to index
        %get3A_1034 = arith.constant 0 : index
        %get3A_1035 = tpu.vector_load %arg12[%get3A_1032, %get3A_1033, %get3A_1034] {strides = array<i32>} : memref<2x128x128xf32, #tpu.memory_space<vmem>>, vector<1x1x16xf32>,
        %get3A_1036 = vector.shape_cast %get3A_1035 : vector<1x1x16xf32> to vector<16xf32>
        %sub3A_1037 = arith.subf %get3A_1036, %mul3A_536 : vector<16xf32>
        %mul3A_1038 = arith.mulf %get3A_1036, %sub3A_1037 : vector<16xf32>
        %add3A_1039 = arith.addf %broadcast_in_dim3A_1029, %mul3A_1038 : vector<16xf32>
        %get3A_1040 = arith.index_cast %and3A_823 : i32 to index
        %get3A_1041 = arith.index_cast %scan3A_888 : i32 to index
        %get3A_1042 = arith.constant 16 : index
        %get3A_1043 = tpu.vector_load %arg12[%get3A_1040, %get3A_1041, %get3A_1042] {strides = array<i32>} : memref<2x128x128xf32, #tpu.memory_space<vmem>>, vector<1x1x16xf32>,
        %get3A_1044 = vector.shape_cast %get3A_1043 : vector<1x1x16xf32> to vector<16xf32>
        %sub3A_1045 = arith.subf %get3A_1044, %mul3A_542 : vector<16xf32>
        %mul3A_1046 = arith.mulf %get3A_1044, %sub3A_1045 : vector<16xf32>
        %add3A_1047 = arith.addf %broadcast_in_dim3A_1031, %mul3A_1046 : vector<16xf32>
        %get3A_1048 = arith.index_cast %and3A_823 : i32 to index
        %get3A_1049 = arith.index_cast %scan3A_888 : i32 to index
        %get3A_1050 = arith.constant 32 : index
        %get3A_1051 = tpu.vector_load %arg12[%get3A_1048, %get3A_1049, %get3A_1050] {strides = array<i32>} : memref<2x128x128xf32, #tpu.memory_space<vmem>>, vector<1x1x16xf32>,
        %get3A_1052 = vector.shape_cast %get3A_1051 : vector<1x1x16xf32> to vector<16xf32>
        %sub3A_1053 = arith.subf %get3A_1052, %mul3A_548 : vector<16xf32>
        %mul3A_1054 = arith.mulf %get3A_1052, %sub3A_1053 : vector<16xf32>
        %add3A_1055 = arith.addf %add3A_1039, %mul3A_1054 : vector<16xf32>
        %get3A_1056 = arith.index_cast %and3A_823 : i32 to index
        %get3A_1057 = arith.index_cast %scan3A_888 : i32 to index
        %get3A_1058 = arith.constant 48 : index
        %get3A_1059 = tpu.vector_load %arg12[%get3A_1056, %get3A_1057, %get3A_1058] {strides = array<i32>} : memref<2x128x128xf32, #tpu.memory_space<vmem>>, vector<1x1x16xf32>,
        %get3A_1060 = vector.shape_cast %get3A_1059 : vector<1x1x16xf32> to vector<16xf32>
        %sub3A_1061 = arith.subf %get3A_1060, %mul3A_554 : vector<16xf32>
        %mul3A_1062 = arith.mulf %get3A_1060, %sub3A_1061 : vector<16xf32>
        %add3A_1063 = arith.addf %add3A_1047, %mul3A_1062 : vector<16xf32>
        %get3A_1064 = arith.index_cast %and3A_823 : i32 to index
        %get3A_1065 = arith.index_cast %scan3A_888 : i32 to index
        %get3A_1066 = arith.constant 64 : index
        %get3A_1067 = tpu.vector_load %arg12[%get3A_1064, %get3A_1065, %get3A_1066] {strides = array<i32>} : memref<2x128x128xf32, #tpu.memory_space<vmem>>, vector<1x1x16xf32>,
        %get3A_1068 = vector.shape_cast %get3A_1067 : vector<1x1x16xf32> to vector<16xf32>
        %sub3A_1069 = arith.subf %get3A_1068, %mul3A_560 : vector<16xf32>
        %mul3A_1070 = arith.mulf %get3A_1068, %sub3A_1069 : vector<16xf32>
        %add3A_1071 = arith.addf %add3A_1055, %mul3A_1070 : vector<16xf32>
        %get3A_1072 = arith.index_cast %and3A_823 : i32 to index
        %get3A_1073 = arith.index_cast %scan3A_888 : i32 to index
        %get3A_1074 = arith.constant 80 : index
        %get3A_1075 = tpu.vector_load %arg12[%get3A_1072, %get3A_1073, %get3A_1074] {strides = array<i32>} : memref<2x128x128xf32, #tpu.memory_space<vmem>>, vector<1x1x16xf32>,
        %get3A_1076 = vector.shape_cast %get3A_1075 : vector<1x1x16xf32> to vector<16xf32>
        %sub3A_1077 = arith.subf %get3A_1076, %mul3A_566 : vector<16xf32>
        %mul3A_1078 = arith.mulf %get3A_1076, %sub3A_1077 : vector<16xf32>
        %add3A_1079 = arith.addf %add3A_1063, %mul3A_1078 : vector<16xf32>
        %get3A_1080 = arith.index_cast %and3A_823 : i32 to index
        %get3A_1081 = arith.index_cast %scan3A_888 : i32 to index
        %get3A_1082 = arith.constant 96 : index
        %get3A_1083 = tpu.vector_load %arg12[%get3A_1080, %get3A_1081, %get3A_1082] {strides = array<i32>} : memref<2x128x128xf32, #tpu.memory_space<vmem>>, vector<1x1x16xf32>,
        %get3A_1084 = vector.shape_cast %get3A_1083 : vector<1x1x16xf32> to vector<16xf32>
        %sub3A_1085 = arith.subf %get3A_1084, %mul3A_572 : vector<16xf32>
        %mul3A_1086 = arith.mulf %get3A_1084, %sub3A_1085 : vector<16xf32>
        %add3A_1087 = arith.addf %add3A_1071, %mul3A_1086 : vector<16xf32>
        %get3A_1088 = arith.index_cast %and3A_823 : i32 to index
        %get3A_1089 = arith.index_cast %scan3A_888 : i32 to index
        %get3A_1090 = arith.constant 112 : index
        %get3A_1091 = tpu.vector_load %arg12[%get3A_1088, %get3A_1089, %get3A_1090] {strides = array<i32>} : memref<2x128x128xf32, #tpu.memory_space<vmem>>, vector<1x1x16xf32>,
        %get3A_1092 = vector.shape_cast %get3A_1091 : vector<1x1x16xf32> to vector<16xf32>
        %sub3A_1093 = arith.subf %get3A_1092, %mul3A_578 : vector<16xf32>
        %mul3A_1094 = arith.mulf %get3A_1092, %sub3A_1093 : vector<16xf32>
        %add3A_1095 = arith.addf %add3A_1079, %mul3A_1094 : vector<16xf32>
        %add3A_1096 = arith.addf %add3A_1087, %add3A_1095 : vector<16xf32>
        %add3A_1097 = arith.addf %add3A_958, %add3A_1027 : vector<16xf32>
        %add3A_1098 = arith.addf %add3A_1097, %add3A_1096 : vector<16xf32>
        %iota3A_1099 = tpu.iota {dimensions = array<i32: 0>} : vector<16xi32>
        %xor3A_1100 = arith.constant 1 : i32
        %xor3A_1101 = vector.broadcast %xor3A_1100 : i32 to vector<16xi32>
        %xor3A_1102 = arith.xori %iota3A_1099, %xor3A_1101 : vector<16xi32>
        %broadcast_in_dim3A_1103 = vector.shape_cast %xor3A_1102 : vector<16xi32> to vector<16x1xi32>
        %gather3A_1104 = vector.shape_cast %broadcast_in_dim3A_1103 : vector<16x1xi32> to vector<16xi32>
        %gather3A_1105 = tpu.dynamic_gather %add3A_1098[%gather3A_1104] in [0] : vector<16xf32>, vector<16xi32> -> vector<16xf32>
        %add3A_1106 = arith.addf %add3A_1098, %gather3A_1105 : vector<16xf32>
        %iota3A_1107 = tpu.iota {dimensions = array<i32: 0>} : vector<16xi32>
        %xor3A_1108 = arith.constant 2 : i32
        %xor3A_1109 = vector.broadcast %xor3A_1108 : i32 to vector<16xi32>
        %xor3A_1110 = arith.xori %iota3A_1107, %xor3A_1109 : vector<16xi32>
        %broadcast_in_dim3A_1111 = vector.shape_cast %xor3A_1110 : vector<16xi32> to vector<16x1xi32>
        %gather3A_1112 = vector.shape_cast %broadcast_in_dim3A_1111 : vector<16x1xi32> to vector<16xi32>
        %gather3A_1113 = tpu.dynamic_gather %add3A_1106[%gather3A_1112] in [0] : vector<16xf32>, vector<16xi32> -> vector<16xf32>
        %add3A_1114 = arith.addf %add3A_1106, %gather3A_1113 : vector<16xf32>
        %iota3A_1115 = tpu.iota {dimensions = array<i32: 0>} : vector<16xi32>
        %xor3A_1116 = arith.constant 4 : i32
        %xor3A_1117 = vector.broadcast %xor3A_1116 : i32 to vector<16xi32>
        %xor3A_1118 = arith.xori %iota3A_1115, %xor3A_1117 : vector<16xi32>
        %broadcast_in_dim3A_1119 = vector.shape_cast %xor3A_1118 : vector<16xi32> to vector<16x1xi32>
        %gather3A_1120 = vector.shape_cast %broadcast_in_dim3A_1119 : vector<16x1xi32> to vector<16xi32>
        %gather3A_1121 = tpu.dynamic_gather %add3A_1114[%gather3A_1120] in [0] : vector<16xf32>, vector<16xi32> -> vector<16xf32>
        %add3A_1122 = arith.addf %add3A_1114, %gather3A_1121 : vector<16xf32>
        %iota3A_1123 = tpu.iota {dimensions = array<i32: 0>} : vector<16xi32>
        %xor3A_1124 = arith.constant 8 : i32
        %xor3A_1125 = vector.broadcast %xor3A_1124 : i32 to vector<16xi32>
        %xor3A_1126 = arith.xori %iota3A_1123, %xor3A_1125 : vector<16xi32>
        %broadcast_in_dim3A_1127 = vector.shape_cast %xor3A_1126 : vector<16xi32> to vector<16x1xi32>
        %gather3A_1128 = vector.shape_cast %broadcast_in_dim3A_1127 : vector<16x1xi32> to vector<16xi32>
        %gather3A_1129 = tpu.dynamic_gather %add3A_1122[%gather3A_1128] in [0] : vector<16xf32>, vector<16xi32> -> vector<16xf32>
        %add3A_1130 = arith.addf %add3A_1122, %gather3A_1129 : vector<16xf32>
        %add3A_1131 = arith.addi %mul3A_821, %scan3A_888 : i32
        %ge3A = arith.cmpi sge, %add3A_1131, %squeeze3A_406 : i32
        %convert_element_type3A_1132 = arith.extui %ge3A : i1 to i32
        %convert_element_type3A_1133 = arith.sitofp %convert_element_type3A_1132 : i32 to f32
        %mul3A_1134 = arith.constant 3.000000e+38 : f32
        %mul3A_1135 = arith.mulf %convert_element_type3A_1133, %mul3A_1134 : f32
        %add3A_1136 = vector.broadcast %mul3A_1135 : f32 to vector<16xf32>
        %add3A_1137 = arith.addf %add3A_1130, %add3A_1136 : vector<16xf32>
        %min3A = arith.minimumf %scan3A_889, %add3A_1137 : vector<16xf32>
        scf.yield %min3A : vector<16xf32>
      }
      %scan3A_887 = arith.constant 128 : i32
      scf.yield %scan3A_886 : vector<16xf32>
    }
    %while3A_807 = arith.constant 1 : i32
    %while3A_808 = scf.for %while3A_818 = %while3A_804 to %while3A_800 step %while3A_807 iter_args(%while3A_819 = %while3A_806) -> (vector<16xf32>)  : i32 {
      %mul3A_820 = arith.constant 128 : i32
      %mul3A_821 = arith.muli %while3A_818, %mul3A_820 : i32
      %and3A_822 = arith.constant 1 : i32
      %and3A_823 = arith.andi %while3A_818, %and3A_822 : i32
      %add3A_824 = arith.constant 1 : i32
      %add3A_825 = arith.addi %while3A_818, %add3A_824 : i32
      %lt3A = arith.cmpi slt, %add3A_825, %select_n3A_434 : i32
      %convert_element_type3A = arith.extui %lt3A : i1 to i32
      %cond3A = arith.constant 0 : i32
      %cond3A_826 = arith.cmpi ne, %convert_element_type3A, %cond3A : i32
      scf.if %cond3A_826 {
        %add3A_888 = arith.constant 1 : i32
        %add3A_889 = arith.addi %while3A_818, %add3A_888 : i32
        %add3A_890 = arith.constant 1 : i32
        %add3A_891 = arith.addi %while3A_818, %add3A_890 : i32
        %and3A_892 = arith.constant 1 : i32
        %and3A_893 = arith.andi %add3A_891, %and3A_892 : i32
        %mul3A_894 = arith.constant 128 : i32
        %mul3A_895 = arith.muli %add3A_889, %mul3A_894 : i32
        %mul3A_896 = arith.constant 128 : i32
        %mul3A_897 = arith.muli %add3A_889, %mul3A_896 : i32
        %mul3A_898 = arith.constant 128 : i32
        %mul3A_899 = arith.muli %add3A_889, %mul3A_898 : i32
        %dma_start3A_900 = arith.constant 0 : i32
        %dma_start3A_901 = arith.constant 0 : i32
        %dma_start3A_902 = arith.constant 0 : i32
        %dma_start3A_903 = tpu.memref_slice %arg10[%and3A_893, %dma_start3A_901, %dma_start3A_902] : memref<2x128x128xf32, #tpu.memory_space<vmem>> -> memref<1x128x128xf32, #tpu.memory_space<vmem>>
        %dma_start3A_904 = tpu.memref_squeeze %dma_start3A_903 : memref<1x128x128xf32, #tpu.memory_space<vmem>> -> memref<128x128xf32, #tpu.memory_space<vmem>>
        %dma_start3A_905 = arith.constant 0 : i32
        %dma_start3A_906 = tpu.memref_slice %arg4[%add3A_401, %mul3A_895, %dma_start3A_905] : memref<64x2048x128xf32, #tpu.memory_space<hbm>> -> memref<1x128x128xf32, #tpu.memory_space<hbm>>
        %dma_start3A_907 = tpu.memref_squeeze %dma_start3A_906 : memref<1x128x128xf32, #tpu.memory_space<hbm>> -> memref<128x128xf32, #tpu.memory_space<hbm>>
        %dma_start3A_908 = tpu.memref_slice %arg14[%dma_start3A_900, %and3A_893] : memref<3x2x!tpu.dma_semaphore, #tpu.memory_space<semaphore_mem>> -> memref<1x1x!tpu.dma_semaphore, #tpu.memory_space<semaphore_mem>>
        %dma_start3A_909 = tpu.memref_squeeze %dma_start3A_908 : memref<1x1x!tpu.dma_semaphore, #tpu.memory_space<semaphore_mem>> -> memref<!tpu.dma_semaphore, #tpu.memory_space<semaphore_mem>>
        %dma_start3A_910 = arith.constant 0 : i32
        %dma_start3A_911 = arith.constant 0 : i32
        %dma_start3A_912 = tpu.memref_slice %arg10[%and3A_893, %dma_start3A_910, %dma_start3A_911] : memref<2x128x128xf32, #tpu.memory_space<vmem>> -> memref<1x128x128xf32, #tpu.memory_space<vmem>>
        %dma_start3A_913 = tpu.memref_squeeze %dma_start3A_912 : memref<1x128x128xf32, #tpu.memory_space<vmem>> -> memref<128x128xf32, #tpu.memory_space<vmem>>
        %dma_start3A_914 = arith.constant 0 : i32
        %dma_start3A_915 = tpu.memref_slice %arg4[%add3A_401, %mul3A_895, %dma_start3A_914] : memref<64x2048x128xf32, #tpu.memory_space<hbm>> -> memref<1x128x128xf32, #tpu.memory_space<hbm>>
        %dma_start3A_916 = tpu.memref_squeeze %dma_start3A_915 : memref<1x128x128xf32, #tpu.memory_space<hbm>> -> memref<128x128xf32, #tpu.memory_space<hbm>>
        tpu.enqueue_dma source(%dma_start3A_916 : memref<128x128xf32, #tpu.memory_space<hbm>>) target(%dma_start3A_913 : memref<128x128xf32, #tpu.memory_space<vmem>>) target_semaphore(%dma_start3A_909 : memref<!tpu.dma_semaphore, #tpu.memory_space<semaphore_mem>>)
        %dma_start3A_917 = arith.constant 1 : i32
        %dma_start3A_918 = arith.constant 0 : i32
        %dma_start3A_919 = arith.constant 0 : i32
        %dma_start3A_920 = tpu.memref_slice %arg11[%and3A_893, %dma_start3A_918, %dma_start3A_919] : memref<2x128x128xf32, #tpu.memory_space<vmem>> -> memref<1x128x128xf32, #tpu.memory_space<vmem>>
        %dma_start3A_921 = tpu.memref_squeeze %dma_start3A_920 : memref<1x128x128xf32, #tpu.memory_space<vmem>> -> memref<128x128xf32, #tpu.memory_space<vmem>>
        %dma_start3A_922 = arith.constant 0 : i32
        %dma_start3A_923 = tpu.memref_slice %arg5[%add3A_401, %mul3A_897, %dma_start3A_922] : memref<64x2048x128xf32, #tpu.memory_space<hbm>> -> memref<1x128x128xf32, #tpu.memory_space<hbm>>
        %dma_start3A_924 = tpu.memref_squeeze %dma_start3A_923 : memref<1x128x128xf32, #tpu.memory_space<hbm>> -> memref<128x128xf32, #tpu.memory_space<hbm>>
        %dma_start3A_925 = tpu.memref_slice %arg14[%dma_start3A_917, %and3A_893] : memref<3x2x!tpu.dma_semaphore, #tpu.memory_space<semaphore_mem>> -> memref<1x1x!tpu.dma_semaphore, #tpu.memory_space<semaphore_mem>>
        %dma_start3A_926 = tpu.memref_squeeze %dma_start3A_925 : memref<1x1x!tpu.dma_semaphore, #tpu.memory_space<semaphore_mem>> -> memref<!tpu.dma_semaphore, #tpu.memory_space<semaphore_mem>>
        %dma_start3A_927 = arith.constant 0 : i32
        %dma_start3A_928 = arith.constant 0 : i32
        %dma_start3A_929 = tpu.memref_slice %arg11[%and3A_893, %dma_start3A_927, %dma_start3A_928] : memref<2x128x128xf32, #tpu.memory_space<vmem>> -> memref<1x128x128xf32, #tpu.memory_space<vmem>>
        %dma_start3A_930 = tpu.memref_squeeze %dma_start3A_929 : memref<1x128x128xf32, #tpu.memory_space<vmem>> -> memref<128x128xf32, #tpu.memory_space<vmem>>
        %dma_start3A_931 = arith.constant 0 : i32
        %dma_start3A_932 = tpu.memref_slice %arg5[%add3A_401, %mul3A_897, %dma_start3A_931] : memref<64x2048x128xf32, #tpu.memory_space<hbm>> -> memref<1x128x128xf32, #tpu.memory_space<hbm>>
        %dma_start3A_933 = tpu.memref_squeeze %dma_start3A_932 : memref<1x128x128xf32, #tpu.memory_space<hbm>> -> memref<128x128xf32, #tpu.memory_space<hbm>>
        tpu.enqueue_dma source(%dma_start3A_933 : memref<128x128xf32, #tpu.memory_space<hbm>>) target(%dma_start3A_930 : memref<128x128xf32, #tpu.memory_space<vmem>>) target_semaphore(%dma_start3A_926 : memref<!tpu.dma_semaphore, #tpu.memory_space<semaphore_mem>>)
        %dma_start3A_934 = arith.constant 2 : i32
        %dma_start3A_935 = arith.constant 0 : i32
        %dma_start3A_936 = arith.constant 0 : i32
        %dma_start3A_937 = tpu.memref_slice %arg12[%and3A_893, %dma_start3A_935, %dma_start3A_936] : memref<2x128x128xf32, #tpu.memory_space<vmem>> -> memref<1x128x128xf32, #tpu.memory_space<vmem>>
        %dma_start3A_938 = tpu.memref_squeeze %dma_start3A_937 : memref<1x128x128xf32, #tpu.memory_space<vmem>> -> memref<128x128xf32, #tpu.memory_space<vmem>>
        %dma_start3A_939 = arith.constant 0 : i32
        %dma_start3A_940 = tpu.memref_slice %arg6[%add3A_401, %mul3A_899, %dma_start3A_939] : memref<64x2048x128xf32, #tpu.memory_space<hbm>> -> memref<1x128x128xf32, #tpu.memory_space<hbm>>
        %dma_start3A_941 = tpu.memref_squeeze %dma_start3A_940 : memref<1x128x128xf32, #tpu.memory_space<hbm>> -> memref<128x128xf32, #tpu.memory_space<hbm>>
        %dma_start3A_942 = tpu.memref_slice %arg14[%dma_start3A_934, %and3A_893] : memref<3x2x!tpu.dma_semaphore, #tpu.memory_space<semaphore_mem>> -> memref<1x1x!tpu.dma_semaphore, #tpu.memory_space<semaphore_mem>>
        %dma_start3A_943 = tpu.memref_squeeze %dma_start3A_942 : memref<1x1x!tpu.dma_semaphore, #tpu.memory_space<semaphore_mem>> -> memref<!tpu.dma_semaphore, #tpu.memory_space<semaphore_mem>>
        %dma_start3A_944 = arith.constant 0 : i32
        %dma_start3A_945 = arith.constant 0 : i32
        %dma_start3A_946 = tpu.memref_slice %arg12[%and3A_893, %dma_start3A_944, %dma_start3A_945] : memref<2x128x128xf32, #tpu.memory_space<vmem>> -> memref<1x128x128xf32, #tpu.memory_space<vmem>>
        %dma_start3A_947 = tpu.memref_squeeze %dma_start3A_946 : memref<1x128x128xf32, #tpu.memory_space<vmem>> -> memref<128x128xf32, #tpu.memory_space<vmem>>
        %dma_start3A_948 = arith.constant 0 : i32
        %dma_start3A_949 = tpu.memref_slice %arg6[%add3A_401, %mul3A_899, %dma_start3A_948] : memref<64x2048x128xf32, #tpu.memory_space<hbm>> -> memref<1x128x128xf32, #tpu.memory_space<hbm>>
        %dma_start3A_950 = tpu.memref_squeeze %dma_start3A_949 : memref<1x128x128xf32, #tpu.memory_space<hbm>> -> memref<128x128xf32, #tpu.memory_space<hbm>>
        tpu.enqueue_dma source(%dma_start3A_950 : memref<128x128xf32, #tpu.memory_space<hbm>>) target(%dma_start3A_947 : memref<128x128xf32, #tpu.memory_space<vmem>>) target_semaphore(%dma_start3A_943 : memref<!tpu.dma_semaphore, #tpu.memory_space<semaphore_mem>>)
      } else {
      }
      %mul3A_827 = arith.constant 128 : i32
      %mul3A_828 = arith.muli %while3A_818, %mul3A_827 : i32
      %mul3A_829 = arith.constant 128 : i32
      %mul3A_830 = arith.muli %while3A_818, %mul3A_829 : i32
      %mul3A_831 = arith.constant 128 : i32
      %mul3A_832 = arith.muli %while3A_818, %mul3A_831 : i32
      %dma_wait3A = arith.constant 0 : i32
      %dma_wait3A_833 = arith.constant 0 : i32
      %dma_wait3A_834 = arith.constant 0 : i32
      %dma_wait3A_835 = tpu.memref_slice %arg10[%and3A_823, %dma_wait3A_833, %dma_wait3A_834] : memref<2x128x128xf32, #tpu.memory_space<vmem>> -> memref<1x128x128xf32, #tpu.memory_space<vmem>>
      %dma_wait3A_836 = tpu.memref_squeeze %dma_wait3A_835 : memref<1x128x128xf32, #tpu.memory_space<vmem>> -> memref<128x128xf32, #tpu.memory_space<vmem>>
      %dma_wait3A_837 = arith.constant 0 : i32
      %dma_wait3A_838 = tpu.memref_slice %arg4[%add3A_401, %mul3A_828, %dma_wait3A_837] : memref<64x2048x128xf32, #tpu.memory_space<hbm>> -> memref<1x128x128xf32, #tpu.memory_space<hbm>>
      %dma_wait3A_839 = tpu.memref_squeeze %dma_wait3A_838 : memref<1x128x128xf32, #tpu.memory_space<hbm>> -> memref<128x128xf32, #tpu.memory_space<hbm>>
      %dma_wait3A_840 = tpu.memref_slice %arg14[%dma_wait3A, %and3A_823] : memref<3x2x!tpu.dma_semaphore, #tpu.memory_space<semaphore_mem>> -> memref<1x1x!tpu.dma_semaphore, #tpu.memory_space<semaphore_mem>>
      %dma_wait3A_841 = tpu.memref_squeeze %dma_wait3A_840 : memref<1x1x!tpu.dma_semaphore, #tpu.memory_space<semaphore_mem>> -> memref<!tpu.dma_semaphore, #tpu.memory_space<semaphore_mem>>
      %dma_wait3A_842 = arith.constant 0 : i32
      %dma_wait3A_843 = arith.constant 0 : i32
      %dma_wait3A_844 = tpu.memref_slice %arg10[%and3A_823, %dma_wait3A_842, %dma_wait3A_843] : memref<2x128x128xf32, #tpu.memory_space<vmem>> -> memref<1x128x128xf32, #tpu.memory_space<vmem>>
      %dma_wait3A_845 = tpu.memref_squeeze %dma_wait3A_844 : memref<1x128x128xf32, #tpu.memory_space<vmem>> -> memref<128x128xf32, #tpu.memory_space<vmem>>
      %dma_wait3A_846 = arith.constant 0 : i32
      %dma_wait3A_847 = tpu.memref_slice %arg4[%add3A_401, %mul3A_828, %dma_wait3A_846] : memref<64x2048x128xf32, #tpu.memory_space<hbm>> -> memref<1x128x128xf32, #tpu.memory_space<hbm>>
      %dma_wait3A_848 = tpu.memref_squeeze %dma_wait3A_847 : memref<1x128x128xf32, #tpu.memory_space<hbm>> -> memref<128x128xf32, #tpu.memory_space<hbm>>
      tpu.wait_dma2 semaphore(%dma_wait3A_841 : memref<!tpu.dma_semaphore, #tpu.memory_space<semaphore_mem>>) src(%dma_wait3A_848 : memref<128x128xf32, #tpu.memory_space<hbm>>) dst(%dma_wait3A_845 : memref<128x128xf32, #tpu.memory_space<vmem>>)
      %dma_wait3A_849 = arith.constant 1 : i32
      %dma_wait3A_850 = arith.constant 0 : i32
      %dma_wait3A_851 = arith.constant 0 : i32
      %dma_wait3A_852 = tpu.memref_slice %arg11[%and3A_823, %dma_wait3A_850, %dma_wait3A_851] : memref<2x128x128xf32, #tpu.memory_space<vmem>> -> memref<1x128x128xf32, #tpu.memory_space<vmem>>
      %dma_wait3A_853 = tpu.memref_squeeze %dma_wait3A_852 : memref<1x128x128xf32, #tpu.memory_space<vmem>> -> memref<128x128xf32, #tpu.memory_space<vmem>>
      %dma_wait3A_854 = arith.constant 0 : i32
      %dma_wait3A_855 = tpu.memref_slice %arg5[%add3A_401, %mul3A_830, %dma_wait3A_854] : memref<64x2048x128xf32, #tpu.memory_space<hbm>> -> memref<1x128x128xf32, #tpu.memory_space<hbm>>
      %dma_wait3A_856 = tpu.memref_squeeze %dma_wait3A_855 : memref<1x128x128xf32, #tpu.memory_space<hbm>> -> memref<128x128xf32, #tpu.memory_space<hbm>>
      %dma_wait3A_857 = tpu.memref_slice %arg14[%dma_wait3A_849, %and3A_823] : memref<3x2x!tpu.dma_semaphore, #tpu.memory_space<semaphore_mem>> -> memref<1x1x!tpu.dma_semaphore, #tpu.memory_space<semaphore_mem>>
      %dma_wait3A_858 = tpu.memref_squeeze %dma_wait3A_857 : memref<1x1x!tpu.dma_semaphore, #tpu.memory_space<semaphore_mem>> -> memref<!tpu.dma_semaphore, #tpu.memory_space<semaphore_mem>>
      %dma_wait3A_859 = arith.constant 0 : i32
      %dma_wait3A_860 = arith.constant 0 : i32
      %dma_wait3A_861 = tpu.memref_slice %arg11[%and3A_823, %dma_wait3A_859, %dma_wait3A_860] : memref<2x128x128xf32, #tpu.memory_space<vmem>> -> memref<1x128x128xf32, #tpu.memory_space<vmem>>
      %dma_wait3A_862 = tpu.memref_squeeze %dma_wait3A_861 : memref<1x128x128xf32, #tpu.memory_space<vmem>> -> memref<128x128xf32, #tpu.memory_space<vmem>>
      %dma_wait3A_863 = arith.constant 0 : i32
      %dma_wait3A_864 = tpu.memref_slice %arg5[%add3A_401, %mul3A_830, %dma_wait3A_863] : memref<64x2048x128xf32, #tpu.memory_space<hbm>> -> memref<1x128x128xf32, #tpu.memory_space<hbm>>
      %dma_wait3A_865 = tpu.memref_squeeze %dma_wait3A_864 : memref<1x128x128xf32, #tpu.memory_space<hbm>> -> memref<128x128xf32, #tpu.memory_space<hbm>>
      tpu.wait_dma2 semaphore(%dma_wait3A_858 : memref<!tpu.dma_semaphore, #tpu.memory_space<semaphore_mem>>) src(%dma_wait3A_865 : memref<128x128xf32, #tpu.memory_space<hbm>>) dst(%dma_wait3A_862 : memref<128x128xf32, #tpu.memory_space<vmem>>)
      %dma_wait3A_866 = arith.constant 2 : i32
      %dma_wait3A_867 = arith.constant 0 : i32
      %dma_wait3A_868 = arith.constant 0 : i32
      %dma_wait3A_869 = tpu.memref_slice %arg12[%and3A_823, %dma_wait3A_867, %dma_wait3A_868] : memref<2x128x128xf32, #tpu.memory_space<vmem>> -> memref<1x128x128xf32, #tpu.memory_space<vmem>>
      %dma_wait3A_870 = tpu.memref_squeeze %dma_wait3A_869 : memref<1x128x128xf32, #tpu.memory_space<vmem>> -> memref<128x128xf32, #tpu.memory_space<vmem>>
      %dma_wait3A_871 = arith.constant 0 : i32
      %dma_wait3A_872 = tpu.memref_slice %arg6[%add3A_401, %mul3A_832, %dma_wait3A_871] : memref<64x2048x128xf32, #tpu.memory_space<hbm>> -> memref<1x128x128xf32, #tpu.memory_space<hbm>>
      %dma_wait3A_873 = tpu.memref_squeeze %dma_wait3A_872 : memref<1x128x128xf32, #tpu.memory_space<hbm>> -> memref<128x128xf32, #tpu.memory_space<hbm>>
      %dma_wait3A_874 = tpu.memref_slice %arg14[%dma_wait3A_866, %and3A_823] : memref<3x2x!tpu.dma_semaphore, #tpu.memory_space<semaphore_mem>> -> memref<1x1x!tpu.dma_semaphore, #tpu.memory_space<semaphore_mem>>
      %dma_wait3A_875 = tpu.memref_squeeze %dma_wait3A_874 : memref<1x1x!tpu.dma_semaphore, #tpu.memory_space<semaphore_mem>> -> memref<!tpu.dma_semaphore, #tpu.memory_space<semaphore_mem>>
      %dma_wait3A_876 = arith.constant 0 : i32
      %dma_wait3A_877 = arith.constant 0 : i32
      %dma_wait3A_878 = tpu.memref_slice %arg12[%and3A_823, %dma_wait3A_876, %dma_wait3A_877] : memref<2x128x128xf32, #tpu.memory_space<vmem>> -> memref<1x128x128xf32, #tpu.memory_space<vmem>>
      %dma_wait3A_879 = tpu.memref_squeeze %dma_wait3A_878 : memref<1x128x128xf32, #tpu.memory_space<vmem>> -> memref<128x128xf32, #tpu.memory_space<vmem>>
      %dma_wait3A_880 = arith.constant 0 : i32
      %dma_wait3A_881 = tpu.memref_slice %arg6[%add3A_401, %mul3A_832, %dma_wait3A_880] : memref<64x2048x128xf32, #tpu.memory_space<hbm>> -> memref<1x128x128xf32, #tpu.memory_space<hbm>>
      %dma_wait3A_882 = tpu.memref_squeeze %dma_wait3A_881 : memref<1x128x128xf32, #tpu.memory_space<hbm>> -> memref<128x128xf32, #tpu.memory_space<hbm>>
      tpu.wait_dma2 semaphore(%dma_wait3A_875 : memref<!tpu.dma_semaphore, #tpu.memory_space<semaphore_mem>>) src(%dma_wait3A_882 : memref<128x128xf32, #tpu.memory_space<hbm>>) dst(%dma_wait3A_879 : memref<128x128xf32, #tpu.memory_space<vmem>>)
      %scan3A = arith.constant 0 : i32
      %scan3A_883 = arith.constant 128 : i32
      %scan3A_884 = arith.addi %scan3A, %scan3A_883 : i32
      %scan3A_885 = arith.constant 1 : i32
      %scan3A_886 = scf.for %scan3A_888 = %scan3A to %scan3A_884 step %scan3A_885 iter_args(%scan3A_889 = %while3A_819) -> (vector<16xf32>)  : i32 {
        %broadcast_in_dim3A_890 = arith.constant 0.000000e+00 : f32
        %broadcast_in_dim3A_891 = vector.broadcast %broadcast_in_dim3A_890 : f32 to vector<16xf32>
        %broadcast_in_dim3A_892 = arith.constant 0.000000e+00 : f32
        %broadcast_in_dim3A_893 = vector.broadcast %broadcast_in_dim3A_892 : f32 to vector<16xf32>
        %get3A_894 = arith.index_cast %and3A_823 : i32 to index
        %get3A_895 = arith.index_cast %scan3A_888 : i32 to index
        %get3A_896 = arith.constant 0 : index
        %get3A_897 = tpu.vector_load %arg10[%get3A_894, %get3A_895, %get3A_896] {strides = array<i32>} : memref<2x128x128xf32, #tpu.memory_space<vmem>>, vector<1x1x16xf32>,
        %get3A_898 = vector.shape_cast %get3A_897 : vector<1x1x16xf32> to vector<16xf32>
        %sub3A_899 = arith.subf %get3A_898, %mul3A_440 : vector<16xf32>
        %mul3A_900 = arith.mulf %get3A_898, %sub3A_899 : vector<16xf32>
        %add3A_901 = arith.addf %broadcast_in_dim3A_891, %mul3A_900 : vector<16xf32>
        %get3A_902 = arith.index_cast %and3A_823 : i32 to index
        %get3A_903 = arith.index_cast %scan3A_888 : i32 to index
        %get3A_904 = arith.constant 16 : index
        %get3A_905 = tpu.vector_load %arg10[%get3A_902, %get3A_903, %get3A_904] {strides = array<i32>} : memref<2x128x128xf32, #tpu.memory_space<vmem>>, vector<1x1x16xf32>,
        %get3A_906 = vector.shape_cast %get3A_905 : vector<1x1x16xf32> to vector<16xf32>
        %sub3A_907 = arith.subf %get3A_906, %mul3A_446 : vector<16xf32>
        %mul3A_908 = arith.mulf %get3A_906, %sub3A_907 : vector<16xf32>
        %add3A_909 = arith.addf %broadcast_in_dim3A_893, %mul3A_908 : vector<16xf32>
        %get3A_910 = arith.index_cast %and3A_823 : i32 to index
        %get3A_911 = arith.index_cast %scan3A_888 : i32 to index
        %get3A_912 = arith.constant 32 : index
        %get3A_913 = tpu.vector_load %arg10[%get3A_910, %get3A_911, %get3A_912] {strides = array<i32>} : memref<2x128x128xf32, #tpu.memory_space<vmem>>, vector<1x1x16xf32>,
        %get3A_914 = vector.shape_cast %get3A_913 : vector<1x1x16xf32> to vector<16xf32>
        %sub3A_915 = arith.subf %get3A_914, %mul3A_452 : vector<16xf32>
        %mul3A_916 = arith.mulf %get3A_914, %sub3A_915 : vector<16xf32>
        %add3A_917 = arith.addf %add3A_901, %mul3A_916 : vector<16xf32>
        %get3A_918 = arith.index_cast %and3A_823 : i32 to index
        %get3A_919 = arith.index_cast %scan3A_888 : i32 to index
        %get3A_920 = arith.constant 48 : index
        %get3A_921 = tpu.vector_load %arg10[%get3A_918, %get3A_919, %get3A_920] {strides = array<i32>} : memref<2x128x128xf32, #tpu.memory_space<vmem>>, vector<1x1x16xf32>,
        %get3A_922 = vector.shape_cast %get3A_921 : vector<1x1x16xf32> to vector<16xf32>
        %sub3A_923 = arith.subf %get3A_922, %mul3A_458 : vector<16xf32>
        %mul3A_924 = arith.mulf %get3A_922, %sub3A_923 : vector<16xf32>
        %add3A_925 = arith.addf %add3A_909, %mul3A_924 : vector<16xf32>
        %get3A_926 = arith.index_cast %and3A_823 : i32 to index
        %get3A_927 = arith.index_cast %scan3A_888 : i32 to index
        %get3A_928 = arith.constant 64 : index
        %get3A_929 = tpu.vector_load %arg10[%get3A_926, %get3A_927, %get3A_928] {strides = array<i32>} : memref<2x128x128xf32, #tpu.memory_space<vmem>>, vector<1x1x16xf32>,
        %get3A_930 = vector.shape_cast %get3A_929 : vector<1x1x16xf32> to vector<16xf32>
        %sub3A_931 = arith.subf %get3A_930, %mul3A_464 : vector<16xf32>
        %mul3A_932 = arith.mulf %get3A_930, %sub3A_931 : vector<16xf32>
        %add3A_933 = arith.addf %add3A_917, %mul3A_932 : vector<16xf32>
        %get3A_934 = arith.index_cast %and3A_823 : i32 to index
        %get3A_935 = arith.index_cast %scan3A_888 : i32 to index
        %get3A_936 = arith.constant 80 : index
        %get3A_937 = tpu.vector_load %arg10[%get3A_934, %get3A_935, %get3A_936] {strides = array<i32>} : memref<2x128x128xf32, #tpu.memory_space<vmem>>, vector<1x1x16xf32>,
        %get3A_938 = vector.shape_cast %get3A_937 : vector<1x1x16xf32> to vector<16xf32>
        %sub3A_939 = arith.subf %get3A_938, %mul3A_470 : vector<16xf32>
        %mul3A_940 = arith.mulf %get3A_938, %sub3A_939 : vector<16xf32>
        %add3A_941 = arith.addf %add3A_925, %mul3A_940 : vector<16xf32>
        %get3A_942 = arith.index_cast %and3A_823 : i32 to index
        %get3A_943 = arith.index_cast %scan3A_888 : i32 to index
        %get3A_944 = arith.constant 96 : index
        %get3A_945 = tpu.vector_load %arg10[%get3A_942, %get3A_943, %get3A_944] {strides = array<i32>} : memref<2x128x128xf32, #tpu.memory_space<vmem>>, vector<1x1x16xf32>,
        %get3A_946 = vector.shape_cast %get3A_945 : vector<1x1x16xf32> to vector<16xf32>
        %sub3A_947 = arith.subf %get3A_946, %mul3A_476 : vector<16xf32>
        %mul3A_948 = arith.mulf %get3A_946, %sub3A_947 : vector<16xf32>
        %add3A_949 = arith.addf %add3A_933, %mul3A_948 : vector<16xf32>
        %get3A_950 = arith.index_cast %and3A_823 : i32 to index
        %get3A_951 = arith.index_cast %scan3A_888 : i32 to index
        %get3A_952 = arith.constant 112 : index
        %get3A_953 = tpu.vector_load %arg10[%get3A_950, %get3A_951, %get3A_952] {strides = array<i32>} : memref<2x128x128xf32, #tpu.memory_space<vmem>>, vector<1x1x16xf32>,
        %get3A_954 = vector.shape_cast %get3A_953 : vector<1x1x16xf32> to vector<16xf32>
        %sub3A_955 = arith.subf %get3A_954, %mul3A_482 : vector<16xf32>
        %mul3A_956 = arith.mulf %get3A_954, %sub3A_955 : vector<16xf32>
        %add3A_957 = arith.addf %add3A_941, %mul3A_956 : vector<16xf32>
        %add3A_958 = arith.addf %add3A_949, %add3A_957 : vector<16xf32>
        %broadcast_in_dim3A_959 = arith.constant 0.000000e+00 : f32
        %broadcast_in_dim3A_960 = vector.broadcast %broadcast_in_dim3A_959 : f32 to vector<16xf32>
        %broadcast_in_dim3A_961 = arith.constant 0.000000e+00 : f32
        %broadcast_in_dim3A_962 = vector.broadcast %broadcast_in_dim3A_961 : f32 to vector<16xf32>
        %get3A_963 = arith.index_cast %and3A_823 : i32 to index
        %get3A_964 = arith.index_cast %scan3A_888 : i32 to index
        %get3A_965 = arith.constant 0 : index
        %get3A_966 = tpu.vector_load %arg11[%get3A_963, %get3A_964, %get3A_965] {strides = array<i32>} : memref<2x128x128xf32, #tpu.memory_space<vmem>>, vector<1x1x16xf32>,
        %get3A_967 = vector.shape_cast %get3A_966 : vector<1x1x16xf32> to vector<16xf32>
        %sub3A_968 = arith.subf %get3A_967, %mul3A_488 : vector<16xf32>
        %mul3A_969 = arith.mulf %get3A_967, %sub3A_968 : vector<16xf32>
        %add3A_970 = arith.addf %broadcast_in_dim3A_960, %mul3A_969 : vector<16xf32>
        %get3A_971 = arith.index_cast %and3A_823 : i32 to index
        %get3A_972 = arith.index_cast %scan3A_888 : i32 to index
        %get3A_973 = arith.constant 16 : index
        %get3A_974 = tpu.vector_load %arg11[%get3A_971, %get3A_972, %get3A_973] {strides = array<i32>} : memref<2x128x128xf32, #tpu.memory_space<vmem>>, vector<1x1x16xf32>,
        %get3A_975 = vector.shape_cast %get3A_974 : vector<1x1x16xf32> to vector<16xf32>
        %sub3A_976 = arith.subf %get3A_975, %mul3A_494 : vector<16xf32>
        %mul3A_977 = arith.mulf %get3A_975, %sub3A_976 : vector<16xf32>
        %add3A_978 = arith.addf %broadcast_in_dim3A_962, %mul3A_977 : vector<16xf32>
        %get3A_979 = arith.index_cast %and3A_823 : i32 to index
        %get3A_980 = arith.index_cast %scan3A_888 : i32 to index
        %get3A_981 = arith.constant 32 : index
        %get3A_982 = tpu.vector_load %arg11[%get3A_979, %get3A_980, %get3A_981] {strides = array<i32>} : memref<2x128x128xf32, #tpu.memory_space<vmem>>, vector<1x1x16xf32>,
        %get3A_983 = vector.shape_cast %get3A_982 : vector<1x1x16xf32> to vector<16xf32>
        %sub3A_984 = arith.subf %get3A_983, %mul3A_500 : vector<16xf32>
        %mul3A_985 = arith.mulf %get3A_983, %sub3A_984 : vector<16xf32>
        %add3A_986 = arith.addf %add3A_970, %mul3A_985 : vector<16xf32>
        %get3A_987 = arith.index_cast %and3A_823 : i32 to index
        %get3A_988 = arith.index_cast %scan3A_888 : i32 to index
        %get3A_989 = arith.constant 48 : index
        %get3A_990 = tpu.vector_load %arg11[%get3A_987, %get3A_988, %get3A_989] {strides = array<i32>} : memref<2x128x128xf32, #tpu.memory_space<vmem>>, vector<1x1x16xf32>,
        %get3A_991 = vector.shape_cast %get3A_990 : vector<1x1x16xf32> to vector<16xf32>
        %sub3A_992 = arith.subf %get3A_991, %mul3A_506 : vector<16xf32>
        %mul3A_993 = arith.mulf %get3A_991, %sub3A_992 : vector<16xf32>
        %add3A_994 = arith.addf %add3A_978, %mul3A_993 : vector<16xf32>
        %get3A_995 = arith.index_cast %and3A_823 : i32 to index
        %get3A_996 = arith.index_cast %scan3A_888 : i32 to index
        %get3A_997 = arith.constant 64 : index
        %get3A_998 = tpu.vector_load %arg11[%get3A_995, %get3A_996, %get3A_997] {strides = array<i32>} : memref<2x128x128xf32, #tpu.memory_space<vmem>>, vector<1x1x16xf32>,
        %get3A_999 = vector.shape_cast %get3A_998 : vector<1x1x16xf32> to vector<16xf32>
        %sub3A_1000 = arith.subf %get3A_999, %mul3A_512 : vector<16xf32>
        %mul3A_1001 = arith.mulf %get3A_999, %sub3A_1000 : vector<16xf32>
        %add3A_1002 = arith.addf %add3A_986, %mul3A_1001 : vector<16xf32>
        %get3A_1003 = arith.index_cast %and3A_823 : i32 to index
        %get3A_1004 = arith.index_cast %scan3A_888 : i32 to index
        %get3A_1005 = arith.constant 80 : index
        %get3A_1006 = tpu.vector_load %arg11[%get3A_1003, %get3A_1004, %get3A_1005] {strides = array<i32>} : memref<2x128x128xf32, #tpu.memory_space<vmem>>, vector<1x1x16xf32>,
        %get3A_1007 = vector.shape_cast %get3A_1006 : vector<1x1x16xf32> to vector<16xf32>
        %sub3A_1008 = arith.subf %get3A_1007, %mul3A_518 : vector<16xf32>
        %mul3A_1009 = arith.mulf %get3A_1007, %sub3A_1008 : vector<16xf32>
        %add3A_1010 = arith.addf %add3A_994, %mul3A_1009 : vector<16xf32>
        %get3A_1011 = arith.index_cast %and3A_823 : i32 to index
        %get3A_1012 = arith.index_cast %scan3A_888 : i32 to index
        %get3A_1013 = arith.constant 96 : index
        %get3A_1014 = tpu.vector_load %arg11[%get3A_1011, %get3A_1012, %get3A_1013] {strides = array<i32>} : memref<2x128x128xf32, #tpu.memory_space<vmem>>, vector<1x1x16xf32>,
        %get3A_1015 = vector.shape_cast %get3A_1014 : vector<1x1x16xf32> to vector<16xf32>
        %sub3A_1016 = arith.subf %get3A_1015, %mul3A_524 : vector<16xf32>
        %mul3A_1017 = arith.mulf %get3A_1015, %sub3A_1016 : vector<16xf32>
        %add3A_1018 = arith.addf %add3A_1002, %mul3A_1017 : vector<16xf32>
        %get3A_1019 = arith.index_cast %and3A_823 : i32 to index
        %get3A_1020 = arith.index_cast %scan3A_888 : i32 to index
        %get3A_1021 = arith.constant 112 : index
        %get3A_1022 = tpu.vector_load %arg11[%get3A_1019, %get3A_1020, %get3A_1021] {strides = array<i32>} : memref<2x128x128xf32, #tpu.memory_space<vmem>>, vector<1x1x16xf32>,
        %get3A_1023 = vector.shape_cast %get3A_1022 : vector<1x1x16xf32> to vector<16xf32>
        %sub3A_1024 = arith.subf %get3A_1023, %mul3A_530 : vector<16xf32>
        %mul3A_1025 = arith.mulf %get3A_1023, %sub3A_1024 : vector<16xf32>
        %add3A_1026 = arith.addf %add3A_1010, %mul3A_1025 : vector<16xf32>
        %add3A_1027 = arith.addf %add3A_1018, %add3A_1026 : vector<16xf32>
        %broadcast_in_dim3A_1028 = arith.constant 0.000000e+00 : f32
        %broadcast_in_dim3A_1029 = vector.broadcast %broadcast_in_dim3A_1028 : f32 to vector<16xf32>
        %broadcast_in_dim3A_1030 = arith.constant 0.000000e+00 : f32
        %broadcast_in_dim3A_1031 = vector.broadcast %broadcast_in_dim3A_1030 : f32 to vector<16xf32>
        %get3A_1032 = arith.index_cast %and3A_823 : i32 to index
        %get3A_1033 = arith.index_cast %scan3A_888 : i32 to index
        %get3A_1034 = arith.constant 0 : index
        %get3A_1035 = tpu.vector_load %arg12[%get3A_1032, %get3A_1033, %get3A_1034] {strides = array<i32>} : memref<2x128x128xf32, #tpu.memory_space<vmem>>, vector<1x1x16xf32>,
        %get3A_1036 = vector.shape_cast %get3A_1035 : vector<1x1x16xf32> to vector<16xf32>
        %sub3A_1037 = arith.subf %get3A_1036, %mul3A_536 : vector<16xf32>
        %mul3A_1038 = arith.mulf %get3A_1036, %sub3A_1037 : vector<16xf32>
        %add3A_1039 = arith.addf %broadcast_in_dim3A_1029, %mul3A_1038 : vector<16xf32>
        %get3A_1040 = arith.index_cast %and3A_823 : i32 to index
        %get3A_1041 = arith.index_cast %scan3A_888 : i32 to index
        %get3A_1042 = arith.constant 16 : index
        %get3A_1043 = tpu.vector_load %arg12[%get3A_1040, %get3A_1041, %get3A_1042] {strides = array<i32>} : memref<2x128x128xf32, #tpu.memory_space<vmem>>, vector<1x1x16xf32>,
        %get3A_1044 = vector.shape_cast %get3A_1043 : vector<1x1x16xf32> to vector<16xf32>
        %sub3A_1045 = arith.subf %get3A_1044, %mul3A_542 : vector<16xf32>
        %mul3A_1046 = arith.mulf %get3A_1044, %sub3A_1045 : vector<16xf32>
        %add3A_1047 = arith.addf %broadcast_in_dim3A_1031, %mul3A_1046 : vector<16xf32>
        %get3A_1048 = arith.index_cast %and3A_823 : i32 to index
        %get3A_1049 = arith.index_cast %scan3A_888 : i32 to index
        %get3A_1050 = arith.constant 32 : index
        %get3A_1051 = tpu.vector_load %arg12[%get3A_1048, %get3A_1049, %get3A_1050] {strides = array<i32>} : memref<2x128x128xf32, #tpu.memory_space<vmem>>, vector<1x1x16xf32>,
        %get3A_1052 = vector.shape_cast %get3A_1051 : vector<1x1x16xf32> to vector<16xf32>
        %sub3A_1053 = arith.subf %get3A_1052, %mul3A_548 : vector<16xf32>
        %mul3A_1054 = arith.mulf %get3A_1052, %sub3A_1053 : vector<16xf32>
        %add3A_1055 = arith.addf %add3A_1039, %mul3A_1054 : vector<16xf32>
        %get3A_1056 = arith.index_cast %and3A_823 : i32 to index
        %get3A_1057 = arith.index_cast %scan3A_888 : i32 to index
        %get3A_1058 = arith.constant 48 : index
        %get3A_1059 = tpu.vector_load %arg12[%get3A_1056, %get3A_1057, %get3A_1058] {strides = array<i32>} : memref<2x128x128xf32, #tpu.memory_space<vmem>>, vector<1x1x16xf32>,
        %get3A_1060 = vector.shape_cast %get3A_1059 : vector<1x1x16xf32> to vector<16xf32>
        %sub3A_1061 = arith.subf %get3A_1060, %mul3A_554 : vector<16xf32>
        %mul3A_1062 = arith.mulf %get3A_1060, %sub3A_1061 : vector<16xf32>
        %add3A_1063 = arith.addf %add3A_1047, %mul3A_1062 : vector<16xf32>
        %get3A_1064 = arith.index_cast %and3A_823 : i32 to index
        %get3A_1065 = arith.index_cast %scan3A_888 : i32 to index
        %get3A_1066 = arith.constant 64 : index
        %get3A_1067 = tpu.vector_load %arg12[%get3A_1064, %get3A_1065, %get3A_1066] {strides = array<i32>} : memref<2x128x128xf32, #tpu.memory_space<vmem>>, vector<1x1x16xf32>,
        %get3A_1068 = vector.shape_cast %get3A_1067 : vector<1x1x16xf32> to vector<16xf32>
        %sub3A_1069 = arith.subf %get3A_1068, %mul3A_560 : vector<16xf32>
        %mul3A_1070 = arith.mulf %get3A_1068, %sub3A_1069 : vector<16xf32>
        %add3A_1071 = arith.addf %add3A_1055, %mul3A_1070 : vector<16xf32>
        %get3A_1072 = arith.index_cast %and3A_823 : i32 to index
        %get3A_1073 = arith.index_cast %scan3A_888 : i32 to index
        %get3A_1074 = arith.constant 80 : index
        %get3A_1075 = tpu.vector_load %arg12[%get3A_1072, %get3A_1073, %get3A_1074] {strides = array<i32>} : memref<2x128x128xf32, #tpu.memory_space<vmem>>, vector<1x1x16xf32>,
        %get3A_1076 = vector.shape_cast %get3A_1075 : vector<1x1x16xf32> to vector<16xf32>
        %sub3A_1077 = arith.subf %get3A_1076, %mul3A_566 : vector<16xf32>
        %mul3A_1078 = arith.mulf %get3A_1076, %sub3A_1077 : vector<16xf32>
        %add3A_1079 = arith.addf %add3A_1063, %mul3A_1078 : vector<16xf32>
        %get3A_1080 = arith.index_cast %and3A_823 : i32 to index
        %get3A_1081 = arith.index_cast %scan3A_888 : i32 to index
        %get3A_1082 = arith.constant 96 : index
        %get3A_1083 = tpu.vector_load %arg12[%get3A_1080, %get3A_1081, %get3A_1082] {strides = array<i32>} : memref<2x128x128xf32, #tpu.memory_space<vmem>>, vector<1x1x16xf32>,
        %get3A_1084 = vector.shape_cast %get3A_1083 : vector<1x1x16xf32> to vector<16xf32>
        %sub3A_1085 = arith.subf %get3A_1084, %mul3A_572 : vector<16xf32>
        %mul3A_1086 = arith.mulf %get3A_1084, %sub3A_1085 : vector<16xf32>
        %add3A_1087 = arith.addf %add3A_1071, %mul3A_1086 : vector<16xf32>
        %get3A_1088 = arith.index_cast %and3A_823 : i32 to index
        %get3A_1089 = arith.index_cast %scan3A_888 : i32 to index
        %get3A_1090 = arith.constant 112 : index
        %get3A_1091 = tpu.vector_load %arg12[%get3A_1088, %get3A_1089, %get3A_1090] {strides = array<i32>} : memref<2x128x128xf32, #tpu.memory_space<vmem>>, vector<1x1x16xf32>,
        %get3A_1092 = vector.shape_cast %get3A_1091 : vector<1x1x16xf32> to vector<16xf32>
        %sub3A_1093 = arith.subf %get3A_1092, %mul3A_578 : vector<16xf32>
        %mul3A_1094 = arith.mulf %get3A_1092, %sub3A_1093 : vector<16xf32>
        %add3A_1095 = arith.addf %add3A_1079, %mul3A_1094 : vector<16xf32>
        %add3A_1096 = arith.addf %add3A_1087, %add3A_1095 : vector<16xf32>
        %add3A_1097 = arith.addf %add3A_958, %add3A_1027 : vector<16xf32>
        %add3A_1098 = arith.addf %add3A_1097, %add3A_1096 : vector<16xf32>
        %iota3A_1099 = tpu.iota {dimensions = array<i32: 0>} : vector<16xi32>
        %xor3A_1100 = arith.constant 1 : i32
        %xor3A_1101 = vector.broadcast %xor3A_1100 : i32 to vector<16xi32>
        %xor3A_1102 = arith.xori %iota3A_1099, %xor3A_1101 : vector<16xi32>
        %broadcast_in_dim3A_1103 = vector.shape_cast %xor3A_1102 : vector<16xi32> to vector<16x1xi32>
        %gather3A_1104 = vector.shape_cast %broadcast_in_dim3A_1103 : vector<16x1xi32> to vector<16xi32>
        %gather3A_1105 = tpu.dynamic_gather %add3A_1098[%gather3A_1104] in [0] : vector<16xf32>, vector<16xi32> -> vector<16xf32>
        %add3A_1106 = arith.addf %add3A_1098, %gather3A_1105 : vector<16xf32>
        %iota3A_1107 = tpu.iota {dimensions = array<i32: 0>} : vector<16xi32>
        %xor3A_1108 = arith.constant 2 : i32
        %xor3A_1109 = vector.broadcast %xor3A_1108 : i32 to vector<16xi32>
        %xor3A_1110 = arith.xori %iota3A_1107, %xor3A_1109 : vector<16xi32>
        %broadcast_in_dim3A_1111 = vector.shape_cast %xor3A_1110 : vector<16xi32> to vector<16x1xi32>
        %gather3A_1112 = vector.shape_cast %broadcast_in_dim3A_1111 : vector<16x1xi32> to vector<16xi32>
        %gather3A_1113 = tpu.dynamic_gather %add3A_1106[%gather3A_1112] in [0] : vector<16xf32>, vector<16xi32> -> vector<16xf32>
        %add3A_1114 = arith.addf %add3A_1106, %gather3A_1113 : vector<16xf32>
        %iota3A_1115 = tpu.iota {dimensions = array<i32: 0>} : vector<16xi32>
        %xor3A_1116 = arith.constant 4 : i32
        %xor3A_1117 = vector.broadcast %xor3A_1116 : i32 to vector<16xi32>
        %xor3A_1118 = arith.xori %iota3A_1115, %xor3A_1117 : vector<16xi32>
        %broadcast_in_dim3A_1119 = vector.shape_cast %xor3A_1118 : vector<16xi32> to vector<16x1xi32>
        %gather3A_1120 = vector.shape_cast %broadcast_in_dim3A_1119 : vector<16x1xi32> to vector<16xi32>
        %gather3A_1121 = tpu.dynamic_gather %add3A_1114[%gather3A_1120] in [0] : vector<16xf32>, vector<16xi32> -> vector<16xf32>
        %add3A_1122 = arith.addf %add3A_1114, %gather3A_1121 : vector<16xf32>
        %iota3A_1123 = tpu.iota {dimensions = array<i32: 0>} : vector<16xi32>
        %xor3A_1124 = arith.constant 8 : i32
        %xor3A_1125 = vector.broadcast %xor3A_1124 : i32 to vector<16xi32>
        %xor3A_1126 = arith.xori %iota3A_1123, %xor3A_1125 : vector<16xi32>
        %broadcast_in_dim3A_1127 = vector.shape_cast %xor3A_1126 : vector<16xi32> to vector<16x1xi32>
        %gather3A_1128 = vector.shape_cast %broadcast_in_dim3A_1127 : vector<16x1xi32> to vector<16xi32>
        %gather3A_1129 = tpu.dynamic_gather %add3A_1122[%gather3A_1128] in [0] : vector<16xf32>, vector<16xi32> -> vector<16xf32>
        %add3A_1130 = arith.addf %add3A_1122, %gather3A_1129 : vector<16xf32>
        %add3A_1131 = arith.addi %mul3A_821, %scan3A_888 : i32
        %ge3A = arith.cmpi sge, %add3A_1131, %squeeze3A_406 : i32
        %convert_element_type3A_1132 = arith.extui %ge3A : i1 to i32
        %convert_element_type3A_1133 = arith.sitofp %convert_element_type3A_1132 : i32 to f32
        %mul3A_1134 = arith.constant 3.000000e+38 : f32
        %mul3A_1135 = arith.mulf %convert_element_type3A_1133, %mul3A_1134 : f32
        %add3A_1136 = vector.broadcast %mul3A_1135 : f32 to vector<16xf32>
        %add3A_1137 = arith.addf %add3A_1130, %add3A_1136 : vector<16xf32>
        %min3A = arith.minimumf %scan3A_889, %add3A_1137 : vector<16xf32>
        scf.yield %min3A : vector<16xf32>
      }
      %scan3A_887 = arith.constant 128 : i32
      scf.yield %scan3A_886 : vector<16xf32>
    }
    %add3A_809 = arith.addf %while3A_808, %add3A_732 : vector<16xf32>
    %mul3A_810 = arith.constant -5.000000e-01 : f32
    %mul3A_811 = vector.broadcast %mul3A_810 : f32 to vector<16xf32>
    %mul3A_812 = arith.mulf %mul3A_811, %add3A_809 : vector<16xf32>
    %exp3A_813 = math.exp %mul3A_812 : vector<16xf32>
    %swap3A_814 = arith.constant 0 : index
    %swap3A_815 = tpu.vector_load %arg13[%swap3A_814] {strides = array<i32>} : memref<16xf32, #tpu.memory_space<vmem>>, vector<16xf32>,
    %swap3A_816 = vector.shape_cast %swap3A_815 : vector<16xf32> to vector<16xf32>
    %swap3A_817 = vector.shape_cast %exp3A_813 : vector<16xf32> to vector<16xf32>
    tpu.vector_store %arg13[%swap3A_814], %swap3A_817 {strides = array<i32>} : memref<16xf32, #tpu.memory_space<vmem>>, vector<16xf32>,
    "tpu.region"() ({
      %run_scoped3A = tpu.sem_alloc : memref<!tpu.dma_semaphore, #tpu.memory_space<semaphore_mem>>
      %dma_start3A_818 = arith.constant 0 : i32
      %dma_start3A_819 = tpu.memref_slice %arg7[%add3A_401, %dma_start3A_818] : memref<64x16xf32, #tpu.memory_space<hbm>> -> memref<1x16xf32, #tpu.memory_space<hbm>>
      %dma_start3A_820 = tpu.memref_squeeze %dma_start3A_819 : memref<1x16xf32, #tpu.memory_space<hbm>> -> memref<16xf32, #tpu.memory_space<hbm>>
      %dma_start3A_821 = arith.constant 0 : i32
      %dma_start3A_822 = tpu.memref_slice %arg7[%add3A_401, %dma_start3A_821] : memref<64x16xf32, #tpu.memory_space<hbm>> -> memref<1x16xf32, #tpu.memory_space<hbm>>
      %dma_start3A_823 = tpu.memref_squeeze %dma_start3A_822 : memref<1x16xf32, #tpu.memory_space<hbm>> -> memref<16xf32, #tpu.memory_space<hbm>>
      tpu.enqueue_dma source(%arg13 : memref<16xf32, #tpu.memory_space<vmem>>) target(%dma_start3A_823 : memref<16xf32, #tpu.memory_space<hbm>>) target_semaphore(%run_scoped3A : memref<!tpu.dma_semaphore, #tpu.memory_space<semaphore_mem>>)
      %dma_wait3A = arith.constant 0 : i32
      %dma_wait3A_824 = tpu.memref_slice %arg7[%add3A_401, %dma_wait3A] : memref<64x16xf32, #tpu.memory_space<hbm>> -> memref<1x16xf32, #tpu.memory_space<hbm>>
      %dma_wait3A_825 = tpu.memref_squeeze %dma_wait3A_824 : memref<1x16xf32, #tpu.memory_space<hbm>> -> memref<16xf32, #tpu.memory_space<hbm>>
      %dma_wait3A_826 = arith.constant 0 : i32
      %dma_wait3A_827 = tpu.memref_slice %arg7[%add3A_401, %dma_wait3A_826] : memref<64x16xf32, #tpu.memory_space<hbm>> -> memref<1x16xf32, #tpu.memory_space<hbm>>
      %dma_wait3A_828 = tpu.memref_squeeze %dma_wait3A_827 : memref<1x16xf32, #tpu.memory_space<hbm>> -> memref<16xf32, #tpu.memory_space<hbm>>
      tpu.wait_dma2 semaphore(%run_scoped3A : memref<!tpu.dma_semaphore, #tpu.memory_space<semaphore_mem>>) src(%arg13 : memref<16xf32, #tpu.memory_space<vmem>>) dst(%dma_wait3A_828 : memref<16xf32, #tpu.memory_space<hbm>>)
      tpu.yield
    }) : () -> ()
    return
  }
}

</mosaic_0001>

<sc_bundles>
// kernel: kernel.3.cloned.1.call-start
scs
__scs_entry_jumppad:
0x0: {  	(pc) =	sbr.rel $0x88, $3  }
0x1: {  	(tag) =	ssettag $0x0;
	lr =	simm.s32 $0x1  }
0x2: {  	[smem:$0x3F9A] =	sst lr;
	_ =	strace $0xD0000000  }
0x3: {  	_ = 	snop  }
0x4: {  	_ = 	snop  }
0x5: {  	_ = 	snop  }
0x6: {  	_ = 	snop  }
0x7: {  	_ = 	snop  }
__scs_overlays_trampoline_lowered:
0x8: {  	[smem:$0x3FA9] =	sst s0  }
0x9: {  	[smem:$0x3FAA] =	sst s1  }
0xa: {  	[smem:$0x3FAB] =	sst s2  }
0xb: {  	[smem:$0x3FAC] =	sst s3  }
0xc: {  	[smem:$0x3FAD] =	sst s4  }
0xd: {  	[smem:$0x3FAE] =	sst s5  }
0xe: {  	[smem:$0x3FAF] =	sst s6  }
0xf: {  	[smem:$0x3FB0] =	sst s7  }
0x10: {  	[smem:$0x3FB1] =	sst s8  }
0x11: {  	[smem:$0x3FB2] =	sst s9;
	s0 =	simm.s32 @!p0 $0x0  }
0x12: {  	s1 =	sld [smem:$0x3F98];
	s0 =	simm.s32 @p0 $0x1  }
0x13: {  	[smem:$0x3FB3] =	sst s0;
	s0 =	simm.s32 @!p1 $0x0  }
0x14: {  	s2 =	sld [smem:$0x3F97];
	s0 =	simm.s32 @p1 $0x1  }
0x15: {  	[smem:$0x3FB4] =	sst s0;
	s0 =	simm.s32 @!p2 $0x0  }
0x16: {  	s3 =	sld [smem:$0x3FDB];
	s0 =	simm.s32 @p2 $0x1  }
0x17: {  	s4 =	simm.s32 $0x1BF5;
	[smem:$0x3FB6] =	sst s0  }
0x18: {  	s0 =	sld [smem:$0x3F99];
	_ =	swait.ge [sflag:s4], $0x0  }
0x19: {  	s7 =	sld [smem:$0x3F9A]  }
0x1a: {  	s8 =	sadd.s32 $0xFFFFE003, lr  }
0x1b: {  	s9 =	sadd.s32 $0xFFFFFEF7, lr;
	s5 =	simm.s32 $0xFFFFFFFF;
	p2 =	slt.u32 s8, $0xFFFFF086  }
0x1c: {  	p1 =	slt.u32 s9, $0xF7A;
	s5 =	simm.s32 @!p2 $0x0  }
0x1d: {  	s5 =	simm.s32 @p1 $0x1;
	p0 =	seq.s32 s7, s2  }
0x1e: {  	s7 =	smul.u32 @!p0 $0xF7A, s2;
	p2 =	seq.s32 @!p0 s5, $0x0  }
0x1f: {  	s9 =	smul.u32 $0xF7A, s1;
	s8 =	simm.s32 @!p0 $0x1BF5;
	p2 =	por !p2, p0  }
0x20: {  	[sflag:s8] =	ssyncset.s32 @!p0 $0xFFFFF086;
	s6 =	sadd.s32 @!p0 s3, s7;
	s7 =	simm.s32 @!p0 $0x108  }
0x21: {  	s3 =	sadd.s32 s3, s9;
	s6 =	sadd.s32 @!p0 $0x88, s6;
	s7 =	simm.s32 @p2 $0x1082  }
0x22: {  	[simem:s7], [sflag:s8] =	dma.local @!p0 [hbm:s6], $0xF7A  }
0x23: {  	s9 =	sor.u32 $0xD0000000, s2;
	s6 =	simm.s32 $0x108;
	_ =	swait.ge @!p0 [sflag:s8], $0x0  }
0x24: {  	s3 =	sadd.s32 $0x88, s3;
	s6 =	simm.s32 @!p1 $0x1082;
	[sflag:s4] =	ssyncset.s32 $0xFFFFF086  }
0x25: {  	[simem:s6], [sflag:s4] =	dma.local [hbm:s3], $0xF7A  }
0x26: {  	[smem:$0x3F9A] =	sst s1;
	(tag) =	ssettag s2;
	_ =	strace s9  }
0x27: {  	s1 =	sld [smem:$0x3FAA]  }
0x28: {  	s2 =	sld [smem:$0x3FAB]  }
0x29: {  	s4 =	sld [smem:$0x3FAD]  }
0x2a: {  	p0 =	seq.s32 s5, $0x0;
	s5 =	sld [smem:$0x3FAE]  }
0x2b: {  	s6 =	sld [smem:$0x3FAF]  }
0x2c: {  	s7 =	sld [smem:$0x3FB0]  }
0x2d: {  	s3 =	simm.s32 $0x108;
	s8 =	sld [smem:$0x3FB1]  }
0x2e: {  	s3 =	simm.s32 @!p0 $0x1082;
	s9 =	sld [smem:$0x3FB2]  }
0x2f: {  	lr =	sadd.s32 s0, s3;
	s0 =	sld [smem:$0x3FA9]  }
0x30: {  	s3 =	sld [smem:$0x3FAC]  }
0x31: {  	[smem:$0x3FB5] =	sst s10  }
0x32: {  	s10 =	sld [smem:$0x3FB3];
	_ =	sdelay $0x3  }
0x33: {  	p0 =	seq.s32 s10, $0x1;
	s10 =	sld [smem:$0x3FB5];
	_ =	sdelay $0x3  }
0x34: {  	[smem:$0x3FB5] =	sst s10  }
0x35: {  	s10 =	sld [smem:$0x3FB4];
	_ =	sdelay $0x3  }
0x36: {  	p1 =	seq.s32 s10, $0x1;
	s10 =	sld [smem:$0x3FB5];
	_ =	sdelay $0x3  }
0x37: {  	[smem:$0x3FB5] =	sst s10  }
0x38: {  	s10 =	sld [smem:$0x3FB6]  }
0x39: {  	_ = 	snop;
	(pc) =	sbr.ind lr, $3  }
0x3a: {  	_ = 	snop  }
0x3b: {  	_ = 	snop  }
0x3c: {  	p2 =	seq.s32 s10, $0x1;
	s10 =	sld [smem:$0x3FB5]  }
0x3d: {  	_ =	shalt  }
0x3e: {  	_ =	shalt  }
0x3f: {  	_ =	shalt  }
0x40: {  	_ =	shalt  }
0x41: {  	_ =	shalt  }
0x42: {  	_ =	shalt  }
0x43: {  	_ =	shalt  }
0x44: {  	_ =	shalt  }
0x45: {  	_ =	shalt  }
0x46: {  	_ =	shalt  }
0x47: {  	_ =	shalt  }
0x48: {  	_ =	shalt  }
0x49: {  	_ =	shalt  }
0x4a: {  	_ =	shalt  }
0x4b: {  	_ =	shalt  }
0x4c: {  	_ =	shalt  }
0x4d: {  	_ =	shalt  }
0x4e: {  	_ =	shalt  }
0x4f: {  	_ =	shalt  }
0x50: {  	_ =	shalt  }
0x51: {  	_ =	shalt  }
0x52: {  	_ =	shalt  }
0x53: {  	_ =	shalt  }
0x54: {  	_ =	shalt  }
0x55: {  	_ =	shalt  }
0x56: {  	_ =	shalt  }
0x57: {  	_ =	shalt  }
0x58: {  	_ =	shalt  }
0x59: {  	_ =	shalt  }
0x5a: {  	_ =	shalt  }
0x5b: {  	_ =	shalt  }
0x5c: {  	_ =	shalt  }
0x5d: {  	_ =	shalt  }
0x5e: {  	_ =	shalt  }
0x5f: {  	_ =	shalt  }
0x60: {  	_ =	shalt  }
0x61: {  	_ =	shalt  }
0x62: {  	_ =	shalt  }
0x63: {  	_ =	shalt  }
0x64: {  	_ =	shalt  }
0x65: {  	_ =	shalt  }
0x66: {  	_ =	shalt  }
0x67: {  	_ =	shalt  }
0x68: {  	_ =	shalt  }
0x69: {  	_ =	shalt  }
0x6a: {  	_ =	shalt  }
0x6b: {  	_ =	shalt  }
0x6c: {  	_ =	shalt  }
0x6d: {  	_ =	shalt  }
0x6e: {  	_ =	shalt  }
0x6f: {  	_ =	shalt  }
0x70: {  	_ =	shalt  }
0x71: {  	_ =	shalt  }
0x72: {  	_ =	shalt  }
0x73: {  	_ =	shalt  }
0x74: {  	_ =	shalt  }
0x75: {  	_ =	shalt  }
0x76: {  	_ =	shalt  }
0x77: {  	_ =	shalt  }
0x78: {  	_ =	shalt  }
0x79: {  	_ =	shalt  }
0x7a: {  	_ =	shalt  }
0x7b: {  	_ =	shalt  }
0x7c: {  	_ =	shalt  }
0x7d: {  	_ =	shalt  }
0x7e: {  	_ =	shalt  }
0x7f: {  	_ =	shalt  }
0x80: {  	_ =	shalt  }
0x81: {  	_ =	shalt  }
0x82: {  	_ =	shalt  }
0x83: {  	_ =	shalt  }
0x84: {  	_ =	shalt  }
0x85: {  	_ =	shalt  }
0x86: {  	_ =	shalt  }
0x87: {  	_ =	shalt  }
.Lfunc_end0:
.L_simem_size_0:
called_computation_lowered:
.L_overlay_start_0:
0x88: {  	s2 =	sld [smem:$0x3FD9]  }
0x89: {  	s3 =	sld [smem:$0x3FFE];
	_ =	sdelay $0x1  }
0x8a: {  	s1 =	srdreg.scid  }
0x8b: {  	s0 =	sand.u32 $0x1, s1  }
0x8c: {  	s17 =	sshll.u32 s0, $0xA;
	s2 =	sadd.s32 s3, s2  }
0x8d: {  	s2 =	sadd.s32 s2, s17  }
0x8e: {  	[smem:$0x3FC1] =	sst s2  }
0x8f: {  	_ = 	snop  }
0x90: {  	s2 =	sld [smem:$0x3FC6]  }
0x91: {  	s18 =	sld [smem:$0x3FC5]  }
0x92: {  	s4 =	sld [smem:$0x3FC4]  }
0x93: {  	s5 =	sld [smem:$0x3FC3];
	(tm) =	ssettm $0x1  }
0x94: {  	s6 =	sld [smem:$0x3FFB];
	_ =	sdelay $0x3  }
0x95: {  	_ =	strace s6  }
0x96: {  	s6 =	sld [smem:$0x3FFC];
	_ =	sdelay $0x3  }
0x97: {  	_ =	strace s6  }
0x98: {  	s6 =	sld [smem:$0x3FFD];
	_ =	sdelay $0x3  }
0x99: {  	_ =	strace s6  }
0x9a: {  	_ =	strace $0x8FFFFFFF  }
0x9b: {  	s19 =	sld [smem:$0x3FDB];
	_ =	sdelay $0x1  }
0x9c: {  	s7 =	simm.s32 $_scs_section_size  }
0x9d: {  	s8 =	simm.s32 $_size__tile_overlayer_lowered;
	s9 =	simm.s32 $_tile_overlayer_lowered  }
0x9e: {  	s22 =	simm.s32 $0x1BFF;
	s21 =	sshll.u32 s9, $0x1;
	s6 =	sadd.s32 s7, s19  }
0x9f: {  	s10 =	simm.s32 $0x0;
	s20 =	sshll.u32 s8, $0x1;
	s8 =	sadd.s32 s21, s6  }
0xa0: {  	[timem:s10], [sflag:s22] =	dma.local [hbm:s8], s20  }
0xa1: {  	_ =	swait.ge [sflag:s22], s20  }
0xa2: {  	s7 =	ssub.s32 $0x0, s20;
	[sflag:s22] =	ssyncset.done $0x0  }
0xa3: {  	[sflag:s22] =	ssyncadd.s32 s7;
	_ =	sdelay $0x1  }
0xa4: {  	s23 =	simm.s32 $0x1B8B  }
0xa5: {  	_ =	swait.ge [sflag:s23], $0x1  }
0xa6: {  	[sflag:s23] =	ssyncset.done $0x0  }
0xa7: {  	s25 =	simm.s32 $0x1B8E;
	s24 =	sld [smem:$0x3FFE];
	[sflag:s23] =	ssyncadd.s32 $0xFFFFFFFF  }
0xa8: {  	s26 =	simm.s32 $execute0_lowered;
	[smem:$0x3FD2] =	sst s25  }
0xa9: {  	s8 =	sshll.u32 s26, $0x1;
	_ =	strace $0x80000046;
	[dreg:$0x1] =	wrdreg $0xFFFFFFFF  }
0xaa: {  	s28 =	simm.s32 $_size_execute0_lowered;
	s6 =	sadd.s32 s6, s8;
	[dreg:$0x0] =	wrdreg $0x0  }
0xab: {  	s8 =	sshll.u32 s28, $0x1;
	[dreg:$0x2] =	wrdreg s6  }
0xac: {  	[dreg:$0x3] =	wrdreg s8  }
0xad: {  	[dreg:$0x4] =	wrdreg $0xC0  }
0xae: {  	_ =	task [dreg:s10], $0x5FFFF  }
0xaf: {  	[dreg:$0x1] =	wrdreg $0xFFFFFFFF  }
0xb0: {  	[dreg:$0x0] =	wrdreg $0x60  }
0xb1: {  	[dreg:$0x2] =	wrdreg s5  }
0xb2: {  	[dreg:$0x3] =	wrdreg s24  }
0xb3: {  	[dreg:$0x4] =	wrdreg s2  }
0xb4: {  	[dreg:$0x5] =	wrdreg s18  }
0xb5: {  	[dreg:$0x6] =	wrdreg s4  }
0xb6: {  	[dreg:$0x7] =	wrdreg $0x9  }
0xb7: {  	_ =	task.clear_ibuf [dreg:s10], $0x8FFFF;
	_ =	strace $0x90000046  }
0xb8: {  	s29 =	simm.s32 $0x9;
	_ =	strace $0x80000048  }
0xb9: {  	_ =	swait.ge [sflag:s29], $0x1  }
0xba: {  	[sflag:s29] =	ssyncadd.s32 $0xFFFFFFFF  }
0xbb: {  	_ =	strace $0x90000048  }
0xbc: {  	_ =	sfence  }
0xbd: {  	s30 =	sld [smem:$0x0];
	_ =	sdelay $0x2  }
0xbe: {  	s31 =	sshll.u32 s1, $0xD;
	s1 =	sshrl.u32 s1, $0x2  }
0xbf: {  	s3 =	sand.u32 $0x4000, s31;
	s1 =	sadd.s32 s1, s30  }
0xc0: {  	s0 =	sor.u32 s3, s0;
	s1 =	sshll.u32 s1, $0x11  }
0xc1: {  	s0 =	sor.u32 s1, s0  }
0xc2: {  	s0 =	sadd.s32 $0x8F2B, s0  }
0xc3: {  	[sflag:s0] =	ssyncadd.remote.s32 $0x1  }
0xc4: {  	_ =	sfence.sel $0xFFFF  }
0xc5: {  	[dreg:$0x0] =	wrdreg $0xFFFFFFFF;
	(pc) =	sbr.abs _section_cstart, $3  }
0xc6: {  	[dreg:$0x1] =	wrdreg $0xFFFFFFFF  }
0xc7: {  	_ =	task.clear_ibuf [dreg:s10], $0x2FFFF;
	_ =	strace $0x9FFFFFFF  }
0xc8: {  	(tm) =	ssettm $0x7FFFFFFF  }
0xc9: {  	_ =	shalt  }
tec
execute0_lowered:
.L_overlay_start_1:
0x0: {  	(tag) =	ssettag $0x1  }
0x1: {  	s0 =	rddreg [dreg:$0x1]  }
0x2: {  	s3 =	rddreg [dreg:$0x2]  }
0x3: {  	s4 =	rddreg [dreg:$0x3]  }
0x4: {  	s5 =	rddreg [dreg:$0x4]  }
0x5: {  	s1 =	srdreg.scid;
	s8 =	stileid.u32;
	s6 =	simm.s32 $0x0  }
0x6: {  	s28 =	simm.s32 $0x10200;
	s29 =	simm.s32 $0x18200;
	s30 =	simm.s32 $0x0  }
0x7: {  	s1 =	sand.u32 $0x1, s1;
	s2 =	sshll.u32 s8, $0x1;
	s19 =	sshrl.u32 s8, $0x2  }
0x8: {  	[smem:$0x7FF] =	sst s6;
	s12 =	sadd.s32 $0xC00, s0;
	s7 =	sor.u32 s1, s2  }
0x9: {  	s9 =	smul.u32 $0xC00, s19;
	_ =	strace $0x80000047;
	s1 =	ssub.s32 $0x2, s1  }
0xa: {  	v0 =	vimm.s32 $0xEFCDAB89;
	v1 =	vimm.s32 $0x67452301;
	s2 =	sshll.u32 s19, $0xA;
	s20 =	sshll.u32 s7, $0x7;
	s21 =	sshrl.u32 s1, $0x1  }
0xb: {  	v2 =	vimm.s32 $0xDCFE98BA;
	v3 =	vimm.s32 $0x54761032;
	s8 =	sor.u32 $0x20, s7;
	s10 =	sshll.u32 s7, $0x12;
	s13 =	sshll.u32 s7, $0xF  }
0xc: {  	v4 =	vimm.s32 $0xBA98FEDC;
	v5 =	vimm.s32 $0xFEDCBA98;
	s11 =	sand.u32 $0x380, s20;
	s1 =	ssub.s32 s1, s21;
	s22 =	sshrl.u32 s8, $0x3  }
0xd: {  	v6 =	vimm.s32 $0x32107654;
	v7 =	vimm.s32 $0x76543210;
	v0 =	vunpack.c.l.s4.s8 v0;
	s15 =	sadd.s32 s3, s13;
	s23 =	sadd.s32 s4, s13;
	s13 =	sadd.s32 s5, s13  }
0xe: {  	v1 =	vunpack.c.l.s4.s8 v1;
	v2 =	vunpack.c.l.s4.s8 v2;
	v3 =	vunpack.c.l.s4.s8 v3;
	s26 =	sshll.u32 s8, $0xF;
	s16 =	sshll.u32 s8, $0x12;
	[dreg:$0x7] =	wrdreg s15  }
0xf: {  	v5 =	vunpack.c.l.s4.s8 v5;
	v4 =	vunpack.c.l.s4.s8 v4;
	v6 =	vunpack.c.l.s4.s8 v6;
	s9 =	sor.u32 s9, s11;
	s14 =	smul.u32 $0xC00, s22;
	[dreg:$0x8] =	wrdreg s23  }
0x10: {  	v7 =	vunpack.c.l.s4.s8 v7;
	v2 =	vunpack.c.0.s8.s32 v2;
	v3 =	vunpack.c.0.s8.s32 v3;
	s2 =	sor.u32 s2, s11;
	[dreg:$0x9] =	wrdreg s13;
	s17 =	sadd.s32 s3, s26  }
0x11: {  	v0 =	vunpack.c.0.s8.s32 v0;
	v4 =	vunpack.c.0.s8.s32 v4;
	v6 =	vunpack.c.0.s8.s32 v6;
	s18 =	sadd.s32 s4, s26;
	s19 =	sadd.s32 s5, s26;
	s21 =	smax.u32 s1, $0x1  }
0x12: {  	v1 =	vunpack.c.0.s8.s32 v1;
	v5 =	vunpack.c.0.s8.s32 v5;
	v30 =	vcombine.low v3, v2;
	s26 =	simm.s32 $0x8200;
	s9 =	sshrl.u32 s9, $0x3;
	s2 =	sshrl.u32 s2, $0x3  }
.Ltmp0:
0x13: {  	v7 =	vunpack.c.0.s8.s32 v7;
	v31 =	vcombine.low v6, v4;
	s9 =	sadd.s32 s0, s9;
	s24 =	sor.u32 s11, s14;
	(pc) =	sbr.rel .LBB2_1-.Ltmp0, $4  }
0x14: {  	v28 =	vcombine.low v1, v0;
	v62 =	vand.u32 $0xF, v5;
	s2 =	sadd.s32 s12, s2;
	[tilespmem:$0x1FFC0] =	vst v30;
	[dreg:$0x6] =	wrdreg s9;
	s9 =	sshll.u32 s22, $0xA  }
0x15: {  	v63 =	vcombine.low v62, v7;
	[tilespmem:$0x1FFD0] =	vst v31;
	[dreg:$0xa] =	wrdreg s2;
	s25 =	sshrl.u32 s24, $0x3;
	s31 =	sor.u32 s11, s9  }
0x16: {  	[tilespmem:$0x1FFE0] =	vst v28;
	s22 =	simm.s32 $0x7;
	s0 =	sadd.s32 s0, s25;
	s2 =	sshrl.u32 s31, $0x3  }
0x17: {  	[tilespmem:$0x1FFF0] =	vst v63;
	s25 =	simm.s32 $0x200;
	[dreg:$0xb] =	wrdreg s0;
	s20 =	sadd.s32 s12, s2  }
.LBB2_8:
0x18: {  	v4 =	vimm.f32 $3.000000010e+38  }
.LBB2_9:
0x19: {  	v0 =	vld [tilespmem:$0x1FE10]  }
0x1a: {  	v1 =	vld [tilespmem:$0x1FE20];
	_ =	sdelay $0x1  }
0x1b: {  	v42 =	vld [tilespmem:$0x1FDF0];
	_ =	sdelay $0x1  }
0x1c: {  	v43 =	vld [tilespmem:$0x1FE00]  }
0x1d: {  	v0 =	vmul.f32 v0, v0;
	v1 =	vmul.f32 v1, v1  }
0x1e: {  	v44 =	vld [tilespmem:$0x1FDE0]  }
0x1f: {  	v0 =	vadd.f32 v1, v0;
	v1 =	vmul.f32 v42, v42  }
0x20: {  	v45 =	vld [tilespmem:$0x1FDD0]  }
0x21: {  	v0 =	vadd.f32 v1, v0;
	v1 =	vmul.f32 v43, v43  }
0x22: {  	v46 =	vld [tilespmem:$0x1FDC0]  }
0x23: {  	v0 =	vadd.f32 v1, v0;
	v1 =	vmul.f32 v44, v44  }
0x24: {  	v47 =	vld [tilespmem:$0x1FDB0]  }
0x25: {  	v0 =	vadd.f32 v1, v0;
	v1 =	vmul.f32 v45, v45  }
0x26: {  	v48 =	vld [tilespmem:$0x1FDA0]  }
0x27: {  	v0 =	vadd.f32 v1, v0;
	v1 =	vmul.f32 v46, v46  }
0x28: {  	v49 =	vld [tilespmem:$0x1FD90]  }
0x29: {  	v0 =	vadd.f32 v1, v0;
	v1 =	vmul.f32 v47, v47  }
0x2a: {  	v50 =	vld [tilespmem:$0x1FD80]  }
0x2b: {  	v0 =	vadd.f32 v1, v0;
	v1 =	vmul.f32 v48, v48  }
0x2c: {  	v51 =	vld [tilespmem:$0x1FD70]  }
0x2d: {  	v0 =	vadd.f32 v1, v0;
	v1 =	vmul.f32 v49, v49  }
0x2e: {  	v52 =	vld [tilespmem:$0x1FD50]  }
0x2f: {  	v0 =	vadd.f32 v1, v0;
	v1 =	vmul.f32 v50, v50  }
0x30: {  	v53 =	vld [tilespmem:$0x1FD40]  }
0x31: {  	v0 =	vadd.f32 v1, v0;
	v1 =	vmul.f32 v51, v51  }
0x32: {  	v54 =	vld [tilespmem:$0x1FD20]  }
0x33: {  	v0 =	vadd.f32 v1, v0;
	v1 =	vmul.f32 v52, v52  }
0x34: {  	v55 =	vld [tilespmem:$0x1FD00]  }
0x35: {  	v0 =	vadd.f32 v1, v0;
	v1 =	vmul.f32 v53, v53  }
0x36: {  	v56 =	vld [tilespmem:$0x1FCF0]  }
0x37: {  	v0 =	vadd.f32 v1, v0;
	v1 =	vmul.f32 v54, v54  }
0x38: {  	v57 =	vld [tilespmem:$0x1FCB0]  }
0x39: {  	v0 =	vadd.f32 v1, v0;
	v1 =	vmul.f32 v55, v55  }
0x3a: {  	v58 =	vld [tilespmem:$0x1FCC0]  }
0x3b: {  	v0 =	vadd.f32 v1, v0;
	v1 =	vmul.f32 v56, v56  }
0x3c: {  	v59 =	vld [tilespmem:$0x1FCD0]  }
0x3d: {  	v0 =	vadd.f32 v1, v0;
	v1 =	vmul.f32 v57, v57  }
0x3e: {  	v60 =	vld [tilespmem:$0x1FCE0]  }
0x3f: {  	v0 =	vadd.f32 v1, v0;
	v1 =	vmul.f32 v58, v58  }
0x40: {  	v61 =	vld [tilespmem:$0x1FD10]  }
0x41: {  	v0 =	vadd.f32 v1, v0;
	v1 =	vmul.f32 v59, v59  }
0x42: {  	v62 =	vld [tilespmem:$0x1FD30]  }
0x43: {  	v0 =	vadd.f32 v1, v0;
	v1 =	vmul.f32 v60, v60  }
0x44: {  	v63 =	vld [tilespmem:$0x1FD60]  }
0x45: {  	v0 =	vadd.f32 v1, v0;
	v1 =	vmul.f32 v61, v61;
	_ =	sdelay $0x1  }
0x46: {  	v0 =	vadd.f32 v1, v0;
	v1 =	vmul.f32 v62, v62;
	_ =	sdelay $0x1  }
0x47: {  	v0 =	vadd.f32 v1, v0;
	v1 =	vmul.f32 v63, v63;
	_ =	sdelay $0x1  }
0x48: {  	v0 =	vadd.f32 v1, v0  }
0x49: {  	v30 =	vld [tilespmem:$0x1FFC0]  }
0x4a: {  	v1 =	vperm.xlane v0, v28;
	_ =	sdelay $0x1  }
0x4b: {  	v0 =	vadd.f32 v0, v1  }
0x4c: {  	v31 =	vld [tilespmem:$0x1FFD0]  }
0x4d: {  	v1 =	vperm.xlane v0, v30;
	_ =	sdelay $0x1  }
0x4e: {  	v0 =	vadd.f32 v0, v1  }
0x4f: {  	v2 =	vld [tilespmem:$0x1FFF0]  }
0x50: {  	v1 =	vperm.xlane v0, v31;
	_ =	sdelay $0x1  }
0x51: {  	v0 =	vadd.f32 v0, v1;
	_ =	sdelay $0x1  }
0x52: {  	v1 =	vperm.xlane v0, v2;
	_ =	sdelay $0x1  }
0x53: {  	v0 =	vadd.f32 v0, v1;
	_ =	sdelay $0x1  }
0x54: {  	v0 =	vadd.f32 v4, v0;
	_ =	sdelay $0x1  }
0x55: {  	v0 =	vmul.f32 $-5.000000000e-01, v0;
	_ =	sdelay $0x1  }
0x56: {  	v0 =	vmul.f32 $1.442695020e+00, v0;
	_ =	sdelay $0x1  }
0x57: {  	(erf) = vpow2.f32 v0;
	_ =	sdelay $0x7  }
0x58: {  	s30 =	sadd.s32 $0x1, s30  }
0x59: {  	p0 =	sne.s32 s30, s21;
	v0 =	vpop (erf)  }
.Ltmp1:
0x5a: {  	[tilespmem:$0x18200] =	vst v0;
	(pc) =	sbr.rel @!p0 .LBB2_10-.Ltmp1, $4  }
0x5b: {  	[hbm4b:s20+s6] =	stream.linear.scatter [tilespmem:s29], [sflag:$0x7], $0x80, $0x38;
	[tilespmem:$0x18280] =	vst v63  }
0x5c: {  	_ =	swait.ge [sflag:s22], $0x80  }
0x5d: {  	[sflag:s22] =	ssyncset.done $0x0  }
0x5e: {  	[sflag:s22] =	ssyncadd.s32 $0xFFFFFF80  }
.LBB2_1:
0x5f: {  	s0 =	rddreg [dreg:$0x0]  }
0x60: {  	[tilespmem:s6], [sflag:$0x7] =	stream.linear.gather [hbm4b:s0+s6], $0x40, $0x38;
	[tilespmem:$0x18280] =	vst v63  }
0x61: {  	_ =	swait.ge [sflag:s22], $0x40  }
0x62: {  	s1 =	simm.s32 $0x400;
	[sflag:s22] =	ssyncset.done $0x0  }
0x63: {  	s2 =	simm.s32 $0x80;
	s11 =	rddreg [dreg:$0x6];
	[sflag:s22] =	ssyncadd.s32 $0xFFFFFFC0  }
0x64: {  	[tilespmem:s2], [sflag:$0x7] =	stream.strided.gather [hbm4b:s11+s2], $0x180, s1, s2, $0x38;
	[tilespmem:$0x18280] =	vst v63  }
0x65: {  	_ =	swait.ge [sflag:s22], $0x180  }
0x66: {  	[sflag:s22] =	ssyncset.done $0x0  }
0x67: {  	[sflag:s22] =	ssyncadd.s32 $0xFFFFFE80  }
0x68: {  	v4 =	vld [tilespmem:s7+$0x0]  }
0x69: {  	v0 =	vld [tilespmem:$0x80]  }
0x6a: {  	v41 =	vld [tilespmem:$0x90]  }
0x6b: {  	v42 =	vld [tilespmem:$0xA0]  }
0x6c: {  	v43 =	vld [tilespmem:$0xB0]  }
0x6d: {  	v44 =	vld [tilespmem:$0xC0]  }
0x6e: {  	v45 =	vld [tilespmem:$0xD0]  }
0x6f: {  	v46 =	vld [tilespmem:$0xE0]  }
0x70: {  	v47 =	vld [tilespmem:$0xF0]  }
0x71: {  	v48 =	vld [tilespmem:$0x100]  }
0x72: {  	v49 =	vld [tilespmem:$0x110]  }
0x73: {  	v50 =	vld [tilespmem:$0x120]  }
0x74: {  	v51 =	vld [tilespmem:$0x130]  }
0x75: {  	v52 =	vld [tilespmem:$0x140]  }
0x76: {  	v53 =	vld [tilespmem:$0x150]  }
0x77: {  	v54 =	vld [tilespmem:$0x160]  }
0x78: {  	v55 =	vld [tilespmem:$0x170]  }
0x79: {  	v56 =	vld [tilespmem:$0x180]  }
0x7a: {  	v57 =	vld [tilespmem:$0x190]  }
0x7b: {  	v58 =	vld [tilespmem:$0x1A0]  }
0x7c: {  	v59 =	vld [tilespmem:$0x1B0]  }
0x7d: {  	v60 =	vld [tilespmem:$0x1C0]  }
0x7e: {  	v61 =	vld [tilespmem:$0x1D0]  }
0x7f: {  	s15 =	rddreg [dreg:$0x7];
	v62 =	vld [tilespmem:$0x1E0]  }
0x80: {  	v63 =	vld [tilespmem:$0x1F0];
	[tilespmem:s25], [sflag:$0x1] =	stream.linear.gather [hbm4b:s15+s6], $0x4000, $0x38;
	(v2sf) =	vpush v4, $0x0  }
0x81: {  	s23 =	rddreg [dreg:$0x8]  }
0x82: {  	[tilespmem:s26], [sflag:$0x3] =	stream.linear.gather [hbm4b:s23+s6], $0x4000, $0x38;
	[tilespmem:$0x18280] =	vst v63  }
0x83: {  	s24 =	rddreg [dreg:$0x9]  }
0x84: {  	[tilespmem:s28], [sflag:$0x5] =	stream.linear.gather [hbm4b:s24+s6], $0x4000, $0x38;
	[tilespmem:$0x18280] =	vst v63  }
0x85: {  	[tilespmem:$0x1FE40] =	vst v0  }
0x86: {  	[tilespmem:$0x1FE50] =	vst v41  }
0x87: {  	[tilespmem:$0x1FE60] =	vst v42  }
0x88: {  	[tilespmem:$0x1FE70] =	vst v43  }
0x89: {  	[tilespmem:$0x1FE80] =	vst v44  }
0x8a: {  	[tilespmem:$0x1FE90] =	vst v45  }
0x8b: {  	[tilespmem:$0x1FEA0] =	vst v46  }
0x8c: {  	[tilespmem:$0x1FEB0] =	vst v47  }
0x8d: {  	[tilespmem:$0x1FEC0] =	vst v48  }
0x8e: {  	[tilespmem:$0x1FED0] =	vst v49  }
0x8f: {  	[tilespmem:$0x1FEE0] =	vst v50;
	s31 =	spop (v2sf)  }
0x90: {  	[tilespmem:$0x1FEF0] =	vst v51;
	s12 =	sadd.s32 $0x7F, s31  }
0x91: {  	[tilespmem:$0x1FF00] =	vst v52;
	s13 =	sand.u32 $0x7F, s12  }
0x92: {  	[tilespmem:$0x1FF10] =	vst v53;
	s14 =	sshra.s32 s12, $0x1F;
	p1 =	slt.s32 s12, $0x1;
	p0 =	sne.s32 s13, $0x0  }
0x93: {  	[tilespmem:$0x1FF20] =	vst v54;
	s1 =	sshrl.u32 s14, $0x19;
	p0 =	por !p1, !p0  }
0x94: {  	[tilespmem:$0x1FF30] =	vst v55;
	s0 =	sadd.s32 s1, s12;
	s1 =	simm.s32 $0x1;
	p0 =	por !p0, !p0  }
0x95: {  	[tilespmem:$0x1FF40] =	vst v56;
	s0 =	sshra.s32 s0, $0x7;
	s1 =	simm.s32 @!p0 $0x0  }
0x96: {  	[tilespmem:$0x1FF50] =	vst v57;
	s1 =	ssub.s32 s0, s1  }
0x97: {  	[tilespmem:$0x1FF60] =	vst v58;
	p0 =	sgt.s32 s1, $0x0  }
.Ltmp2:
0x98: {  	[tilespmem:$0x1FF70] =	vst v59;
	(pc) =	sbr.rel @!p0 .LBB2_7-.Ltmp2, $4  }
0x99: {  	[tilespmem:$0x1FF80] =	vst v60  }
0x9a: {  	[tilespmem:$0x1FF90] =	vst v61  }
0x9b: {  	[tilespmem:$0x1FFA0] =	vst v62  }
0x9c: {  	v29 =	vimm.f32 $3.000000010e+38;
	[tilespmem:$0x1FFB0] =	vst v63  }
0x9d: {  	v0 =	vld [tilespmem:$0x1FE40];
	_ =	sdelay $0x4  }
0x9e: {  	v1 =	vadd.f32 v0, v0;
	v0 =	vld [tilespmem:$0x1FE50];
	_ =	sdelay $0x4  }
0x9f: {  	v2 =	vadd.f32 v0, v0;
	v0 =	vld [tilespmem:$0x1FE60];
	_ =	sdelay $0x4  }
0xa0: {  	v3 =	vadd.f32 v0, v0;
	v0 =	vld [tilespmem:$0x1FE70];
	_ =	sdelay $0x4  }
0xa1: {  	v34 =	vadd.f32 v0, v0;
	v0 =	vld [tilespmem:$0x1FE80];
	_ =	sdelay $0x4  }
0xa2: {  	v4 =	vadd.f32 v0, v0;
	v0 =	vld [tilespmem:$0x1FE90];
	_ =	sdelay $0x4  }
0xa3: {  	v35 =	vadd.f32 v0, v0;
	v0 =	vld [tilespmem:$0x1FEA0];
	_ =	sdelay $0x4  }
0xa4: {  	v36 =	vadd.f32 v0, v0;
	v0 =	vld [tilespmem:$0x1FEB0];
	_ =	sdelay $0x4  }
0xa5: {  	v40 =	vadd.f32 v0, v0;
	v0 =	vld [tilespmem:$0x1FEC0];
	_ =	sdelay $0x4  }
0xa6: {  	v37 =	vadd.f32 v0, v0;
	v0 =	vld [tilespmem:$0x1FED0];
	_ =	sdelay $0x4  }
0xa7: {  	v38 =	vadd.f32 v0, v0;
	v0 =	vld [tilespmem:$0x1FEE0];
	_ =	sdelay $0x4  }
0xa8: {  	v39 =	vadd.f32 v0, v0;
	v0 =	vld [tilespmem:$0x1FEF0];
	_ =	sdelay $0x4  }
0xa9: {  	v41 =	vadd.f32 v0, v0;
	v0 =	vld [tilespmem:$0x1FF00];
	_ =	sdelay $0x4  }
0xaa: {  	v42 =	vadd.f32 v0, v0;
	v0 =	vld [tilespmem:$0x1FF10];
	_ =	sdelay $0x4  }
0xab: {  	v43 =	vadd.f32 v0, v0;
	v0 =	vld [tilespmem:$0x1FF20];
	_ =	sdelay $0x4  }
0xac: {  	v44 =	vadd.f32 v0, v0;
	v0 =	vld [tilespmem:$0x1FF30];
	_ =	sdelay $0x4  }
0xad: {  	v45 =	vadd.f32 v0, v0;
	v0 =	vld [tilespmem:$0x1FF40];
	_ =	sdelay $0x4  }
0xae: {  	v46 =	vadd.f32 v0, v0;
	v0 =	vld [tilespmem:$0x1FF50];
	_ =	sdelay $0x4  }
0xaf: {  	v48 =	vadd.f32 v0, v0;
	v0 =	vld [tilespmem:$0x1FF60];
	_ =	sdelay $0x4  }
0xb0: {  	v47 =	vadd.f32 v0, v0;
	v0 =	vld [tilespmem:$0x1FF70];
	_ =	sdelay $0x4  }
0xb1: {  	v49 =	vadd.f32 v0, v0;
	v0 =	vld [tilespmem:$0x1FF80];
	_ =	sdelay $0x4  }
0xb2: {  	v50 =	vadd.f32 v0, v0;
	v0 =	vld [tilespmem:$0x1FF90];
	_ =	sdelay $0x4  }
0xb3: {  	v32 =	vadd.f32 v0, v0;
	v0 =	vld [tilespmem:$0x1FFA0];
	_ =	sdelay $0x4  }
0xb4: {  	v51 =	vadd.f32 v0, v0;
	v0 =	vld [tilespmem:$0x1FFB0];
	_ =	sdelay $0x4  }
0xb5: {  	p0 =	por $0x0, $0x0;
	s2 =	simm.s32 $0x0;
	v29 =	vimm.f32 $3.000000010e+38;
	s0 =	simm.s32 $0x0;
	[tilespmem:$0x1FE30] =	vst v4;
	v0 =	vadd.f32 v0, v0  }
.LBB2_4:
0xb6: {  	s9 =	sand.u32 $0x1, s0;
	s0 =	sadd.s32 $0x1, s0  }
0xb7: {  	p1 =	sge.s32 s0, s1  }
0xb8: {  	s12 =	sshll.u32 @!p1 s0, $0xE  }
0xb9: {  	s11 =	sand.u32 @!p1 $0x1, s0;
	s12 =	sadd.s32 @!p1 s10, s12  }
0xba: {  	s24 =	simm.s32 @!p1 $0x0;
	s13 =	sshll.u32 @!p1 s11, $0xE;
	s12 =	sshrl.u32 @!p1 s12, $0x3  }
0xbb: {  	s23 =	sadd.s32 @!p1 $0x1, s11;
	s14 =	sor.u32 @!p1 $0x200, s13;
	s15 =	sadd.s32 @!p1 s3, s12  }
0xbc: {  	[tilespmem:s14], [sflag:s23] =	stream.linear.gather @!p1 [hbm4b:s15+s24], $0x4000, $0x38;
	[tilespmem:$0x18280] =	vst v63  }
0xbd: {  	s14 =	sor.u32 @!p1 $0x8200, s13  }
0xbe: {  	s15 =	sadd.s32 @!p1 $0x3, s11;
	s23 =	sadd.s32 @!p1 s4, s12;
	s13 =	sor.u32 @!p1 $0x10200, s13  }
0xbf: {  	[tilespmem:s14], [sflag:s15] =	stream.linear.gather @!p1 [hbm4b:s23+s24], $0x4000, $0x38;
	[tilespmem:$0x18280] =	vst v63  }
0xc0: {  	s11 =	sadd.s32 @!p1 $0x5, s11;
	s12 =	sadd.s32 @!p1 s5, s12;
	s15 =	sadd.s32 $0x1, s9  }
0xc1: {  	[tilespmem:s13], [sflag:s11] =	stream.linear.gather @!p1 [hbm4b:s12+s24], $0x4000, $0x38;
	[tilespmem:$0x18280] =	vst v63  }
0xc2: {  	s12 =	simm.s32 $0x1;
	_ =	swait.ge [sflag:s15], $0x4000  }
0xc3: {  	s12 =	simm.s32 @!p0 $0x0;
	[sflag:s15] =	ssyncset.done $0x0  }
0xc4: {  	s23 =	sadd.s32 $0x3, s9;
	s12 =	sshll.u32 s12, $0xE;
	[sflag:s15] =	ssyncadd.s32 $0xFFFFC000  }
0xc5: {  	s24 =	sor.u32 $0x10270, s12;
	_ =	swait.ge [sflag:s23], $0x4000  }
0xc6: {  	v54 =	vmov s24;
	[sflag:s23] =	ssyncset.done $0x0  }
0xc7: {  	s9 =	sadd.s32 $0x5, s9;
	s13 =	sor.u32 $0x8240, s12;
	[sflag:s23] =	ssyncadd.s32 $0xFFFFC000  }
0xc8: {  	v55 =	vmov s13;
	_ =	swait.ge [sflag:s9], $0x4000  }
0xc9: {  	[sflag:s9] =	ssyncset.done $0x0  }
0xca: {  	s14 =	simm.s32 $0x0;
	[sflag:s9] =	ssyncadd.s32 $0xFFFFC000  }
0xcb: {  	v5 =	vld.idx.msk [tilespmem:v54+s14+$0x0 ss:$0x1], $0xffff  }
0xcc: {  	v20 =	vld.idx.msk [tilespmem:v54+s14+$0xFFFFFFF0 ss:$0x1], $0xffff  }
0xcd: {  	v8 =	vld.idx.msk [tilespmem:v55+s14+$0x30 ss:$0x1], $0xffff  }
0xce: {  	s15 =	sor.u32 $0x240, s12;
	v9 =	vld.idx.msk [tilespmem:v54+s14+$0xFFFFFFD0 ss:$0x1], $0xffff  }
0xcf: {  	v56 =	vmov s15;
	v10 =	vld.idx.msk [tilespmem:v55+s14+$0x10 ss:$0x1], $0xffff  }
0xd0: {  	v11 =	vld.idx.msk [tilespmem:v55+s14+$0x0 ss:$0x1], $0xffff  }
0xd1: {  	v12 =	vld.idx.msk [tilespmem:v54+s14+$0xFFFFFFB0 ss:$0x1], $0xffff  }
0xd2: {  	v13 =	vld.idx.msk [tilespmem:v54+s14+$0xFFFFFF90 ss:$0x1], $0xffff  }
0xd3: {  	v14 =	vld.idx.msk [tilespmem:v54+s14+$0xFFFFFFC0 ss:$0x1], $0xffff  }
0xd4: {  	v15 =	vld.idx.msk [tilespmem:v56+s14+$0x0 ss:$0x1], $0xffff  }
0xd5: {  	v17 =	vld.idx.msk [tilespmem:v55+s14+$0xFFFFFFC0 ss:$0x1], $0xffff  }
0xd6: {  	v22 =	vld.idx.msk [tilespmem:v55+s14+$0xFFFFFFD0 ss:$0x1], $0xffff;
	v18 =	vsub.f32 v5, v0  }
0xd7: {  	v25 =	vld.idx.msk [tilespmem:v55+s14+$0xFFFFFFE0 ss:$0x1], $0xffff;
	v33 =	vsub.f32 v20, v51;
	v21 =	vsub.f32 v8, v45  }
0xd8: {  	v16 =	vld.idx.msk [tilespmem:v56+s14+$0x20 ss:$0x1], $0xffff;
	v23 =	vsub.f32 v11, v42;
	v24 =	vsub.f32 v13, v46  }
0xd9: {  	v19 =	vld.idx.msk [tilespmem:v56+s14+$0xFFFFFFF0 ss:$0x1], $0xffff;
	v26 =	vsub.f32 v12, v47;
	v57 =	vsub.f32 v10, v43  }
0xda: {  	v27 =	vld.idx.msk [tilespmem:v56+s14+$0xFFFFFFC0 ss:$0x1], $0xffff;
	v58 =	vsub.f32 v15, v4;
	v59 =	vsub.f32 v14, v49  }
0xdb: {  	v60 =	vld.idx.msk [tilespmem:v54+s14+$0xFFFFFFA0 ss:$0x1], $0xffff;
	v63 =	vsub.f32 v22, v38;
	v52 =	vsub.f32 v17, v37  }
0xdc: {  	v7 =	vld.idx.msk [tilespmem:v54+s14+$0xFFFFFFE0 ss:$0x1], $0xffff;
	v28 =	vsub.f32 v25, v39;
	v53 =	vmul.f32 v18, v5;
	v5 =	vsub.f32 v9, v50  }
0xdd: {  	v61 =	vld.idx.msk [tilespmem:v55+s14+$0xFFFFFFF0 ss:$0x1], $0xffff;
	v13 =	vmul.f32 v24, v13;
	v11 =	vmul.f32 v23, v11;
	v23 =	vsub.f32 v16, v36  }
0xde: {  	v10 =	vmul.f32 v57, v10;
	v57 =	vsub.f32 v19, v34;
	v14 =	vmul.f32 v59, v14  }
0xdf: {  	v12 =	vmul.f32 v26, v12;
	v26 =	vsub.f32 v27, v1;
	v22 =	vmul.f32 v63, v22  }
0xe0: {  	v24 =	vld.idx.msk [tilespmem:v56+s14+$0xFFFFFFE0 ss:$0x1], $0xffff;
	v17 =	vmul.f32 v52, v17;
	v52 =	vsub.f32 v60, v48;
	v28 =	vmul.f32 v28, v25  }
0xe1: {  	s23 =	simm.s32 $0x80;
	v63 =	vld.idx.msk [tilespmem:v56+s14+$0xFFFFFFD0 ss:$0x1], $0xffff;
	v15 =	vmul.f32 v58, v15;
	v6 =	vmul.f32 v5, v9;
	v9 =	vsub.f32 v7, v32  }
0xe2: {  	v58 =	vld.idx.msk [tilespmem:v54+s23+$0xFFFFFFB0 ss:$0x1], $0xffff;
	v13 =	vadd.f32 $0.0e+00, v13;
	v26 =	vmul.f32 v26, v27;
	v5 =	vsub.f32 v61, v41  }
0xe3: {  	v62 =	vld.idx.msk [tilespmem:v56+s14+$0x10 ss:$0x1], $0xffff;
	v22 =	vadd.f32 $0.0e+00, v22;
	v17 =	vadd.f32 $0.0e+00, v17;
	v59 =	vmul.f32 v52, v60  }
0xe4: {  	v25 =	vld.idx.msk [tilespmem:v54+s23+$0xFFFFFFE0 ss:$0x1], $0xffff;
	v12 =	vadd.f32 v12, v13;
	v26 =	vadd.f32 $0.0e+00, v26  }
0xe5: {  	v27 =	vld.idx.msk [tilespmem:v55+s14+$0x20 ss:$0x1], $0xffff;
	v16 =	vmul.f32 v23, v16;
	v17 =	vadd.f32 v28, v17;
	v23 =	vadd.f32 $0.0e+00, v59  }
0xe6: {  	v61 =	vmul.f32 v5, v61;
	v13 =	vsub.f32 v24, v3;
	v5 =	vsub.f32 v63, v2  }
0xe7: {  	v19 =	vmul.f32 v57, v19;
	v57 =	vsub.f32 v58, v47;
	v18 =	vadd.f32 v6, v12  }
0xe8: {  	v7 =	vmul.f32 v9, v7;
	v9 =	vld.idx.msk [tilespmem:v56+s23+$0x0 ss:$0x1], $0xffff;
	v12 =	vsub.f32 v62, v35;
	v22 =	vadd.f32 v61, v22  }
0xe9: {  	v6 =	vld.idx.msk [tilespmem:v54+s23+$0x0 ss:$0x1], $0xffff;
	v14 =	vadd.f32 v14, v23;
	v11 =	vadd.f32 v11, v17;
	v13 =	vmul.f32 v13, v24  }
0xea: {  	v28 =	vld.idx.msk [tilespmem:v55+s23+$0x30 ss:$0x1], $0xffff;
	v60 =	vsub.f32 v27, v44;
	v5 =	vmul.f32 v5, v63;
	v63 =	vsub.f32 v25, v32  }
0xeb: {  	v8 =	vmul.f32 v21, v8;
	v61 =	vld.idx.msk [tilespmem:v54+s23+$0xFFFFFFD0 ss:$0x1], $0xffff;
	v10 =	vadd.f32 v10, v22;
	v7 =	vadd.f32 v7, v14  }
0xec: {  	v23 =	vld.idx.msk [tilespmem:v55+s23+$0x0 ss:$0x1], $0xffff;
	v13 =	vadd.f32 v13, v26;
	v5 =	vadd.f32 $0.0e+00, v5  }
0xed: {  	v21 =	vld.idx.msk [tilespmem:v54+s23+$0xFFFFFFC0 ss:$0x1], $0xffff;
	v17 =	vmul.f32 v60, v27;
	v60 =	vsub.f32 v9, v4;
	v8 =	vadd.f32 v8, v10  }
0xee: {  	v24 =	vld.idx.msk [tilespmem:v56+s14+$0x30 ss:$0x1], $0xffff;
	v7 =	vadd.f32 v53, v7;
	v52 =	vsub.f32 v6, v0  }
0xef: {  	v26 =	vld.idx.msk [tilespmem:v54+s23+$0xFFFFFFF0 ss:$0x1], $0xffff;
	v5 =	vadd.f32 v19, v5;
	v13 =	vadd.f32 v15, v13  }
0xf0: {  	v22 =	vld.idx.msk [tilespmem:v55+s23+$0x10 ss:$0x1], $0xffff;
	v12 =	vmul.f32 v12, v62;
	v15 =	vsub.f32 v28, v45;
	v11 =	vadd.f32 v17, v11  }
0xf1: {  	v19 =	vld.idx.msk [tilespmem:v54+s23+$0xFFFFFF90 ss:$0x1], $0xffff;
	v10 =	vsub.f32 v23, v42;
	v14 =	vsub.f32 v61, v50  }
0xf2: {  	v57 =	vmul.f32 v57, v58;
	v5 =	vadd.f32 v12, v5;
	v12 =	vadd.f32 v16, v13;
	v16 =	vld.idx.msk [tilespmem:v56+s23+$0x20 ss:$0x1], $0xffff  }
0xf3: {  	v59 =	vsub.f32 v24, v40;
	v13 =	vmul.f32 v33, v20;
	v20 =	vld.idx.msk [tilespmem:v55+s23+$0xFFFFFFC0 ss:$0x1], $0xffff;
	v52 =	vmul.f32 v52, v6  }
0xf4: {  	v8 =	vadd.f32 v8, v11;
	v15 =	vmul.f32 v15, v28;
	v28 =	vld.idx.msk [tilespmem:v55+s23+$0xFFFFFFD0 ss:$0x1], $0xffff;
	v27 =	vsub.f32 v26, v51  }
0xf5: {  	v10 =	vmul.f32 v10, v23;
	v23 =	vsub.f32 v21, v49;
	v17 =	vmul.f32 v59, v24;
	v24 =	vld.idx.msk [tilespmem:v56+s23+$0xFFFFFFF0 ss:$0x1], $0xffff  }
0xf6: {  	v59 =	vsub.f32 v22, v43;
	v13 =	vadd.f32 v13, v18;
	v33 =	vmul.f32 v27, v26;
	v27 =	vld.idx.msk [tilespmem:v55+s23+$0xFFFFFFE0 ss:$0x1], $0xffff  }
0xf7: {  	v14 =	vmul.f32 v14, v61;
	v11 =	vsub.f32 v19, v46;
	v6 =	vadd.f32 v17, v5;
	v5 =	vld.idx.msk [tilespmem:v55+s23+$0xFFFFFFF0 ss:$0x1], $0xffff  }
0xf8: {  	v21 =	vmul.f32 v23, v21;
	v17 =	vld.idx.msk [tilespmem:v56+s23+$0xFFFFFFE0 ss:$0x1], $0xffff;
	v7 =	vadd.f32 v7, v13;
	v62 =	vsub.f32 v16, v36  }
0xf9: {  	v11 =	vmul.f32 v11, v19;
	v19 =	vld.idx.msk [tilespmem:v56+s23+$0xFFFFFFC0 ss:$0x1], $0xffff;
	v53 =	vsub.f32 v28, v38;
	v6 =	vadd.f32 v6, v12  }
0xfa: {  	v58 =	vld.idx.msk [tilespmem:v56+s23+$0x10 ss:$0x1], $0xffff;
	v18 =	vmul.f32 v59, v22;
	v13 =	vsub.f32 v20, v37;
	v22 =	vsub.f32 v24, v34  }
0xfb: {  	v61 =	vld.idx.msk [tilespmem:v54+s23+$0xFFFFFFA0 ss:$0x1], $0xffff;
	v11 =	vadd.f32 $0.0e+00, v11;
	v28 =	vmul.f32 v53, v28;
	v6 =	vadd.f32 v8, v6  }
0xfc: {  	v13 =	vmul.f32 v13, v20;
	v23 =	vsub.f32 v27, v39;
	v20 =	vsub.f32 v5, v41  }
0xfd: {  	v16 =	vmul.f32 v62, v16;
	v53 =	vsub.f32 v17, v3;
	v11 =	vadd.f32 v57, v11;
	v57 =	vld.idx.msk [tilespmem:v56+s23+$0xFFFFFFD0 ss:$0x1], $0xffff  }
0xfe: {  	v28 =	vadd.f32 $0.0e+00, v28;
	v12 =	vsub.f32 v19, v1;
	v5 =	vmul.f32 v20, v5;
	v20 =	vld.idx.msk [tilespmem:v56+s23+$0x30 ss:$0x1], $0xffff  }
0xff: {  	v22 =	vmul.f32 v22, v24;
	v6 =	vadd.f32 v7, v6;
	v26 =	vadd.f32 v14, v11;
	v11 =	vld [tilespmem:$0x1FFE0]  }
0x100: {  	v14 =	vsub.f32 v58, v35;
	v8 =	vmul.f32 v12, v19;
	v19 =	vsub.f32 v61, v48  }
0x101: {  	v17 =	vmul.f32 v53, v17;
	v12 =	vld.idx.msk [tilespmem:v55+s23+$0x20 ss:$0x1], $0xffff;
	v5 =	vadd.f32 v5, v28;
	v26 =	vadd.f32 v33, v26  }
0x102: {  	s24 =	simm.s32 $0x100;
	v7 =	vadd.f32 $0.0e+00, v8;
	v8 =	vadd.f32 $0.0e+00, v13;
	v13 =	vmul.f32 v23, v27  }
0x103: {  	v62 =	vld.idx.msk [tilespmem:v56+s24+$0x0 ss:$0x1], $0xffff;
	v27 =	vsub.f32 v57, v2;
	v19 =	vmul.f32 v19, v61;
	v5 =	vadd.f32 v18, v5  }
0x104: {  	v23 =	vld.idx.msk [tilespmem:v54+s24+$0x0 ss:$0x1], $0xffff;
	v53 =	vsub.f32 v20, v40;
	v28 =	vperm.xlane v6, v11;
	v7 =	vadd.f32 v17, v7  }
0x105: {  	v24 =	vld.idx.msk [tilespmem:v54+s24+$0xFFFFFFD0 ss:$0x1], $0xffff;
	v8 =	vadd.f32 v13, v8;
	v27 =	vmul.f32 v27, v57;
	v19 =	vadd.f32 $0.0e+00, v19  }
0x106: {  	v9 =	vmul.f32 v60, v9;
	v13 =	vld.idx.msk [tilespmem:v54+s24+$0xFFFFFFF0 ss:$0x1], $0xffff;
	v5 =	vadd.f32 v15, v5;
	v17 =	vsub.f32 v12, v44  }
0x107: {  	v14 =	vmul.f32 v14, v58;
	v57 =	vld.idx.msk [tilespmem:v54+s24+$0xFFFFFFE0 ss:$0x1], $0xffff;
	v6 =	vadd.f32 v6, v28;
	v27 =	vadd.f32 $0.0e+00, v27  }
0x108: {  	v11 =	vld.idx.msk [tilespmem:v56+s24+$0x20 ss:$0x1], $0xffff;
	v20 =	vmul.f32 v53, v20;
	v19 =	vadd.f32 v21, v19;
	v7 =	vadd.f32 v9, v7  }
0x109: {  	v28 =	vld.idx.msk [tilespmem:v55+s24+$0x30 ss:$0x1], $0xffff;
	v8 =	vadd.f32 v10, v8;
	v9 =	vmul.f32 v63, v25;
	v21 =	vsub.f32 v23, v0  }
0x10a: {  	v10 =	vld.idx.msk [tilespmem:v55+s24+$0x10 ss:$0x1], $0xffff;
	v12 =	vmul.f32 v17, v12;
	v22 =	vadd.f32 v22, v27;
	v53 =	vadd.f32 v16, v7  }
0x10b: {  	v17 =	vld.idx.msk [tilespmem:v55+s24+$0x0 ss:$0x1], $0xffff;
	v18 =	vperm.xlane v6, v30;
	v9 =	vadd.f32 v9, v19;
	v61 =	vsub.f32 v13, v51  }
0x10c: {  	v27 =	vld.idx.msk [tilespmem:v54+s24+$0xFFFFFF90 ss:$0x1], $0xffff;
	v8 =	vadd.f32 v12, v8;
	v60 =	vmul.f32 v21, v23;
	v21 =	vsub.f32 v24, v50  }
0x10d: {  	v19 =	vld.idx.msk [tilespmem:v54+s24+$0xFFFFFFC0 ss:$0x1], $0xffff;
	v6 =	vadd.f32 v6, v18;
	v14 =	vadd.f32 v14, v22  }
0x10e: {  	v16 =	vld.idx.msk [tilespmem:v54+s24+$0xFFFFFFA0 ss:$0x1], $0xffff;
	v7 =	vadd.f32 v52, v9;
	v58 =	vsub.f32 v28, v45  }
0x10f: {  	v18 =	vld.idx.msk [tilespmem:v54+s24+$0xFFFFFFB0 ss:$0x1], $0xffff;
	v9 =	vsub.f32 v57, v32;
	v22 =	vadd.f32 v5, v8  }
0x110: {  	v23 =	vld.idx.msk [tilespmem:v55+s24+$0xFFFFFFC0 ss:$0x1], $0xffff;
	v12 =	vperm.xlane v6, v31;
	v15 =	vsub.f32 v17, v42;
	v59 =	vmul.f32 v58, v28  }
0x111: {  	v5 =	vld.idx.msk [tilespmem:v56+s24+$0xFFFFFFF0 ss:$0x1], $0xffff;
	v8 =	vsub.f32 v27, v46;
	v58 =	vmul.f32 v61, v13;
	v13 =	vsub.f32 v10, v43  }
0x112: {  	v28 =	vld.idx.msk [tilespmem:v55+s24+$0xFFFFFFD0 ss:$0x1], $0xffff;
	v61 =	vadd.f32 v6, v12;
	v63 =	vmul.f32 v15, v17;
	v12 =	vsub.f32 v62, v4  }
0x113: {  	v17 =	vld.idx.msk [tilespmem:v56+s24+$0xFFFFFFC0 ss:$0x1], $0xffff;
	v15 =	vadd.f32 v20, v14;
	v20 =	vmul.f32 v21, v24;
	v21 =	vsub.f32 v19, v49  }
0x114: {  	v6 =	vld.idx.msk [tilespmem:v56+s24+$0xFFFFFFE0 ss:$0x1], $0xffff;
	v25 =	vsub.f32 v18, v47;
	v8 =	vmul.f32 v8, v27;
	v27 =	vsub.f32 v11, v36  }
0x115: {  	v14 =	vld.idx.msk [tilespmem:v55+s24+$0xFFFFFFE0 ss:$0x1], $0xffff;
	v10 =	vmul.f32 v13, v10;
	v13 =	vmul.f32 v21, v19;
	v21 =	vadd.f32 v15, v53  }
0x116: {  	v4 =	vadd.f32 v7, v26;
	v26 =	vld.idx.msk [tilespmem:v55+s24+$0xFFFFFFF0 ss:$0x1], $0xffff;
	v24 =	vadd.f32 $0.0e+00, v8;
	v18 =	vmul.f32 v25, v18  }
0x117: {  	v8 =	vld [tilespmem:$0x1FFF0];
	v11 =	vmul.f32 v27, v11;
	v19 =	vsub.f32 v28, v38;
	v27 =	vadd.f32 v22, v21  }
0x118: {  	v33 =	vmovc v40;
	v40 =	vmov v3;
	v7 =	vld.idx.msk [tilespmem:v56+s24+$0x10 ss:$0x1], $0xffff;
	v18 =	vadd.f32 v18, v24;
	v24 =	vsub.f32 v23, v37  }
0x119: {  	v52 =	vmovc v34;
	v22 =	vsub.f32 v6, v3;
	v28 =	vmul.f32 v19, v28;
	v19 =	vsub.f32 v17, v1  }
0x11a: {  	v15 =	vsub.f32 v5, v34;
	v34 =	vmovc v1;
	v21 =	vsub.f32 v14, v39;
	v24 =	vmul.f32 v24, v23  }
0x11b: {  	v53 =	vmovc v0;
	v22 =	vmul.f32 v22, v6;
	v25 =	vmul.f32 v19, v17;
	v19 =	vsub.f32 v16, v48  }
0x11c: {  	p6 =	sge.s32 s2, s31;
	s9 =	sadd.s32 $0x1, s2;
	v6 =	vadd.f32 v20, v18;
	v18 =	vsub.f32 v26, v41;
	v20 =	vld.idx.msk [tilespmem:v56+s24+$0xFFFFFFD0 ss:$0x1], $0xffff;
	v8 =	vperm.xlane v61, v8  }
0x11d: {  	p1 =	por p6, p6;
	p3 =	sge.s32 s9, s31;
	v17 =	vld.idx.msk [tilespmem:v55+s24+$0x20 ss:$0x1], $0xffff;
	v23 =	vmul.f32 v19, v16;
	v19 =	vadd.f32 v4, v27;
	v16 =	vsub.f32 v7, v35  }
0x11e: {  	s11 =	simm.s32 $0x600;
	p2 =	por p1, p1;
	p1 =	por p3, p3;
	v27 =	vmul.f32 v18, v26;
	v18 =	vld.idx.msk [tilespmem:v56+s24+$0x30 ss:$0x1], $0xffff;
	v26 =	vadd.f32 $0.0e+00, v28;
	v25 =	vadd.f32 $0.0e+00, v25;
	v4 =	vmovc v44;
	v44 =	vmovc v35  }
.LBB2_5:
0x11f: {  	_ = 	snop  }
0x120: {  	s12 =	sshra.s32 s11, $0x2;
	s13 =	smov.u32 s11;
	v24 =	vadd.f32 $0.0e+00, v24;
	v14 =	vmul.f32 v21, v14;
	v26 =	vadd.f32 v27, v26  }
0x121: {  	p3 =	seq.s32 s11, $0xFE00;
	v1 =	vld [tilespmem:$0x1FFE0];
	s13 =	sadd.s32 $0x200, s11;
	v22 =	vadd.f32 v22, v25;
	v8 =	vadd.f32 v61, v8;
	s11 =	simm.f32 $3.000000010e+38  }
0x122: {  	v12 =	vmul.f32 v12, v62;
	v3 =	vld [tilespmem:$0x1FE30];
	v6 =	vadd.f32 v58, v6;
	s11 =	simm.s32 @!p2 $0x0;
	v14 =	vadd.f32 v14, v24  }
0x123: {  	v25 =	vld.idx.msk [tilespmem:v54+s12+$0xFFFFFFD0 ss:$0x1], $0xffff;
	v10 =	vadd.f32 v10, v26;
	v8 =	vadd.f32 s11, v8  }
0x124: {  	v62 =	vld.idx.msk [tilespmem:v56+s12+$0x0 ss:$0x1], $0xffff;
	v12 =	vadd.f32 v12, v22;
	v21 =	vsub.f32 v17, v4  }
0x125: {  	v28 =	vld.idx.msk [tilespmem:v54+s12+$0x0 ss:$0x1], $0xffff;
	v0 =	vsub.f32 v20, v2;
	v14 =	vadd.f32 v63, v14  }
0x126: {  	v24 =	vld.idx.msk [tilespmem:v54+s12+$0xFFFFFFF0 ss:$0x1], $0xffff;
	v27 =	vperm.xlane v19, v1;
	v11 =	vadd.f32 v11, v12;
	v10 =	vadd.f32 v59, v10  }
0x127: {  	v29 =	vmin.f32 v29, v8;
	v17 =	vmul.f32 v21, v17;
	v21 =	vadd.f32 $0.0e+00, v23  }
0x128: {  	v1 =	vld.idx.msk [tilespmem:v54+s12+$0xFFFFFFE0 ss:$0x1], $0xffff;
	v0 =	vmul.f32 v0, v20;
	v20 =	vsub.f32 v18, v33;
	v8 =	vsub.f32 v25, v50  }
0x129: {  	v5 =	vmul.f32 v15, v5;
	v23 =	vld.idx.msk [tilespmem:v55+s12+$0x30 ss:$0x1], $0xffff;
	v12 =	vsub.f32 v62, v3;
	v19 =	vadd.f32 v19, v27  }
0x12a: {  	v9 =	vmul.f32 v9, v57;
	v26 =	vld.idx.msk [tilespmem:v55+s12+$0x10 ss:$0x1], $0xffff;
	v27 =	vsub.f32 v28, v53;
	v0 =	vadd.f32 $0.0e+00, v0  }
0x12b: {  	v13 =	vadd.f32 v13, v21;
	v21 =	vld.idx.msk [tilespmem:v55+s12+$0x0 ss:$0x1], $0xffff;
	v18 =	vmul.f32 v20, v18;
	v20 =	vsub.f32 v24, v51  }
0x12c: {  	v14 =	vadd.f32 v17, v14;
	v15 =	vperm.xlane v19, v30;
	v27 =	vmul.f32 v27, v28;
	v28 =	vld.idx.msk [tilespmem:v56+s12+$0x20 ss:$0x1], $0xffff  }
0x12d: {  	v57 =	vmov v1;
	v1 =	vld.idx.msk [tilespmem:v54+s12+$0xFFFFFF90 ss:$0x1], $0xffff;
	v0 =	vadd.f32 v5, v0;
	v5 =	vmul.f32 v16, v7  }
0x12e: {  	v17 =	vld.idx.msk [tilespmem:v55+s12+$0xFFFFFFD0 ss:$0x1], $0xffff;
	v9 =	vadd.f32 v9, v13;
	v7 =	vsub.f32 v23, v45  }
0x12f: {  	v13 =	vmul.f32 v20, v24;
	v15 =	vadd.f32 v19, v15;
	v19 =	vld.idx.msk [tilespmem:v54+s12+$0xFFFFFFB0 ss:$0x1], $0xffff;
	v0 =	vadd.f32 v5, v0  }
0x130: {  	v30 =	vld.idx.msk [tilespmem:v54+s12+$0xFFFFFFA0 ss:$0x1], $0xffff;
	v24 =	vadd.f32 v10, v14;
	v59 =	vmul.f32 v7, v23;
	v7 =	vsub.f32 v21, v42  }
0x131: {  	v16 =	vld.idx.msk [tilespmem:v54+s12+$0xFFFFFFC0 ss:$0x1], $0xffff;
	v22 =	vperm.xlane v15, v31;
	v3 =	vsub.f32 v28, v36;
	v0 =	vadd.f32 v18, v0  }
0x132: {  	v5 =	vld.idx.msk [tilespmem:v56+s12+$0xFFFFFFF0 ss:$0x1], $0xffff;
	v63 =	vmul.f32 v7, v21;
	v10 =	vsub.f32 v1, v46;
	v21 =	vsub.f32 v26, v43  }
0x133: {  	v35 =	vmov v2;
	v2 =	vld.idx.msk [tilespmem:v56+s12+$0xFFFFFFC0 ss:$0x1], $0xffff;
	v61 =	vadd.f32 v15, v22;
	v22 =	vadd.f32 v60, v9  }
0x134: {  	v14 =	vld.idx.msk [tilespmem:v55+s12+$0xFFFFFFE0 ss:$0x1], $0xffff;
	v9 =	vsub.f32 v57, v32;
	v20 =	vsub.f32 v19, v47  }
0x135: {  	v23 =	vld.idx.msk [tilespmem:v55+s12+$0xFFFFFFC0 ss:$0x1], $0xffff;
	v0 =	vadd.f32 v0, v11;
	v11 =	vmul.f32 v3, v28;
	v3 =	vsub.f32 v30, v48  }
0x136: {  	v18 =	vld.idx.msk [tilespmem:v56+s12+$0xFFFFFFE0 ss:$0x1], $0xffff;
	v1 =	vmul.f32 v10, v1;
	v10 =	vmul.f32 v21, v26;
	v21 =	vsub.f32 v16, v49  }
0x137: {  	v25 =	vmul.f32 v8, v25;
	v7 =	vld.idx.msk [tilespmem:v56+s12+$0x10 ss:$0x1], $0xffff;
	v15 =	vsub.f32 v5, v52;
	v26 =	vsub.f32 v17, v38  }
0x138: {  	v60 =	vmov v27;
	v27 =	vld.idx.msk [tilespmem:v55+s12+$0xFFFFFFF0 ss:$0x1], $0xffff;
	v31 =	vadd.f32 v22, v6;
	v6 =	vsub.f32 v2, v34  }
0x139: {  	v8 =	vld [tilespmem:$0x1FFF0];
	v19 =	vmul.f32 v20, v19;
	v0 =	vadd.f32 v24, v0;
	v1 =	vadd.f32 $0.0e+00, v1  }
0x13a: {  	v58 =	vmovc v13;
	v13 =	vmul.f32 v21, v16;
	v16 =	vsub.f32 v23, v37;
	v21 =	vsub.f32 v14, v39  }
.Ltmp3:
0x13b: {  	v20 =	vld.idx.msk [tilespmem:v56+s12+$0xFFFFFFD0 ss:$0x1], $0xffff;
	v26 =	vmul.f32 v26, v17;
	v1 =	vadd.f32 v19, v1;
	v19 =	vsub.f32 v18, v40;
	(pc) =	sbr.rel @!p3 .LBB2_5-.Ltmp3, $4  }
0x13c: {  	v17 =	vld.idx.msk [tilespmem:v55+s12+$0x20 ss:$0x1], $0xffff;
	v28 =	vmul.f32 v6, v2;
	v24 =	vmul.f32 v16, v23;
	v16 =	vsub.f32 v7, v44  }
0x13d: {  	s9 =	sadd.s32 $0x1, s9;
	v23 =	vmul.f32 v3, v30;
	v30 =	vld [tilespmem:$0x1FFC0];
	v22 =	vmul.f32 v19, v18;
	v19 =	vsub.f32 v27, v41  }
0x13e: {  	p4 =	sge.s32 s9, s31;
	v8 =	vperm.xlane v61, v8;
	v26 =	vadd.f32 $0.0e+00, v26;
	v6 =	vadd.f32 v25, v1;
	v18 =	vld.idx.msk [tilespmem:v56+s12+$0x30 ss:$0x1], $0xffff  }
0x13f: {  	p2 =	por p1, p1;
	p1 =	por p4, p4;
	s11 =	smov.u32 s13;
	v2 =	vmovc v35;
	v25 =	vadd.f32 $0.0e+00, v28;
	v27 =	vmul.f32 v19, v27;
	v19 =	vadd.f32 v31, v0;
	v31 =	vld [tilespmem:$0x1FFD0]  }
0x140: {  	v0 =	vsub.f32 v20, v2  }
0x141: {  	v1 =	vadd.f32 $0.0e+00, v24;
	v55 =	vmul.f32 v21, v14  }
0x142: {  	v3 =	vsub.f32 v17, v4;
	v24 =	vadd.f32 v27, v26;
	v0 =	vmul.f32 v0, v20  }
0x143: {  	v12 =	vmul.f32 v12, v62;
	v25 =	vadd.f32 v22, v25;
	v26 =	vadd.f32 $0.0e+00, v23  }
0x144: {  	v5 =	vmul.f32 v15, v5;
	v1 =	vadd.f32 v55, v1;
	v0 =	vadd.f32 $0.0e+00, v0  }
0x145: {  	v3 =	vmul.f32 v3, v17;
	v54 =	vsub.f32 v18, v33;
	v10 =	vadd.f32 v10, v24  }
0x146: {  	v1 =	vadd.f32 v63, v1;
	v0 =	vadd.f32 v5, v0;
	v5 =	vmul.f32 v16, v7  }
0x147: {  	v2 =	vadd.f32 v13, v26;
	v55 =	vadd.f32 v12, v25;
	v7 =	vmul.f32 v9, v57  }
0x148: {  	v57 =	vmul.f32 v54, v18;
	v1 =	vadd.f32 v3, v1;
	v0 =	vadd.f32 v5, v0  }
0x149: {  	v3 =	vadd.f32 v59, v10;
	v2 =	vadd.f32 v7, v2  }
0x14a: {  	v5 =	vadd.f32 v11, v55;
	v0 =	vadd.f32 v57, v0  }
0x14b: {  	v1 =	vadd.f32 v3, v1;
	v3 =	vadd.f32 v58, v6  }
0x14c: {  	v59 =	vld [tilespmem:$0x1FFE0];
	v2 =	vadd.f32 v60, v2;
	v0 =	vadd.f32 v0, v5;
	_ =	sdelay $0x1  }
0x14d: {  	v2 =	vadd.f32 v2, v3;
	v0 =	vadd.f32 v1, v0;
	_ =	sdelay $0x1  }
0x14e: {  	v0 =	vadd.f32 v2, v0  }
0x14f: {  	v60 =	vperm.xlane v19, v59  }
0x150: {  	v2 =	vperm.xlane v0, v59  }
0x151: {  	v1 =	vadd.f32 v19, v60  }
0x152: {  	v0 =	vadd.f32 v0, v2  }
0x153: {  	v62 =	vperm.xlane v1, v30  }
0x154: {  	v3 =	vperm.xlane v0, v30  }
0x155: {  	v1 =	vadd.f32 v1, v62  }
0x156: {  	v5 =	vld [tilespmem:$0x1FFF0];
	v0 =	vadd.f32 v0, v3  }
0x157: {  	v2 =	vperm.xlane v1, v31  }
0x158: {  	v3 =	vperm.xlane v0, v31  }
0x159: {  	v1 =	vadd.f32 v1, v2  }
0x15a: {  	v0 =	vadd.f32 v0, v3  }
0x15b: {  	s9 =	sadd.s32 $0x1, s9;
	v2 =	vperm.xlane v1, v5  }
0x15c: {  	s11 =	simm.f32 $3.000000010e+38;
	p1 =	por p1, p1;
	p3 =	sge.s32 s9, s31;
	v3 =	vadd.f32 v61, v8;
	v5 =	vperm.xlane v0, v5  }
0x15d: {  	s11 =	simm.s32 @!p2 $0x0;
	s9 =	simm.f32 $3.000000010e+38;
	p6 =	por p3, p3;
	v1 =	vadd.f32 v1, v2  }
0x15e: {  	s9 =	simm.s32 @!p1 $0x0;
	p1 =	por p6, p6;
	v63 =	vadd.f32 s11, v3;
	s11 =	simm.f32 $3.000000010e+38;
	v0 =	vadd.f32 v0, v5  }
0x15f: {  	v1 =	vadd.f32 s9, v1;
	s11 =	simm.s32 @!p1 $0x0  }
0x160: {  	v2 =	vmin.f32 v29, v63;
	v0 =	vadd.f32 s11, v0  }
0x161: {  	v1 =	vmin.f32 v2, v1  }
0x162: {  	v56 =	vld [tilespmem:$0x1FE30];
	v29 =	vmin.f32 v1, v0  }
0x163: {  	p1 =	seq.s32 s0, s1  }
.Ltmp4:
0x164: {  	_ = 	snop;
	(pc) =	sbr.rel @!p1 .LBB2_4-.Ltmp4, $4  }
0x165: {  	_ = 	snop  }
0x166: {  	v55 =	vmovc v39;
	v28 =	vmovc v36;
	v62 =	vmov v44;
	v63 =	vmov v40;
	v40 =	vmov v33  }
0x167: {  	v44 =	vmovc v4;
	v1 =	vmovc v34;
	v2 =	vmov v35;
	v34 =	vmov v52;
	v0 =	vmov v53  }
0x168: {  	s2 =	sadd.s32 $0x80, s2;
	p0 =	por !p0, !p0;
	v3 =	vmovc v63;
	v35 =	vmovc v62;
	v36 =	vmov v28;
	v39 =	vmov v55;
	v4 =	vmov v56  }
.LBB2_7:
0x169: {  	v0 =	vld [tilespmem:$0x1FE40]  }
0x16a: {  	v1 =	vld [tilespmem:$0x1FE50];
	_ =	sdelay $0x4  }
0x16b: {  	v0 =	vmul.f32 v0, v0;
	v1 =	vmul.f32 v1, v1;
	_ =	sdelay $0x1  }
0x16c: {  	v0 =	vadd.f32 v1, v0;
	v1 =	vld [tilespmem:$0x1FE60];
	_ =	sdelay $0x4  }
0x16d: {  	v1 =	vmul.f32 v1, v1;
	_ =	sdelay $0x1  }
0x16e: {  	v0 =	vadd.f32 v1, v0;
	v1 =	vld [tilespmem:$0x1FE70];
	_ =	sdelay $0x4  }
0x16f: {  	v1 =	vmul.f32 v1, v1;
	_ =	sdelay $0x1  }
0x170: {  	v0 =	vadd.f32 v1, v0;
	v1 =	vld [tilespmem:$0x1FE80];
	_ =	sdelay $0x4  }
0x171: {  	v1 =	vmul.f32 v1, v1;
	_ =	sdelay $0x1  }
0x172: {  	v0 =	vadd.f32 v1, v0;
	v1 =	vld [tilespmem:$0x1FE90];
	_ =	sdelay $0x4  }
0x173: {  	v1 =	vmul.f32 v1, v1;
	_ =	sdelay $0x1  }
0x174: {  	v0 =	vadd.f32 v1, v0;
	v1 =	vld [tilespmem:$0x1FEA0];
	_ =	sdelay $0x4  }
0x175: {  	v1 =	vmul.f32 v1, v1;
	_ =	sdelay $0x1  }
0x176: {  	v0 =	vadd.f32 v1, v0;
	v1 =	vld [tilespmem:$0x1FEB0];
	_ =	sdelay $0x4  }
0x177: {  	v1 =	vmul.f32 v1, v1;
	_ =	sdelay $0x1  }
0x178: {  	v0 =	vadd.f32 v1, v0;
	v1 =	vld [tilespmem:$0x1FEC0];
	_ =	sdelay $0x4  }
0x179: {  	v1 =	vmul.f32 v1, v1;
	_ =	sdelay $0x1  }
0x17a: {  	v0 =	vadd.f32 v1, v0;
	v1 =	vld [tilespmem:$0x1FED0];
	_ =	sdelay $0x4  }
0x17b: {  	v1 =	vmul.f32 v1, v1;
	_ =	sdelay $0x1  }
0x17c: {  	v0 =	vadd.f32 v1, v0;
	v1 =	vld [tilespmem:$0x1FEE0];
	_ =	sdelay $0x4  }
0x17d: {  	v1 =	vmul.f32 v1, v1;
	_ =	sdelay $0x1  }
0x17e: {  	v0 =	vadd.f32 v1, v0;
	v1 =	vld [tilespmem:$0x1FEF0];
	_ =	sdelay $0x4  }
0x17f: {  	v1 =	vmul.f32 v1, v1;
	_ =	sdelay $0x1  }
0x180: {  	v0 =	vadd.f32 v1, v0;
	v1 =	vld [tilespmem:$0x1FF00];
	_ =	sdelay $0x4  }
0x181: {  	v1 =	vmul.f32 v1, v1;
	_ =	sdelay $0x1  }
0x182: {  	v0 =	vadd.f32 v1, v0;
	v1 =	vld [tilespmem:$0x1FF10];
	_ =	sdelay $0x4  }
0x183: {  	v1 =	vmul.f32 v1, v1;
	_ =	sdelay $0x1  }
0x184: {  	v0 =	vadd.f32 v1, v0;
	v1 =	vld [tilespmem:$0x1FF20];
	_ =	sdelay $0x4  }
0x185: {  	v1 =	vmul.f32 v1, v1;
	_ =	sdelay $0x1  }
0x186: {  	v0 =	vadd.f32 v1, v0;
	v1 =	vld [tilespmem:$0x1FF30];
	_ =	sdelay $0x4  }
0x187: {  	v1 =	vmul.f32 v1, v1;
	_ =	sdelay $0x1  }
0x188: {  	v0 =	vadd.f32 v1, v0;
	v1 =	vld [tilespmem:$0x1FF40];
	_ =	sdelay $0x4  }
0x189: {  	v1 =	vmul.f32 v1, v1;
	_ =	sdelay $0x1  }
0x18a: {  	v0 =	vadd.f32 v1, v0;
	v1 =	vld [tilespmem:$0x1FF50];
	_ =	sdelay $0x4  }
0x18b: {  	v1 =	vmul.f32 v1, v1;
	_ =	sdelay $0x1  }
0x18c: {  	v0 =	vadd.f32 v1, v0;
	v1 =	vld [tilespmem:$0x1FF60];
	_ =	sdelay $0x4  }
0x18d: {  	v1 =	vmul.f32 v1, v1;
	_ =	sdelay $0x1  }
0x18e: {  	v0 =	vadd.f32 v1, v0;
	v1 =	vld [tilespmem:$0x1FF70];
	_ =	sdelay $0x4  }
0x18f: {  	v1 =	vmul.f32 v1, v1;
	_ =	sdelay $0x1  }
0x190: {  	v0 =	vadd.f32 v1, v0;
	v1 =	vld [tilespmem:$0x1FF80];
	_ =	sdelay $0x4  }
0x191: {  	v1 =	vmul.f32 v1, v1;
	_ =	sdelay $0x1  }
0x192: {  	v0 =	vadd.f32 v1, v0;
	v1 =	vld [tilespmem:$0x1FF90];
	_ =	sdelay $0x4  }
0x193: {  	v1 =	vmul.f32 v1, v1;
	_ =	sdelay $0x1  }
0x194: {  	v0 =	vadd.f32 v1, v0;
	v1 =	vld [tilespmem:$0x1FFA0];
	_ =	sdelay $0x4  }
0x195: {  	v1 =	vmul.f32 v1, v1;
	_ =	sdelay $0x1  }
0x196: {  	v0 =	vadd.f32 v1, v0;
	v1 =	vld [tilespmem:$0x1FFB0];
	_ =	sdelay $0x3  }
0x197: {  	v28 =	vld [tilespmem:$0x1FFE0]  }
0x198: {  	v1 =	vmul.f32 v1, v1;
	_ =	sdelay $0x1  }
0x199: {  	v0 =	vadd.f32 v1, v0;
	_ =	sdelay $0x1  }
0x19a: {  	v1 =	vperm.xlane v0, v28;
	_ =	sdelay $0x1  }
0x19b: {  	v0 =	vadd.f32 v0, v1;
	_ =	sdelay $0x1  }
0x19c: {  	v1 =	vperm.xlane v0, v30;
	_ =	sdelay $0x1  }
0x19d: {  	v0 =	vadd.f32 v0, v1;
	_ =	sdelay $0x1  }
0x19e: {  	v1 =	vperm.xlane v0, v31;
	_ =	sdelay $0x1  }
0x19f: {  	v0 =	vadd.f32 v0, v1;
	v1 =	vld [tilespmem:$0x1FFF0];
	_ =	sdelay $0x4  }
0x1a0: {  	v1 =	vperm.xlane v0, v1;
	_ =	sdelay $0x1  }
0x1a1: {  	v0 =	vadd.f32 v0, v1;
	_ =	sdelay $0x1  }
0x1a2: {  	v0 =	vadd.f32 v29, v0;
	_ =	sdelay $0x1  }
0x1a3: {  	v0 =	vmul.f32 $-5.000000000e-01, v0;
	_ =	sdelay $0x1  }
0x1a4: {  	v0 =	vmul.f32 $1.442695020e+00, v0;
	_ =	sdelay $0x1  }
0x1a5: {  	(erf) = vpow2.f32 v0;
	_ =	sdelay $0x8  }
0x1a6: {  	v0 =	vpop (erf)  }
0x1a7: {  	s31 =	simm.s32 $0x0;
	s0 =	rddreg [dreg:$0xa];
	[tilespmem:$0x18200] =	vst v0  }
0x1a8: {  	[hbm4b:s0+s31] =	stream.linear.scatter [tilespmem:s29], [sflag:$0x7], $0x80, $0x38;
	[tilespmem:$0x18280] =	vst v63  }
0x1a9: {  	_ =	swait.ge [sflag:s22], $0x80  }
0x1aa: {  	s1 =	simm.s32 $0x400;
	[sflag:s22] =	ssyncset.done $0x0  }
0x1ab: {  	s2 =	simm.s32 $0x80;
	s14 =	rddreg [dreg:$0xb];
	[sflag:s22] =	ssyncadd.s32 $0xFFFFFF80  }
0x1ac: {  	[tilespmem:s2], [sflag:$0x7] =	stream.strided.gather [hbm4b:s14+s2], $0x180, s1, s2, $0x38;
	[tilespmem:$0x18280] =	vst v63  }
0x1ad: {  	_ =	swait.ge [sflag:s22], $0x180  }
0x1ae: {  	[sflag:s22] =	ssyncset.done $0x0  }
0x1af: {  	[sflag:s22] =	ssyncadd.s32 $0xFFFFFE80  }
0x1b0: {  	v0 =	vld [tilespmem:s8+$0x0]  }
0x1b1: {  	v23 =	vld [tilespmem:$0x80]  }
0x1b2: {  	v24 =	vld [tilespmem:$0x90]  }
0x1b3: {  	v21 =	vld [tilespmem:$0xA0]  }
0x1b4: {  	v22 =	vld [tilespmem:$0xB0]  }
0x1b5: {  	v20 =	vld [tilespmem:$0xC0]  }
0x1b6: {  	v19 =	vld [tilespmem:$0xD0]  }
0x1b7: {  	v18 =	vld [tilespmem:$0xE0]  }
0x1b8: {  	v17 =	vld [tilespmem:$0xF0]  }
0x1b9: {  	v16 =	vld [tilespmem:$0x100]  }
0x1ba: {  	v15 =	vld [tilespmem:$0x110]  }
0x1bb: {  	v14 =	vld [tilespmem:$0x120]  }
0x1bc: {  	v13 =	vld [tilespmem:$0x130]  }
0x1bd: {  	v11 =	vld [tilespmem:$0x140]  }
0x1be: {  	v10 =	vld [tilespmem:$0x150]  }
0x1bf: {  	v8 =	vld [tilespmem:$0x160]  }
0x1c0: {  	v6 =	vld [tilespmem:$0x170]  }
0x1c1: {  	v5 =	vld [tilespmem:$0x180]  }
0x1c2: {  	v1 =	vld [tilespmem:$0x1A0]  }
0x1c3: {  	v2 =	vld [tilespmem:$0x1B0]  }
0x1c4: {  	v3 =	vld [tilespmem:$0x1C0]  }
0x1c5: {  	v7 =	vld [tilespmem:$0x1D0]  }
0x1c6: {  	v9 =	vld [tilespmem:$0x1E0];
	(v2sf) =	vpush v0, $0x0  }
0x1c7: {  	v12 =	vld [tilespmem:$0x1F0]  }
0x1c8: {  	v0 =	vld [tilespmem:$0x190];
	[tilespmem:s25], [sflag:$0x1] =	stream.linear.gather [hbm4b:s17+s31], $0x4000, $0x38  }
0x1c9: {  	[tilespmem:$0x1FCC0] =	vst v1  }
0x1ca: {  	[tilespmem:$0x1FCD0] =	vst v2  }
0x1cb: {  	[tilespmem:$0x1FCE0] =	vst v3  }
0x1cc: {  	[tilespmem:$0x1FCF0] =	vst v5  }
0x1cd: {  	[tilespmem:$0x1FD00] =	vst v6  }
0x1ce: {  	[tilespmem:$0x1FD10] =	vst v7  }
0x1cf: {  	[tilespmem:$0x1FD20] =	vst v8  }
0x1d0: {  	[tilespmem:$0x1FD30] =	vst v9  }
0x1d1: {  	[tilespmem:$0x1FD40] =	vst v10  }
0x1d2: {  	[tilespmem:$0x1FD50] =	vst v11  }
0x1d3: {  	[tilespmem:$0x1FD60] =	vst v12  }
0x1d4: {  	[tilespmem:$0x1FD70] =	vst v13  }
0x1d5: {  	[tilespmem:$0x1FD80] =	vst v14;
	s1 =	spop (v2sf)  }
0x1d6: {  	[tilespmem:$0x1FD90] =	vst v15;
	s15 =	sadd.s32 $0x7F, s1  }
0x1d7: {  	[tilespmem:$0x1FDA0] =	vst v16;
	s23 =	sand.u32 $0x7F, s15  }
0x1d8: {  	[tilespmem:$0x1FDB0] =	vst v17;
	s24 =	sshra.s32 s15, $0x1F;
	p1 =	slt.s32 s15, $0x1;
	p0 =	sne.s32 s23, $0x0  }
0x1d9: {  	[tilespmem:$0x1FDC0] =	vst v18;
	s2 =	sshrl.u32 s24, $0x19;
	p0 =	por !p1, !p0  }
0x1da: {  	[tilespmem:$0x1FDD0] =	vst v19;
	s0 =	sadd.s32 s2, s15;
	s2 =	simm.s32 $0x1;
	p0 =	por !p0, !p0  }
0x1db: {  	[tilespmem:$0x1FDE0] =	vst v20;
	s0 =	sshra.s32 s0, $0x7;
	s2 =	simm.s32 @!p0 $0x0  }
0x1dc: {  	[tilespmem:$0x1FDF0] =	vst v21;
	s2 =	ssub.s32 s0, s2  }
0x1dd: {  	[tilespmem:$0x1FE00] =	vst v22;
	p0 =	sgt.s32 s2, $0x0  }
.Ltmp5:
0x1de: {  	[tilespmem:$0x1FE10] =	vst v23;
	(pc) =	sbr.rel @!p0 .LBB2_8-.Ltmp5, $4  }
0x1df: {  	[tilespmem:s26], [sflag:$0x3] =	stream.linear.gather [hbm4b:s18+s31], $0x4000, $0x38;
	[tilespmem:$0x18280] =	vst v63  }
0x1e0: {  	[tilespmem:$0x1FE20] =	vst v24  }
0x1e1: {  	[tilespmem:s28], [sflag:$0x5] =	stream.linear.gather [hbm4b:s19+s31], $0x4000, $0x38;
	[tilespmem:$0x18280] =	vst v63  }
0x1e2: {  	[tilespmem:$0x1FCB0] =	vst v0  }
0x1e3: {  	v31 =	vadd.f32 v23, v23;
	v33 =	vadd.f32 v24, v24  }
0x1e4: {  	v32 =	vadd.f32 v21, v21;
	v34 =	vadd.f32 v22, v22  }
0x1e5: {  	v35 =	vadd.f32 v20, v20;
	v37 =	vadd.f32 v19, v19  }
0x1e6: {  	v36 =	vadd.f32 v18, v18;
	v38 =	vadd.f32 v17, v17  }
0x1e7: {  	v40 =	vadd.f32 v16, v16;
	v41 =	vadd.f32 v15, v15  }
0x1e8: {  	v42 =	vadd.f32 v14, v14;
	v43 =	vadd.f32 v13, v13  }
0x1e9: {  	v39 =	vadd.f32 v11, v11;
	v44 =	vadd.f32 v10, v10  }
0x1ea: {  	v46 =	vadd.f32 v8, v8;
	v30 =	vadd.f32 v6, v6  }
0x1eb: {  	v45 =	vadd.f32 v5, v5;
	v49 =	vadd.f32 v0, v0  }
0x1ec: {  	v48 =	vadd.f32 v1, v1;
	v27 =	vadd.f32 v2, v2  }
0x1ed: {  	v50 =	vadd.f32 v3, v3;
	v29 =	vadd.f32 v7, v7  }
0x1ee: {  	v47 =	vadd.f32 v9, v9;
	v52 =	vadd.f32 v12, v12;
	p0 =	por $0x0, $0x0;
	s0 =	simm.s32 $0x0;
	v4 =	vimm.f32 $3.000000010e+38;
	[tilespmem:$0x1FCA0] =	vst v46  }
.LBB2_13:
0x1ef: {  	s9 =	sand.u32 $0x1, s0;
	s0 =	sadd.s32 $0x1, s0  }
0x1f0: {  	p1 =	sge.s32 s0, s2  }
0x1f1: {  	s12 =	sshll.u32 @!p1 s0, $0xE  }
0x1f2: {  	s11 =	sand.u32 @!p1 $0x1, s0;
	s12 =	sadd.s32 @!p1 s16, s12  }
0x1f3: {  	s24 =	simm.s32 @!p1 $0x0;
	s13 =	sshll.u32 @!p1 s11, $0xE;
	s12 =	sshrl.u32 @!p1 s12, $0x3  }
0x1f4: {  	s15 =	sadd.s32 @!p1 $0x1, s11;
	s14 =	sor.u32 @!p1 $0x200, s13;
	s23 =	sadd.s32 @!p1 s3, s12  }
0x1f5: {  	[tilespmem:s14], [sflag:s15] =	stream.linear.gather @!p1 [hbm4b:s23+s24], $0x4000, $0x38;
	[tilespmem:$0x18280] =	vst v63  }
0x1f6: {  	s14 =	sor.u32 @!p1 $0x8200, s13  }
0x1f7: {  	s15 =	sadd.s32 @!p1 $0x3, s11;
	s23 =	sadd.s32 @!p1 s4, s12;
	s13 =	sor.u32 @!p1 $0x10200, s13  }
0x1f8: {  	[tilespmem:s14], [sflag:s15] =	stream.linear.gather @!p1 [hbm4b:s23+s24], $0x4000, $0x38;
	[tilespmem:$0x18280] =	vst v63  }
0x1f9: {  	s11 =	sadd.s32 @!p1 $0x5, s11;
	s12 =	sadd.s32 @!p1 s5, s12;
	s15 =	sadd.s32 $0x1, s9  }
0x1fa: {  	[tilespmem:s13], [sflag:s11] =	stream.linear.gather @!p1 [hbm4b:s12+s24], $0x4000, $0x38;
	[tilespmem:$0x18280] =	vst v63  }
0x1fb: {  	s12 =	simm.s32 $0x1;
	_ =	swait.ge [sflag:s15], $0x4000  }
0x1fc: {  	s12 =	simm.s32 @!p0 $0x0;
	[sflag:s15] =	ssyncset.done $0x0  }
0x1fd: {  	s23 =	sadd.s32 $0x3, s9;
	s12 =	sshll.u32 s12, $0xE;
	[sflag:s15] =	ssyncadd.s32 $0xFFFFC000  }
0x1fe: {  	s24 =	sor.u32 $0x10270, s12;
	_ =	swait.ge [sflag:s23], $0x4000  }
0x1ff: {  	v53 =	vmov s24;
	[sflag:s23] =	ssyncset.done $0x0  }
0x200: {  	s9 =	sadd.s32 $0x5, s9;
	s13 =	sor.u32 $0x8240, s12;
	[sflag:s23] =	ssyncadd.s32 $0xFFFFC000  }
0x201: {  	v54 =	vmov s13;
	_ =	swait.ge [sflag:s9], $0x4000  }
0x202: {  	[sflag:s9] =	ssyncset.done $0x0  }
0x203: {  	s14 =	simm.s32 $0x0;
	[sflag:s9] =	ssyncadd.s32 $0xFFFFC000  }
0x204: {  	v0 =	vld.idx.msk [tilespmem:v53+s14+$0x0 ss:$0x1], $0xffff  }
0x205: {  	v2 =	vld.idx.msk [tilespmem:v53+s14+$0xFFFFFFF0 ss:$0x1], $0xffff  }
0x206: {  	s15 =	sor.u32 $0x240, s12;
	v3 =	vld.idx.msk [tilespmem:v54+s14+$0x30 ss:$0x1], $0xffff  }
0x207: {  	v55 =	vmov s15;
	v6 =	vld.idx.msk [tilespmem:v54+s14+$0x10 ss:$0x1], $0xffff  }
0x208: {  	v7 =	vld.idx.msk [tilespmem:v54+s14+$0x0 ss:$0x1], $0xffff  }
0x209: {  	v8 =	vld.idx.msk [tilespmem:v53+s14+$0xFFFFFFB0 ss:$0x1], $0xffff  }
0x20a: {  	v9 =	vld.idx.msk [tilespmem:v53+s14+$0xFFFFFF90 ss:$0x1], $0xffff  }
0x20b: {  	v10 =	vld.idx.msk [tilespmem:v53+s14+$0xFFFFFFC0 ss:$0x1], $0xffff  }
0x20c: {  	v11 =	vld.idx.msk [tilespmem:v55+s14+$0x0 ss:$0x1], $0xffff  }
0x20d: {  	v18 =	vld.idx.msk [tilespmem:v54+s14+$0xFFFFFFD0 ss:$0x1], $0xffff  }
0x20e: {  	v21 =	vld.idx.msk [tilespmem:v54+s14+$0xFFFFFFE0 ss:$0x1], $0xffff  }
0x20f: {  	v57 =	vld.idx.msk [tilespmem:v54+s14+$0xFFFFFFF0 ss:$0x1], $0xffff;
	v14 =	vsub.f32 v0, v52;
	v16 =	vsub.f32 v2, v47  }
0x210: {  	v5 =	vld.idx.msk [tilespmem:v53+s14+$0xFFFFFFD0 ss:$0x1], $0xffff;
	v17 =	vsub.f32 v3, v30;
	v19 =	vsub.f32 v7, v39  }
0x211: {  	v12 =	vld.idx.msk [tilespmem:v55+s14+$0x20 ss:$0x1], $0xffff;
	v20 =	vsub.f32 v9, v45;
	v22 =	vsub.f32 v8, v48  }
0x212: {  	v15 =	vld.idx.msk [tilespmem:v55+s14+$0xFFFFFFF0 ss:$0x1], $0xffff;
	v24 =	vsub.f32 v6, v44;
	v25 =	vsub.f32 v11, v35  }
0x213: {  	v23 =	vld.idx.msk [tilespmem:v55+s14+$0xFFFFFFC0 ss:$0x1], $0xffff;
	v26 =	vsub.f32 v10, v27;
	v59 =	vsub.f32 v18, v41  }
0x214: {  	v13 =	vld.idx.msk [tilespmem:v54+s14+$0xFFFFFFC0 ss:$0x1], $0xffff;
	v60 =	vsub.f32 v21, v42;
	v61 =	vsub.f32 v57, v43  }
0x215: {  	v1 =	vld.idx.msk [tilespmem:v53+s14+$0xFFFFFFE0 ss:$0x1], $0xffff;
	v0 =	vmul.f32 v14, v0;
	v14 =	vsub.f32 v5, v50;
	v9 =	vmul.f32 v20, v9  }
0x216: {  	v56 =	vld.idx.msk [tilespmem:v53+s14+$0xFFFFFFA0 ss:$0x1], $0xffff;
	v7 =	vmul.f32 v19, v7;
	v19 =	vsub.f32 v12, v36;
	v6 =	vmul.f32 v24, v6  }
0x217: {  	v24 =	vsub.f32 v15, v34;
	v10 =	vmul.f32 v26, v10;
	v8 =	vmul.f32 v22, v8  }
0x218: {  	v20 =	vld.idx.msk [tilespmem:v55+s14+$0xFFFFFFE0 ss:$0x1], $0xffff;
	v22 =	vsub.f32 v23, v31;
	v18 =	vmul.f32 v59, v18;
	v57 =	vmul.f32 v61, v57  }
0x219: {  	s23 =	simm.s32 $0x80;
	v26 =	vsub.f32 v13, v40;
	v59 =	vld.idx.msk [tilespmem:v55+s14+$0xFFFFFFD0 ss:$0x1], $0xffff;
	v21 =	vmul.f32 v60, v21;
	v5 =	vmul.f32 v14, v5  }
0x21a: {  	v61 =	vld.idx.msk [tilespmem:v53+s23+$0x0 ss:$0x1], $0xffff;
	v14 =	vsub.f32 v1, v29;
	v9 =	vadd.f32 $0.0e+00, v9;
	v22 =	vmul.f32 v22, v23  }
0x21b: {  	v58 =	vld.idx.msk [tilespmem:v55+s14+$0x10 ss:$0x1], $0xffff;
	v13 =	vmul.f32 v26, v13;
	v26 =	vsub.f32 v56, v49;
	v18 =	vadd.f32 $0.0e+00, v18  }
0x21c: {  	v62 =	vld.idx.msk [tilespmem:v55+s14+$0x30 ss:$0x1], $0xffff;
	v11 =	vmul.f32 v25, v11;
	v8 =	vadd.f32 v8, v9;
	v22 =	vadd.f32 $0.0e+00, v22  }
0x21d: {  	v3 =	vmul.f32 v17, v3;
	v23 =	vld.idx.msk [tilespmem:v54+s14+$0x20 ss:$0x1], $0xffff;
	v13 =	vadd.f32 $0.0e+00, v13;
	v18 =	vadd.f32 v57, v18  }
0x21e: {  	v26 =	vmul.f32 v26, v56;
	v9 =	vsub.f32 v20, v32;
	v60 =	vsub.f32 v59, v33  }
0x21f: {  	v12 =	vmul.f32 v19, v12;
	v25 =	vsub.f32 v61, v52;
	v8 =	vadd.f32 v5, v8  }
0x220: {  	v1 =	vmul.f32 v14, v1;
	v14 =	vld.idx.msk [tilespmem:v55+s23+$0x0 ss:$0x1], $0xffff;
	v13 =	vadd.f32 v21, v13;
	v19 =	vadd.f32 $0.0e+00, v26  }
0x221: {  	v5 =	vld.idx.msk [tilespmem:v53+s23+$0xFFFFFFE0 ss:$0x1], $0xffff;
	v26 =	vsub.f32 v62, v38;
	v6 =	vadd.f32 v6, v18;
	v9 =	vmul.f32 v9, v20  }
0x222: {  	v21 =	vld.idx.msk [tilespmem:v54+s23+$0x30 ss:$0x1], $0xffff;
	v20 =	vsub.f32 v58, v37;
	v51 =	vsub.f32 v23, v46;
	v63 =	vmul.f32 v60, v59  }
0x223: {  	v2 =	vmul.f32 v16, v2;
	v18 =	vld.idx.msk [tilespmem:v54+s23+$0x10 ss:$0x1], $0xffff;
	v10 =	vadd.f32 v10, v19;
	v7 =	vadd.f32 v7, v13  }
0x224: {  	v15 =	vmul.f32 v24, v15;
	v59 =	vld.idx.msk [tilespmem:v53+s23+$0xFFFFFFD0 ss:$0x1], $0xffff;
	v3 =	vadd.f32 v3, v6;
	v24 =	vadd.f32 $0.0e+00, v63  }
0x225: {  	v2 =	vadd.f32 v2, v8;
	v9 =	vadd.f32 v9, v22  }
0x226: {  	v16 =	vld.idx.msk [tilespmem:v54+s23+$0xFFFFFFC0 ss:$0x1], $0xffff;
	v1 =	vadd.f32 v1, v10;
	v13 =	vadd.f32 v15, v24  }
0x227: {  	v19 =	vld.idx.msk [tilespmem:v54+s23+$0x0 ss:$0x1], $0xffff;
	v9 =	vadd.f32 v11, v9;
	v11 =	vsub.f32 v21, v30  }
0x228: {  	v22 =	vld.idx.msk [tilespmem:v53+s23+$0xFFFFFFF0 ss:$0x1], $0xffff;
	v15 =	vmul.f32 v20, v58;
	v56 =	vsub.f32 v18, v44;
	v58 =	vsub.f32 v14, v35  }
0x229: {  	v20 =	vmul.f32 v51, v23;
	v23 =	vld.idx.msk [tilespmem:v53+s23+$0xFFFFFF90 ss:$0x1], $0xffff;
	v60 =	vsub.f32 v5, v29;
	v10 =	vsub.f32 v59, v50  }
0x22a: {  	v17 =	vld.idx.msk [tilespmem:v53+s23+$0xFFFFFFC0 ss:$0x1], $0xffff;
	v0 =	vadd.f32 v0, v1;
	v13 =	vadd.f32 v15, v13  }
0x22b: {  	v57 =	vld.idx.msk [tilespmem:v53+s23+$0xFFFFFFB0 ss:$0x1], $0xffff;
	v7 =	vadd.f32 v20, v7;
	v9 =	vadd.f32 v12, v9  }
0x22c: {  	v12 =	vld.idx.msk [tilespmem:v55+s23+$0x20 ss:$0x1], $0xffff;
	v6 =	vsub.f32 v19, v39;
	v15 =	vmul.f32 v26, v62;
	v20 =	vmul.f32 v25, v61  }
0x22d: {  	v25 =	vld.idx.msk [tilespmem:v55+s23+$0xFFFFFFF0 ss:$0x1], $0xffff;
	v11 =	vmul.f32 v11, v21;
	v62 =	vsub.f32 v16, v40;
	v24 =	vsub.f32 v22, v47  }
0x22e: {  	v21 =	vld.idx.msk [tilespmem:v54+s23+$0xFFFFFFD0 ss:$0x1], $0xffff;
	v8 =	vmul.f32 v56, v18;
	v3 =	vadd.f32 v3, v7;
	v7 =	vsub.f32 v23, v45  }
0x22f: {  	v0 =	vadd.f32 v0, v2;
	v13 =	vadd.f32 v15, v13;
	v15 =	vld.idx.msk [tilespmem:v55+s23+$0xFFFFFFE0 ss:$0x1], $0xffff;
	v2 =	vmul.f32 v62, v16  }
0x230: {  	v26 =	vsub.f32 v57, v48;
	v22 =	vmul.f32 v24, v22;
	v24 =	vld.idx.msk [tilespmem:v54+s23+$0xFFFFFFE0 ss:$0x1], $0xffff;
	v51 =	vmul.f32 v7, v23  }
0x231: {  	v6 =	vmul.f32 v6, v19;
	v19 =	vsub.f32 v17, v27;
	v9 =	vadd.f32 v13, v9;
	v7 =	vld.idx.msk [tilespmem:v55+s23+$0xFFFFFFC0 ss:$0x1], $0xffff  }
0x232: {  	v10 =	vmul.f32 v10, v59;
	v2 =	vadd.f32 $0.0e+00, v2;
	v1 =	vadd.f32 $0.0e+00, v51;
	v51 =	vld.idx.msk [tilespmem:v54+s23+$0xFFFFFFF0 ss:$0x1], $0xffff  }
0x233: {  	v59 =	vld.idx.msk [tilespmem:v53+s23+$0xFFFFFFA0 ss:$0x1], $0xffff;
	v26 =	vmul.f32 v26, v57;
	v23 =	vsub.f32 v12, v36;
	v56 =	vsub.f32 v21, v41  }
0x234: {  	v57 =	vld.idx.msk [tilespmem:v55+s23+$0x10 ss:$0x1], $0xffff;
	v17 =	vmul.f32 v19, v17;
	v18 =	vsub.f32 v25, v34;
	v3 =	vadd.f32 v3, v9  }
0x235: {  	v21 =	vmul.f32 v56, v21;
	v63 =	vsub.f32 v15, v32;
	v19 =	vsub.f32 v24, v42  }
0x236: {  	v18 =	vmul.f32 v18, v25;
	v1 =	vadd.f32 v26, v1;
	v26 =	vld.idx.msk [tilespmem:v55+s23+$0xFFFFFFD0 ss:$0x1], $0xffff;
	v13 =	vsub.f32 v7, v31  }
0x237: {  	v9 =	vld.idx.msk [tilespmem:v54+s23+$0x20 ss:$0x1], $0xffff;
	v0 =	vadd.f32 v0, v3;
	v15 =	vmul.f32 v63, v15;
	v16 =	vsub.f32 v51, v43  }
0x238: {  	s24 =	simm.s32 $0x100;
	v61 =	vld.idx.msk [tilespmem:v55+s23+$0x30 ss:$0x1], $0xffff;
	v21 =	vadd.f32 $0.0e+00, v21;
	v1 =	vadd.f32 v10, v1;
	v7 =	vmul.f32 v13, v7  }
0x239: {  	v56 =	vld.idx.msk [tilespmem:v53+s24+$0xFFFFFFE0 ss:$0x1], $0xffff;
	v10 =	vsub.f32 v57, v37;
	v13 =	vsub.f32 v59, v49;
	v16 =	vmul.f32 v16, v51  }
0x23a: {  	v25 =	vld.idx.msk [tilespmem:v53+s24+$0xFFFFFFD0 ss:$0x1], $0xffff;
	v1 =	vadd.f32 v22, v1;
	v3 =	vadd.f32 $0.0e+00, v7;
	v7 =	vmul.f32 v19, v24  }
0x23b: {  	v63 =	vld.idx.msk [tilespmem:v55+s24+$0xFFFFFFF0 ss:$0x1], $0xffff;
	v24 =	vsub.f32 v26, v33;
	v13 =	vmul.f32 v13, v59;
	v16 =	vadd.f32 v16, v21  }
0x23c: {  	v19 =	vld.idx.msk [tilespmem:v53+s24+$0x0 ss:$0x1], $0xffff;
	v21 =	vperm.xlane v0, v28;
	v3 =	vadd.f32 v15, v3;
	v15 =	vsub.f32 v9, v46  }
0x23d: {  	v14 =	vmul.f32 v58, v14;
	v2 =	vadd.f32 v7, v2;
	v7 =	vld.idx.msk [tilespmem:v53+s24+$0xFFFFFFF0 ss:$0x1], $0xffff;
	v13 =	vadd.f32 $0.0e+00, v13  }
0x23e: {  	v0 =	vadd.f32 v0, v21;
	v21 =	vmul.f32 v24, v26;
	v24 =	vld.idx.msk [tilespmem:v54+s24+$0x30 ss:$0x1], $0xffff;
	v26 =	vsub.f32 v61, v38  }
0x23f: {  	v12 =	vmul.f32 v23, v12;
	v8 =	vadd.f32 v8, v16;
	v16 =	vld [tilespmem:$0x1FFC0];
	v13 =	vadd.f32 v17, v13  }
0x240: {  	v9 =	vmul.f32 v15, v9;
	v15 =	vld.idx.msk [tilespmem:v54+s24+$0x0 ss:$0x1], $0xffff;
	v2 =	vadd.f32 v6, v2;
	v3 =	vadd.f32 v14, v3  }
0x241: {  	v5 =	vmul.f32 v60, v5;
	v6 =	vld.idx.msk [tilespmem:v53+s24+$0xFFFFFFB0 ss:$0x1], $0xffff;
	v17 =	vsub.f32 v19, v52;
	v21 =	vadd.f32 $0.0e+00, v21  }
0x242: {  	v10 =	vmul.f32 v10, v57;
	v14 =	vld.idx.msk [tilespmem:v54+s24+$0x10 ss:$0x1], $0xffff;
	v2 =	vadd.f32 v9, v2;
	v3 =	vadd.f32 v12, v3  }
0x243: {  	v9 =	vmul.f32 v26, v61;
	v8 =	vadd.f32 v11, v8;
	v11 =	vld [tilespmem:$0x1FFD0];
	v5 =	vadd.f32 v5, v13  }
0x244: {  	v26 =	vld.idx.msk [tilespmem:v53+s24+$0xFFFFFFC0 ss:$0x1], $0xffff;
	v59 =	vmul.f32 v17, v19;
	v17 =	vsub.f32 v25, v50;
	v18 =	vadd.f32 v18, v21  }
0x245: {  	v21 =	vld.idx.msk [tilespmem:v53+s24+$0xFFFFFF90 ss:$0x1], $0xffff;
	v2 =	vadd.f32 v8, v2;
	v16 =	vperm.xlane v0, v16;
	v23 =	vsub.f32 v24, v30  }
0x246: {  	v46 =	vld [tilespmem:$0x1FFF0];
	v12 =	vsub.f32 v15, v39;
	v10 =	vadd.f32 v10, v18  }
0x247: {  	v51 =	vmov v29;
	v61 =	vld.idx.msk [tilespmem:v55+s24+$0x0 ss:$0x1], $0xffff;
	v0 =	vadd.f32 v0, v16;
	v16 =	vsub.f32 v7, v47  }
0x248: {  	v18 =	vld.idx.msk [tilespmem:v55+s24+$0x20 ss:$0x1], $0xffff;
	v58 =	vmul.f32 v23, v24;
	v23 =	vsub.f32 v6, v48;
	v62 =	vmul.f32 v12, v15  }
0x249: {  	v13 =	vld.idx.msk [tilespmem:v54+s24+$0xFFFFFFE0 ss:$0x1], $0xffff;
	v12 =	vsub.f32 v26, v27;
	v10 =	vadd.f32 v9, v10;
	v11 =	vperm.xlane v0, v11  }
0x24a: {  	v8 =	vsub.f32 v21, v45;
	v57 =	vmul.f32 v16, v7;
	v16 =	vld.idx.msk [tilespmem:v54+s24+$0xFFFFFFD0 ss:$0x1], $0xffff;
	v7 =	vsub.f32 v14, v44  }
0x24b: {  	v19 =	vld.idx.msk [tilespmem:v54+s24+$0xFFFFFFC0 ss:$0x1], $0xffff;
	v17 =	vmul.f32 v17, v25;
	v3 =	vadd.f32 v10, v3;
	v60 =	vadd.f32 v0, v11  }
0x24c: {  	v15 =	vld.idx.msk [tilespmem:v55+s24+$0xFFFFFFC0 ss:$0x1], $0xffff;
	v11 =	vsub.f32 v61, v35;
	v0 =	vadd.f32 v20, v5;
	v5 =	vmul.f32 v8, v21  }
0x24d: {  	v12 =	vmul.f32 v12, v26;
	v20 =	vsub.f32 v18, v36;
	v8 =	vsub.f32 v56, v51;
	v21 =	vld.idx.msk [tilespmem:v55+s24+$0xFFFFFFE0 ss:$0x1], $0xffff  }
0x24e: {  	v22 =	vld.idx.msk [tilespmem:v53+s24+$0xFFFFFFA0 ss:$0x1], $0xffff;
	v23 =	vmul.f32 v23, v6;
	v2 =	vadd.f32 v2, v3;
	v5 =	vadd.f32 $0.0e+00, v5  }
0x24f: {  	v9 =	vmul.f32 v7, v14;
	v0 =	vadd.f32 v0, v1;
	v1 =	vld.idx.msk [tilespmem:v54+s24+$0xFFFFFFF0 ss:$0x1], $0xffff;
	v14 =	vsub.f32 v16, v41  }
0x250: {  	v7 =	vperm.xlane v60, v46;
	v10 =	vmul.f32 v20, v18;
	v18 =	vsub.f32 v19, v40  }
0x251: {  	v6 =	vld.idx.msk [tilespmem:v55+s24+$0x10 ss:$0x1], $0xffff;
	v20 =	vsub.f32 v13, v42;
	v24 =	vmul.f32 v14, v16;
	v16 =	vsub.f32 v15, v31  }
0x252: {  	v5 =	vadd.f32 v23, v5;
	v23 =	vmul.f32 v18, v19;
	v3 =	vsub.f32 v21, v32  }
0x253: {  	v29 =	vmovc v27;
	v18 =	vadd.f32 v0, v2;
	v27 =	vmul.f32 v16, v15;
	v15 =	vsub.f32 v22, v49  }
0x254: {  	p6 =	sge.s32 s31, s1;
	s9 =	sadd.s32 $0x1, s31;
	v19 =	vld.idx.msk [tilespmem:v55+s24+$0xFFFFFFD0 ss:$0x1], $0xffff;
	v14 =	vsub.f32 v63, v34;
	v21 =	vmul.f32 v3, v21;
	v3 =	vsub.f32 v1, v43  }
0x255: {  	p1 =	por p6, p6;
	p3 =	sge.s32 s9, s1;
	v5 =	vadd.f32 v17, v5;
	v17 =	vld.idx.msk [tilespmem:v55+s24+$0x30 ss:$0x1], $0xffff;
	v25 =	vadd.f32 $0.0e+00, v24;
	v22 =	vmul.f32 v15, v22  }
0x256: {  	p2 =	por p1, p1;
	s13 =	simm.s32 $0x600;
	p1 =	por p3, p3;
	v16 =	vld.idx.msk [tilespmem:v54+s24+$0x20 ss:$0x1], $0xffff;
	v15 =	vsub.f32 v6, v37;
	v26 =	vmul.f32 v3, v1;
	v24 =	vadd.f32 $0.0e+00, v27  }
.LBB2_14:
0x257: {  	s12 =	sshra.s32 s13, $0x2;
	v2 =	vld [tilespmem:$0x1FCA0]  }
0x258: {  	v0 =	vadd.f32 $0.0e+00, v23;
	v3 =	vld.idx.msk [tilespmem:v53+s12+$0x0 ss:$0x1], $0xffff  }
0x259: {  	s11 =	smov.u32 s13;
	v1 =	vmul.f32 v20, v13;
	v20 =	vadd.f32 v26, v25;
	v25 =	vld.idx.msk [tilespmem:v53+s12+$0xFFFFFFE0 ss:$0x1], $0xffff;
	v21 =	vadd.f32 v21, v24  }
0x25a: {  	p3 =	seq.s32 s13, $0xFE00;
	s11 =	sadd.s32 $0x200, s13;
	v11 =	vmul.f32 v11, v61;
	v7 =	vadd.f32 v60, v7;
	v24 =	vld.idx.msk [tilespmem:v54+s12+$0x10 ss:$0x1], $0xffff;
	s13 =	simm.f32 $3.000000010e+38;
	v5 =	vadd.f32 v57, v5  }
0x25b: {  	v14 =	vmul.f32 v14, v63;
	v61 =	vld.idx.msk [tilespmem:v55+s12+$0x0 ss:$0x1], $0xffff;
	s13 =	simm.s32 @!p2 $0x0;
	v0 =	vadd.f32 v1, v0;
	v9 =	vadd.f32 v9, v20  }
0x25c: {  	v8 =	vmul.f32 v8, v56;
	v20 =	vld [tilespmem:$0x1FFC0];
	v7 =	vadd.f32 s13, v7;
	v11 =	vadd.f32 v11, v21  }
0x25d: {  	v1 =	vld.idx.msk [tilespmem:v53+s12+$0xFFFFFFF0 ss:$0x1], $0xffff;
	v13 =	vsub.f32 v19, v33;
	v23 =	vperm.xlane v18, v28;
	v2 =	vsub.f32 v16, v2  }
0x25e: {  	v6 =	vmul.f32 v15, v6;
	v15 =	vld.idx.msk [tilespmem:v53+s12+$0xFFFFFFC0 ss:$0x1], $0xffff;
	v0 =	vadd.f32 v62, v0;
	v10 =	vadd.f32 v10, v11  }
0x25f: {  	v21 =	vld [tilespmem:$0x1FFD0];
	v18 =	vadd.f32 v18, v23;
	v13 =	vmul.f32 v13, v19;
	v19 =	vsub.f32 v17, v38  }
0x260: {  	v23 =	vld.idx.msk [tilespmem:v53+s12+$0xFFFFFFD0 ss:$0x1], $0xffff;
	v26 =	vsub.f32 v3, v52;
	v2 =	vmul.f32 v2, v16;
	v16 =	vadd.f32 $0.0e+00, v22  }
0x261: {  	v11 =	vsub.f32 v61, v35;
	v22 =	vld.idx.msk [tilespmem:v54+s12+$0x30 ss:$0x1], $0xffff;
	v20 =	vperm.xlane v18, v20;
	v13 =	vadd.f32 $0.0e+00, v13  }
0x262: {  	v56 =	vmov v25;
	v25 =	vsub.f32 v1, v47;
	v12 =	vadd.f32 v12, v16;
	v16 =	vld.idx.msk [tilespmem:v54+s12+$0x0 ss:$0x1], $0xffff  }
0x263: {  	v63 =	vld.idx.msk [tilespmem:v55+s12+$0xFFFFFFF0 ss:$0x1], $0xffff;
	v4 =	vmin.f32 v4, v7;
	v0 =	vadd.f32 v2, v0;
	v18 =	vadd.f32 v18, v20  }
0x264: {  	v3 =	vmul.f32 v26, v3;
	v2 =	vld.idx.msk [tilespmem:v55+s12+$0x20 ss:$0x1], $0xffff;
	v13 =	vadd.f32 v14, v13;
	v8 =	vadd.f32 v8, v12  }
0x265: {  	v20 =	vld.idx.msk [tilespmem:v53+s12+$0xFFFFFF90 ss:$0x1], $0xffff;
	v1 =	vmul.f32 v25, v1;
	v7 =	vsub.f32 v23, v50;
	v12 =	vsub.f32 v24, v44  }
0x266: {  	v25 =	vld.idx.msk [tilespmem:v54+s12+$0xFFFFFFD0 ss:$0x1], $0xffff;
	v21 =	vperm.xlane v18, v21;
	v26 =	vadd.f32 v6, v13;
	v6 =	vadd.f32 v58, v9  }
0x267: {  	v17 =	vmul.f32 v19, v17;
	v19 =	vld.idx.msk [tilespmem:v53+s12+$0xFFFFFFB0 ss:$0x1], $0xffff;
	v14 =	vsub.f32 v22, v30;
	v9 =	vsub.f32 v16, v39  }
0x268: {  	v28 =	vld.idx.msk [tilespmem:v53+s12+$0xFFFFFFA0 ss:$0x1], $0xffff;
	v0 =	vadd.f32 v6, v0;
	v60 =	vadd.f32 v18, v21  }
0x269: {  	v13 =	vld.idx.msk [tilespmem:v54+s12+$0xFFFFFFE0 ss:$0x1], $0xffff;
	v27 =	vmul.f32 v7, v23;
	v18 =	vadd.f32 v59, v8;
	v23 =	vsub.f32 v2, v36  }
0x26a: {  	v21 =	vld.idx.msk [tilespmem:v55+s12+$0xFFFFFFC0 ss:$0x1], $0xffff;
	v17 =	vadd.f32 v17, v26;
	v8 =	vsub.f32 v56, v51  }
0x26b: {  	v57 =	vmovc v1;
	v1 =	vsub.f32 v25, v41;
	v62 =	vmul.f32 v9, v16;
	v9 =	vsub.f32 v20, v45  }
0x26c: {  	v58 =	vmul.f32 v14, v22;
	v22 =	vld.idx.msk [tilespmem:v54+s12+$0xFFFFFFC0 ss:$0x1], $0xffff;
	v16 =	vsub.f32 v19, v48;
	v18 =	vadd.f32 v18, v5  }
0x26d: {  	v5 =	vadd.f32 v17, v10;
	v14 =	vmul.f32 v9, v20;
	v9 =	vmul.f32 v12, v24;
	v24 =	vld.idx.msk [tilespmem:v55+s12+$0xFFFFFFE0 ss:$0x1], $0xffff  }
0x26e: {  	v6 =	vld.idx.msk [tilespmem:v55+s12+$0x10 ss:$0x1], $0xffff;
	v59 =	vmov v3;
	v12 =	vsub.f32 v15, v29;
	v20 =	vsub.f32 v13, v42  }
0x26f: {  	v3 =	vld.idx.msk [tilespmem:v54+s12+$0xFFFFFFF0 ss:$0x1], $0xffff;
	v10 =	vmul.f32 v23, v2;
	v0 =	vadd.f32 v0, v5;
	v17 =	vsub.f32 v21, v31  }
0x270: {  	v19 =	vmul.f32 v16, v19;
	v26 =	vadd.f32 $0.0e+00, v14;
	v14 =	vsub.f32 v63, v34  }
0x271: {  	v12 =	vmul.f32 v12, v15;
	v15 =	vsub.f32 v22, v40;
	v18 =	vadd.f32 v18, v0  }
.Ltmp6:
0x272: {  	v1 =	vmul.f32 v1, v25;
	v25 =	vadd.f32 v19, v26;
	v26 =	vsub.f32 v24, v32;
	(pc) =	sbr.rel @!p3 .LBB2_14-.Ltmp6, $4  }
0x273: {  	v16 =	vld.idx.msk [tilespmem:v54+s12+$0x20 ss:$0x1], $0xffff;
	v2 =	vmul.f32 v17, v21;
	v23 =	vmul.f32 v15, v22;
	v22 =	vsub.f32 v28, v49  }
0x274: {  	s9 =	sadd.s32 $0x1, s9;
	v17 =	vld.idx.msk [tilespmem:v55+s12+$0x30 ss:$0x1], $0xffff;
	v15 =	vsub.f32 v6, v37;
	v21 =	vmul.f32 v26, v24;
	v26 =	vsub.f32 v3, v43  }
0x275: {  	p4 =	sge.s32 s9, s1;
	v7 =	vperm.xlane v60, v46;
	v19 =	vld.idx.msk [tilespmem:v55+s12+$0xFFFFFFD0 ss:$0x1], $0xffff;
	v5 =	vadd.f32 v27, v25;
	v25 =	vadd.f32 $0.0e+00, v1  }
0x276: {  	p2 =	por p1, p1;
	p1 =	por p4, p4;
	s13 =	smov.u32 s11;
	v22 =	vmul.f32 v22, v28;
	v28 =	vld [tilespmem:$0x1FFE0];
	v24 =	vadd.f32 $0.0e+00, v2;
	v26 =	vmul.f32 v26, v3  }
0x277: {  	_ =	sdelay $0x2  }
0x278: {  	v3 =	vld [tilespmem:$0x1FCA0];
	v0 =	vsub.f32 v19, v33  }
0x279: {  	v1 =	vadd.f32 $0.0e+00, v23;
	v2 =	vmul.f32 v20, v13  }
0x27a: {  	v53 =	vadd.f32 v26, v25;
	v54 =	vadd.f32 $0.0e+00, v22;
	v0 =	vmul.f32 v0, v19  }
0x27b: {  	v11 =	vmul.f32 v11, v61;
	v1 =	vadd.f32 v2, v1;
	v55 =	vsub.f32 v17, v38  }
0x27c: {  	v14 =	vmul.f32 v14, v63;
	v9 =	vadd.f32 v9, v53;
	v0 =	vadd.f32 $0.0e+00, v0  }
0x27d: {  	v8 =	vmul.f32 v8, v56;
	v2 =	vadd.f32 v12, v54;
	v20 =	vmovc v3;
	v3 =	vsub.f32 v16, v3  }
0x27e: {  	v6 =	vmul.f32 v15, v6;
	v19 =	vadd.f32 v21, v24;
	v0 =	vadd.f32 v14, v0  }
0x27f: {  	v1 =	vadd.f32 v62, v1;
	v2 =	vadd.f32 v8, v2;
	v3 =	vmul.f32 v3, v16  }
0x280: {  	v56 =	vmul.f32 v55, v17;
	v11 =	vadd.f32 v11, v19;
	v0 =	vadd.f32 v6, v0  }
0x281: {  	v1 =	vadd.f32 v3, v1;
	v3 =	vadd.f32 v58, v9  }
0x282: {  	v6 =	vadd.f32 v10, v11;
	v0 =	vadd.f32 v56, v0  }
0x283: {  	v2 =	vadd.f32 v59, v2;
	v1 =	vadd.f32 v3, v1  }
0x284: {  	v3 =	vadd.f32 v57, v5;
	v0 =	vadd.f32 v0, v6;
	_ =	sdelay $0x1  }
0x285: {  	v2 =	vadd.f32 v2, v3;
	v0 =	vadd.f32 v1, v0;
	_ =	sdelay $0x1  }
0x286: {  	v0 =	vadd.f32 v2, v0  }
0x287: {  	v3 =	vld [tilespmem:$0x1FFC0]  }
0x288: {  	v61 =	vperm.xlane v18, v28;
	v2 =	vperm.xlane v0, v28;
	_ =	sdelay $0x1  }
0x289: {  	v1 =	vadd.f32 v18, v61;
	v0 =	vadd.f32 v0, v2;
	_ =	sdelay $0x1  }
0x28a: {  	v62 =	vperm.xlane v1, v3;
	v3 =	vperm.xlane v0, v3;
	_ =	sdelay $0x1  }
0x28b: {  	v0 =	vadd.f32 v0, v3;
	v3 =	vld [tilespmem:$0x1FFD0];
	_ =	sdelay $0x2  }
0x28c: {  	v1 =	vadd.f32 v1, v62;
	_ =	sdelay $0x1  }
0x28d: {  	v2 =	vperm.xlane v1, v3  }
0x28e: {  	v3 =	vperm.xlane v0, v3  }
0x28f: {  	v1 =	vadd.f32 v1, v2  }
0x290: {  	v0 =	vadd.f32 v0, v3  }
0x291: {  	s9 =	sadd.s32 $0x1, s9;
	v2 =	vperm.xlane v1, v46  }
0x292: {  	s11 =	simm.f32 $3.000000010e+38;
	p1 =	por p1, p1;
	p3 =	sge.s32 s9, s1;
	v3 =	vadd.f32 v60, v7;
	v5 =	vperm.xlane v0, v46  }
0x293: {  	s11 =	simm.s32 @!p2 $0x0;
	s9 =	simm.f32 $3.000000010e+38;
	p6 =	por p3, p3;
	v1 =	vadd.f32 v1, v2  }
0x294: {  	s9 =	simm.s32 @!p1 $0x0;
	p1 =	por p6, p6;
	v63 =	vadd.f32 s11, v3;
	s11 =	simm.f32 $3.000000010e+38;
	v0 =	vadd.f32 v0, v5  }
0x295: {  	s11 =	simm.s32 @!p1 $0x0;
	v1 =	vadd.f32 s9, v1  }
0x296: {  	v2 =	vmin.f32 v4, v63;
	v0 =	vadd.f32 s11, v0  }
0x297: {  	v1 =	vmin.f32 v2, v1  }
0x298: {  	v4 =	vmin.f32 v1, v0  }
0x299: {  	p1 =	seq.s32 s0, s2  }
.Ltmp7:
0x29a: {  	_ = 	snop;
	(pc) =	sbr.rel @!p1 .LBB2_13-.Ltmp7, $4  }
.Ltmp8:
0x29b: {  	_ = 	snop;
	(pc) =	sbr.rel @p1 .LBB2_9-.Ltmp8, $4  }
0x29c: {  	_ = 	snop  }
0x29d: {  	_ = 	snop  }
0x29e: {  	s31 =	sadd.s32 $0x80, s31;
	p0 =	por !p0, !p0;
	v46 =	vmov v20;
	v27 =	vmov v29;
	v29 =	vmov v51  }
0x29f: {  	_ = 	snop  }
.LBB2_10:
0x2a0: {  	_ =	sfence.sel $0x180000  }
0x2a1: {  	[bflag:$0x0] =	sbarrier.arrive $0xFFFF  }
0x2a2: {  	_ =	strace $0x90000047  }
0x2a3: {  	s0 =	stileid.u32;
	[bflag:$0x2] =	sbarrier.arrive $0xFFFF  }
0x2a4: {  	p0 =	sne.s32 s0, $0x0;
	s0 =	rddreg [dreg:$0x5]  }
0x2a5: {  	s0 =	sadd.s32 @!p0 $0x100000, s0  }
0x2a6: {  	[sflag:s0] =	ssyncadd.tile.s32 @!p0 $0x1;
	_ =	shalt  }
.Lfunc_end2:
_tile_overlayer_lowered:
.L_overlay_start_2:
0x2a7: {  	(tag) =	ssettag $0x2  }
0x2a8: {  	s0 =	rddreg [dreg:$0x0];
	s2 =	stileid.u32  }
0x2a9: {  	s1 =	rddreg [dreg:$0x1];
	p0 =	sne.s32 s2, $0x0  }
0x2aa: {  	s3 =	rddreg [dreg:$0x2];
	[bflag:$0x3] =	sbarrier.arrive $0xFFFF;
	s2 =	simm.s32 @!p0 $0x1C07  }
0x2ab: {  	[timem:s3], [sflag:s2] =	dma.local @!p0 [hbm:s0], s1  }
0x2ac: {  	s0 =	simm.s32 @!p0 $0x7  }
0x2ad: {  	_ =	swait.ge @!p0 [sflag:s0], s1  }
0x2ae: {  	s1 =	ssub.s32 @!p0 $0x0, s1;
	[sflag:s0] =	ssyncset.done @!p0 $0x0  }
0x2af: {  	[sflag:s0] =	ssyncadd.s32 @!p0 s1  }
0x2b0: {  	[bflag:$0x3] =	sbarrier.arrive $0xFFFF  }
0x2b1: {  	_ =	shalt  }

</sc_bundles>
